<compile_context>
chip_gen: v7x
topology: tpu7x:2x2x1
jax: 0.10.2.dev20260603
libtpu: 0.0.44.dev20260713+nightly
codegen_flags: <defaults>
</compile_context>

<pallas_src>
import functools

import jax
import jax.numpy as jnp
from jax import lax
from jax.experimental import pallas as pl
from jax.experimental.pallas import tpu as pltpu
from jax.experimental.pallas import tpu_sc as plsc

N = 16384
D_IN = 1024
D = 512
G = 4
M = N // G
L = 16
BL = 512
BK = 8192


def _dense_body(x_ref, w1_ref, v_ref, wvt_ref, wct_ref,
                proj_ref, s_ref, dc_ref):
    p = jnp.maximum(
        jnp.dot(x_ref[...], w1_ref[...], preferred_element_type=jnp.float32),
        0.0)
    proj_ref[...] = p.astype(jnp.bfloat16)
    t = jnp.tanh(jnp.dot(p, v_ref[...], preferred_element_type=jnp.float32))
    s_ref[...] = jnp.sum(t * wvt_ref[...], axis=1)
    dc_ref[...] = jnp.sum(p * wct_ref[...], axis=1)


def _dense_pass(tfeat, W1, V, WvT, WcT):
    return pl.pallas_call(
        _dense_body,
        grid=(N // BL,),
        in_specs=[
            pl.BlockSpec((BL, D_IN), lambda i: (i, 0)),
            pl.BlockSpec((D_IN, D), lambda i: (0, 0)),
            pl.BlockSpec((D, D), lambda i: (0, 0)),
            pl.BlockSpec((1, D), lambda i: (0, 0)),
            pl.BlockSpec((1, D), lambda i: (0, 0)),
        ],
        out_specs=[
            pl.BlockSpec((BL, D), lambda i: (i, 0)),
            pl.BlockSpec((BL,), lambda i: (i,)),
            pl.BlockSpec((BL,), lambda i: (i,)),
        ],
        out_shape=[
            jax.ShapeDtypeStruct((N, D), jnp.bfloat16),
            jax.ShapeDtypeStruct((N,), jnp.float32),
            jax.ShapeDtypeStruct((N,), jnp.float32),
        ],
    )(tfeat, W1, V, WvT, WcT)


def _lane_gather(x, perm):
    return lax.gather(
        x, perm[:, None],
        dimension_numbers=lax.GatherDimensionNumbers(
            offset_dims=(), collapsed_slice_dims=(0,), start_index_map=(0,)),
        slice_sizes=(1,),
        mode=lax.GatherScatterMode.PROMISE_IN_BOUNDS)


def _butterfly(x, op):
    lanes = lax.iota(jnp.int32, L)
    for sh in (8, 4, 2, 1):
        x = op(x, _lane_gather(x, (lanes + sh) % L))
    return x


def _bmax(x):
    return _butterfly(x, jnp.maximum)


def _bmin(x):
    return _butterfly(x, jnp.minimum)


def _bsum(x):
    return _butterfly(x, lax.add)


WPG = 8
B = M // WPG
BCH = B // L
NSUB = 16


def _sc_body(idx0_hbm, idx1_hbm, idx2_hbm, idx3_hbm, s_hbm, dc_hbm,
             w_hbm, ids_hbm,
             idx_v, s_v, dc_v, e_v, zero_v, stg_v, stg_i, comb_v, comb_i,
             w0_sh, w1_sh, red_max, red_sum,
             red_dmax, red_rmax, red_dmin, red_rmin, sem):
    c = lax.axis_index("c")
    s = lax.axis_index("s")
    g = 2 * c + s // WPG
    slot = s % WPG
    grow = s // WPG
    base = grow * WPG * L

    def zb(j, carry):
        zero_v[pl.ds(j * L, L)] = jnp.zeros((L,), jnp.float32)
        return carry
    lax.fori_loop(0, (N // NSUB) // L, zb, 0, unroll=8)
    pltpu.sync_copy(zero_v, w0_sh.at[pl.ds(s * (N // NSUB), N // NSUB)])
    pltpu.sync_copy(zero_v, w1_sh.at[pl.ds(s * (N // NSUB), N // NSUB)])

    for gi, ref in enumerate((idx0_hbm, idx1_hbm, idx2_hbm, idx3_hbm)):
        @pl.when(g == gi)
        def _(ref=ref):
            pltpu.sync_copy(ref.at[pl.ds(slot * B, B)], idx_v)
    cp_s = pltpu.async_copy(s_hbm.at[idx_v], s_v, sem)
    cp_dc = pltpu.async_copy(dc_hbm.at[idx_v], dc_v, sem)
    cp_s.wait()
    cp_dc.wait()

    def maxbody(j, mx):
        return jnp.maximum(mx, s_v[pl.ds(j * L, L)])
    lmx = lax.fori_loop(0, BCH, maxbody,
                        jnp.full((L,), -jnp.inf, jnp.float32), unroll=8)
    stg_v[...] = lmx
    pltpu.sync_copy(stg_v, red_max.at[pl.ds(s * L, L)])
    plsc.subcore_barrier()
    pltpu.sync_copy(red_max.at[pl.ds(base, WPG * L)], comb_v)
    mxv = comb_v[pl.ds(0, L)]
    for i in range(1, WPG):
        mxv = jnp.maximum(mxv, comb_v[pl.ds(i * L, L)])
    mx = _bmax(mxv)

    def expbody(j, acc):
        e = jnp.exp(s_v[pl.ds(j * L, L)] - mx)
        e_v[pl.ds(j * L, L)] = e
        return acc + e
    lsum = lax.fori_loop(0, BCH, expbody, jnp.zeros((L,), jnp.float32),
                         unroll=8)
    stg_v[...] = lsum
    pltpu.sync_copy(stg_v, red_sum.at[pl.ds(s * L, L)])
    plsc.subcore_barrier()
    pltpu.sync_copy(red_sum.at[pl.ds(base, WPG * L)], comb_v)
    zv = comb_v[pl.ds(0, L)]
    for i in range(1, WPG):
        zv = zv + comb_v[pl.ds(i * L, L)]
    inv_z = 1.0 / _bsum(zv)

    def selbody(j, carry):
        bmaxd, bmaxr, bmind, bminr = carry
        idxc = idx_v[pl.ds(j * L, L)]
        a = e_v[pl.ds(j * L, L)] * inv_z
        e_v[pl.ds(j * L, L)] = a
        d = a * dc_v[pl.ds(j * L, L)]
        upmax = d > bmaxd
        upmin = d <= bmind
        return (jnp.where(upmax, d, bmaxd), jnp.where(upmax, idxc, bmaxr),
                jnp.where(upmin, d, bmind), jnp.where(upmin, idxc, bminr))

    init = (jnp.full((L,), -jnp.inf, jnp.float32),
            jnp.zeros((L,), jnp.int32),
            jnp.full((L,), jnp.inf, jnp.float32),
            jnp.zeros((L,), jnp.int32))
    bmaxd, bmaxr, bmind, bminr = lax.fori_loop(0, BCH, selbody, init,
                                               unroll=8)
    stg_v[...] = bmaxd
    pltpu.sync_copy(stg_v, red_dmax.at[pl.ds(s * L, L)])
    stg_i[...] = bmaxr
    pltpu.sync_copy(stg_i, red_rmax.at[pl.ds(s * L, L)])
    stg_v[...] = bmind
    pltpu.sync_copy(stg_v, red_dmin.at[pl.ds(s * L, L)])
    stg_i[...] = bminr
    pltpu.sync_copy(stg_i, red_rmin.at[pl.ds(s * L, L)])

    @pl.when(grow == 0)
    def _():
        pltpu.sync_copy(e_v, w0_sh.at[idx_v], add=True)

    @pl.when(grow == 1)
    def _():
        pltpu.sync_copy(e_v, w1_sh.at[idx_v], add=True)

    plsc.subcore_barrier()

    @pl.when(slot == 0)
    def _():
        pltpu.sync_copy(red_dmax.at[pl.ds(base, WPG * L)], comb_v)
        pltpu.sync_copy(red_rmax.at[pl.ds(base, WPG * L)], comb_i)
        bd = comb_v[pl.ds(0, L)]
        br = comb_i[pl.ds(0, L)]
        for i in range(1, WPG):
            di = comb_v[pl.ds(i * L, L)]
            ri = comb_i[pl.ds(i * L, L)]
            up = di > bd
            bd = jnp.where(up, di, bd)
            br = jnp.where(up, ri, br)
        dM = _bmax(bd)
        rmax = _bmax(jnp.where(bd == dM, br, 0))

        pltpu.sync_copy(red_dmin.at[pl.ds(base, WPG * L)], comb_v)
        pltpu.sync_copy(red_rmin.at[pl.ds(base, WPG * L)], comb_i)
        bd2 = comb_v[pl.ds(0, L)]
        br2 = comb_i[pl.ds(0, L)]
        for i in range(1, WPG):
            di = comb_v[pl.ds(i * L, L)]
            ri = comb_i[pl.ds(i * L, L)]
            up = di <= bd2
            bd2 = jnp.where(up, di, bd2)
            br2 = jnp.where(up, ri, br2)
        dm = _bmin(bd2)
        rmin = _bmax(jnp.where(bd2 == dm, br2, 0))

        lanes = lax.iota(jnp.int32, L)
        iv = jnp.where(lanes == 0, rmax, rmin)
        stg_i[...] = iv
        pltpu.sync_copy(stg_i, ids_hbm.at[g])

    CW = N // WPG

    @pl.when(grow == 0)
    def _():
        pltpu.sync_copy(w0_sh.at[pl.ds(slot * CW, CW)],
                        w_hbm.at[g, pl.ds(slot * CW, CW)])

    @pl.when(grow == 1)
    def _():
        pltpu.sync_copy(w1_sh.at[pl.ds(slot * CW, CW)],
                        w_hbm.at[g, pl.ds(slot * CW, CW)])


@functools.lru_cache(maxsize=1)
def _sc_call():
    return pl.kernel(
        _sc_body,
        out_type=[
            jax.ShapeDtypeStruct((G, N), jnp.float32),
            jax.ShapeDtypeStruct((G, L), jnp.int32),
        ],
        mesh=plsc.VectorSubcoreMesh(core_axis_name="c", subcore_axis_name="s"),
        compiler_params=pltpu.CompilerParams(needs_layout_passes=False),
        scratch_types=[
            pltpu.VMEM((B,), jnp.int32),
            pltpu.VMEM((B,), jnp.float32),
            pltpu.VMEM((B,), jnp.float32),
            pltpu.VMEM((B,), jnp.float32),
            pltpu.VMEM((N // NSUB,), jnp.float32),
            pltpu.VMEM((L,), jnp.float32),
            pltpu.VMEM((L,), jnp.int32),
            pltpu.VMEM((WPG * L,), jnp.float32),
            pltpu.VMEM((WPG * L,), jnp.int32),
            pltpu.VMEM_SHARED((N,), jnp.float32),
            pltpu.VMEM_SHARED((N,), jnp.float32),
            pltpu.VMEM_SHARED((NSUB * L,), jnp.float32),
            pltpu.VMEM_SHARED((NSUB * L,), jnp.float32),
            pltpu.VMEM_SHARED((NSUB * L,), jnp.float32),
            pltpu.VMEM_SHARED((NSUB * L,), jnp.int32),
            pltpu.VMEM_SHARED((NSUB * L,), jnp.float32),
            pltpu.VMEM_SHARED((NSUB * L,), jnp.int32),
            pltpu.SemaphoreType.DMA,
        ],
    )


def _contract_body(w_ref, proj_ref, wc_ref, bc_ref, out_ref, acc_ref):
    k = pl.program_id(0)

    @pl.when(k == 0)
    def _():
        acc_ref[...] = jnp.zeros_like(acc_ref)

    acc_ref[...] += jnp.dot(w_ref[...], proj_ref[...].astype(jnp.float32),
                            preferred_element_type=jnp.float32)

    @pl.when(k == pl.num_programs(0) - 1)
    def _():
        out_ref[...] = (jnp.dot(acc_ref[...], wc_ref[...],
                                preferred_element_type=jnp.float32)
                        + bc_ref[...])


def _contract_pass(w, proj, Wc, bc2):
    return pl.pallas_call(
        _contract_body,
        grid=(N // BK,),
        in_specs=[
            pl.BlockSpec((G, BK), lambda k: (0, k)),
            pl.BlockSpec((BK, D), lambda k: (k, 0)),
            pl.BlockSpec((D, 2), lambda k: (0, 0)),
            pl.BlockSpec((1, 2), lambda k: (0, 0)),
        ],
        out_specs=pl.BlockSpec((G, 2), lambda k: (0, 0)),
        out_shape=jax.ShapeDtypeStruct((G, 2), jnp.float32),
        scratch_shapes=[pltpu.VMEM((G, D), jnp.float32)],
    )(w, proj, Wc, bc2)


def _pseudo_body(ids_ref, tf_ref, w1_ref, o_ref, rows_v, sem):
    for i in range(2 * G):
        pltpu.make_async_copy(
            tf_ref.at[pl.ds(ids_ref[i], 1)],
            rows_v.at[pl.ds(i, 1)], sem).start()
    for i in range(2 * G):
        pltpu.make_async_copy(
            tf_ref.at[pl.ds(ids_ref[i], 1)],
            rows_v.at[pl.ds(i, 1)], sem).wait()
    res = jnp.maximum(
        jnp.dot(rows_v[...], w1_ref[...], preferred_element_type=jnp.float32),
        0.0)
    o_ref[...] = res.reshape(G, 2, D)


def _pseudo_pass(ids, tfeat, W1):
    return pl.pallas_call(
        _pseudo_body,
        in_specs=[
            pl.BlockSpec(memory_space=pltpu.SMEM),
            pl.BlockSpec(memory_space=pltpu.HBM),
            pl.BlockSpec((D_IN, D), lambda: (0, 0)),
        ],
        out_specs=pl.BlockSpec((G, 2, D), lambda: (0, 0, 0)),
        out_shape=jax.ShapeDtypeStruct((G, 2, D), jnp.float32),
        scratch_shapes=[pltpu.VMEM((2 * G, D_IN), jnp.float32),
                        pltpu.SemaphoreType.DMA],
    )(ids, tfeat, W1)


def kernel(tfeat_tensor, idx0, idx1, idx2, idx3, W1, V, Wv, Wc, bc):
    wdiff = (Wc[:, 1] - Wc[:, 0]).reshape(1, D)
    proj, s, dc = _dense_pass(tfeat_tensor, W1, V, Wv.T, wdiff)
    w, ids = _sc_call()(idx0, idx1, idx2, idx3, s, dc)
    preds = _contract_pass(w, proj, Wc, bc.reshape(1, 2))
    pseudo = _pseudo_pass(ids[:, :2].reshape(2 * G), tfeat_tensor, W1)
    return (preds, pseudo)

# --- scband reference (transcript-rebuilt; emitter-appended) ---
"""Pipeline reference for scband-group-mil-40827959115966 (READ-ONLY COPY).

The authoritative reference and input builder live on the scoring server;
editing this copy changes nothing except your own understanding.
"""

import jax, jax.numpy as jnp
import numpy as np

N = 16384
D_IN = 1024
D = 512
G = 4
M = N // G


def setup_inputs(seed: int = 0) -> dict:
    key = jax.random.key(seed)
    ks = jax.random.split(key, 12)
    inp = {}
    inp["tfeat_tensor"] = jax.random.normal(ks[0], (N, D_IN), dtype=jnp.float32)
    for g in range(G):
        inp[f"idx{g}"] = jax.random.randint(ks[1 + g], (M,), 0, N, dtype=jnp.int32)
    # learned parameters
    inp["W1"] = jax.random.normal(ks[5], (D_IN, D), dtype=jnp.float32) * 0.02   # DimReduction fc1 (no bias)
    inp["V"] = jax.random.normal(ks[6], (D, D), dtype=jnp.float32) * 0.02      # attention v [input_dim, weight_params_dim]
    inp["Wv"] = jax.random.normal(ks[7], (D, 1), dtype=jnp.float32) * 0.02     # attention w [weight_params_dim, 1]
    inp["Wc"] = jax.random.normal(ks[8], (D, 2), dtype=jnp.float32) * 0.02     # classifier Dense(2) kernel
    inp["bc"] = jnp.zeros((2,), dtype=jnp.float32)                              # classifier Dense(2) bias
    return inp


def reference(tfeat_tensor, idx0, idx1, idx2, idx3, W1, V, Wv, Wc, bc):
    # training_flag=True, distill='MaxMinS', instance_per_group=1
    preds = []
    pseudo = []
    for idx in (idx0, idx1, idx2, idx3):
        sub = jnp.take(tfeat_tensor, idx, axis=0)               # gather [M, 1024]
        mid = jax.nn.relu(sub @ W1)                              # DimReduction  [M, 512]
        scores = jnp.tanh(mid @ V) @ Wv                          # attention scores [M, 1]
        alpha = jax.nn.softmax(scores, axis=0)                   # softmax over instances
        att = mid * alpha                                        # tattFeats [M, 512]
        attFeat = jnp.sum(att, axis=0, keepdims=True)            # [1, 512]
        pred = attFeat @ Wc + bc                                 # classifier [1, 2]
        # get_cam_1d: per-instance logits via classifier kernel (no bias), then transpose
        logits = att @ Wc                                        # [M, 2]  (== transpose(cam [2, M]))
        psm = jax.nn.softmax(logits, axis=1)
        sort_idx = jnp.argsort(-psm[:, -1])                      # descending
        topk_idx = jnp.concatenate([sort_idx[:1], sort_idx[-1:]], axis=0)  # max + min
        pseudo.append(jnp.take(mid, topk_idx, axis=0))           # MaxMinS [2, 512]
        preds.append(pred)
    slide_sub_preds = jnp.concatenate(preds, axis=0)             # [G, 2]
    slide_pseudo_feat = jnp.stack(pseudo, axis=0)                # [G, 2, 512]
    return (slide_sub_preds, slide_pseudo_feat)

if __name__ == "__main__":
    import jax
    _d = setup_inputs()
    print(jax.jit(kernel)(*tuple(_d.values())))

</pallas_src>

<mosaic_0001>
#map = affine_map<(d0, d1) -> (0)>
#map1 = affine_map<(d0, d1) -> (0, 0)>
module attributes {stable_mosaic.version = 14 : i64} {
  func.func @_sc_body(%arg0: i32, %arg1: i32, %arg2: memref<4096xi32, #tpu.memory_space<hbm>>, %arg3: memref<4096xi32, #tpu.memory_space<hbm>>, %arg4: memref<4096xi32, #tpu.memory_space<hbm>>, %arg5: memref<4096xi32, #tpu.memory_space<hbm>>, %arg6: memref<16384xf32, #tpu.memory_space<hbm>>, %arg7: memref<16384xf32, #tpu.memory_space<hbm>>, %arg8: memref<4x16384xf32, #tpu.memory_space<hbm>>, %arg9: memref<4x16xi32, #tpu.memory_space<hbm>>, %arg10: memref<512xi32, #tpu.memory_space<vmem>>, %arg11: memref<512xf32, #tpu.memory_space<vmem>>, %arg12: memref<512xf32, #tpu.memory_space<vmem>>, %arg13: memref<512xf32, #tpu.memory_space<vmem>>, %arg14: memref<1024xf32, #tpu.memory_space<vmem>>, %arg15: memref<16xf32, #tpu.memory_space<vmem>>, %arg16: memref<16xi32, #tpu.memory_space<vmem>>, %arg17: memref<128xf32, #tpu.memory_space<vmem>>, %arg18: memref<128xi32, #tpu.memory_space<vmem>>, %arg19: memref<16384xf32, #tpu.memory_space<vmem_shared>>, %arg20: memref<16384xf32, #tpu.memory_space<vmem_shared>>, %arg21: memref<256xf32, #tpu.memory_space<vmem_shared>>, %arg22: memref<256xf32, #tpu.memory_space<vmem_shared>>, %arg23: memref<256xf32, #tpu.memory_space<vmem_shared>>, %arg24: memref<256xi32, #tpu.memory_space<vmem_shared>>, %arg25: memref<256xf32, #tpu.memory_space<vmem_shared>>, %arg26: memref<256xi32, #tpu.memory_space<vmem_shared>>, %arg27: memref<!tpu.dma_semaphore, #tpu.memory_space<semaphore_mem>>) attributes {dimension_semantics = [#tpu.dimension_semantics<core_parallel>, #tpu.dimension_semantics<subcore_parallel>], iteration_bounds = array<i64: 2, 16>, scalar_prefetch = 0 : i64, scratch_operands = 18 : i64, tpu.core_type = #tpu.core_type<sc_vector_subcore>, window_params = [{transform_indices = #map}, {transform_indices = #map}, {transform_indices = #map}, {transform_indices = #map}, {transform_indices = #map}, {transform_indices = #map}, {transform_indices = #map1}, {transform_indices = #map1}]} {
    %mul3A = arith.constant 2 : i32
    %mul3A_0 = arith.muli %mul3A, %arg0 : i32
    %jit3A = arith.constant 8 : i32
    %div3A = arith.divsi %arg1, %jit3A : i32
    %sign3A = arith.constant 0 : i32
    %sign3A_1 = arith.cmpi sgt, %arg1, %sign3A : i32
    %sign3A_2 = arith.extui %sign3A_1 : i1 to i32
    %sign3A_3 = arith.constant 0 : i32
    %sign3A_4 = arith.cmpi slt, %arg1, %sign3A_3 : i32
    %sign3A_5 = arith.extui %sign3A_4 : i1 to i32
    %sign3A_6 = arith.subi %sign3A_2, %sign3A_5 : i32
    %sign3A_7 = arith.constant 0 : i32
    %sign3A_8 = arith.cmpi sgt, %jit3A, %sign3A_7 : i32
    %sign3A_9 = arith.extui %sign3A_8 : i1 to i32
    %sign3A_10 = arith.constant 0 : i32
    %sign3A_11 = arith.cmpi slt, %jit3A, %sign3A_10 : i32
    %sign3A_12 = arith.extui %sign3A_11 : i1 to i32
    %sign3A_13 = arith.subi %sign3A_9, %sign3A_12 : i32
    %ne3A = arith.cmpi ne, %sign3A_6, %sign3A_13 : i32
    %rem3A = arith.remsi %arg1, %jit3A : i32
    %ne3A_14 = arith.constant 0 : i32
    %ne3A_15 = arith.cmpi ne, %rem3A, %ne3A_14 : i32
    %and3A = arith.andi %ne3A, %ne3A_15 : i1
    %sub3A = arith.constant 1 : i32
    %sub3A_16 = arith.subi %div3A, %sub3A : i32
    %select_n3A = arith.select %and3A, %sub3A_16, %div3A : i32
    %add3A = arith.addi %mul3A_0, %select_n3A : i32
    %jit3A_17 = arith.constant 8 : i32
    %eq3A = arith.constant 0 : i32
    %eq3A_18 = arith.cmpi eq, %jit3A_17, %eq3A : i32
    %jit3A_19 = arith.constant 1 : i32
    %select_n3A_20 = arith.select %eq3A_18, %jit3A_19, %jit3A_17 : i32
    %rem3A_21 = arith.remsi %arg1, %select_n3A_20 : i32
    %ne3A_22 = arith.constant 0 : i32
    %ne3A_23 = arith.cmpi ne, %rem3A_21, %ne3A_22 : i32
    %lt3A = arith.constant 0 : i32
    %lt3A_24 = arith.cmpi slt, %rem3A_21, %lt3A : i32
    %lt3A_25 = arith.constant 0 : i32
    %lt3A_26 = arith.cmpi slt, %select_n3A_20, %lt3A_25 : i32
    %ne3A_27 = arith.xori %lt3A_24, %lt3A_26 : i1
    %and3A_28 = arith.andi %ne3A_27, %ne3A_23 : i1
    %add3A_29 = arith.addi %rem3A_21, %select_n3A_20 : i32
    %select_n3A_30 = arith.select %and3A_28, %add3A_29, %rem3A_21 : i32
    %jit3A_31 = arith.constant 8 : i32
    %div3A_32 = arith.divsi %arg1, %jit3A_31 : i32
    %sign3A_33 = arith.constant 0 : i32
    %sign3A_34 = arith.cmpi sgt, %arg1, %sign3A_33 : i32
    %sign3A_35 = arith.extui %sign3A_34 : i1 to i32
    %sign3A_36 = arith.constant 0 : i32
    %sign3A_37 = arith.cmpi slt, %arg1, %sign3A_36 : i32
    %sign3A_38 = arith.extui %sign3A_37 : i1 to i32
    %sign3A_39 = arith.subi %sign3A_35, %sign3A_38 : i32
    %sign3A_40 = arith.constant 0 : i32
    %sign3A_41 = arith.cmpi sgt, %jit3A_31, %sign3A_40 : i32
    %sign3A_42 = arith.extui %sign3A_41 : i1 to i32
    %sign3A_43 = arith.constant 0 : i32
    %sign3A_44 = arith.cmpi slt, %jit3A_31, %sign3A_43 : i32
    %sign3A_45 = arith.extui %sign3A_44 : i1 to i32
    %sign3A_46 = arith.subi %sign3A_42, %sign3A_45 : i32
    %ne3A_47 = arith.cmpi ne, %sign3A_39, %sign3A_46 : i32
    %rem3A_48 = arith.remsi %arg1, %jit3A_31 : i32
    %ne3A_49 = arith.constant 0 : i32
    %ne3A_50 = arith.cmpi ne, %rem3A_48, %ne3A_49 : i32
    %and3A_51 = arith.andi %ne3A_47, %ne3A_50 : i1
    %sub3A_52 = arith.constant 1 : i32
    %sub3A_53 = arith.subi %div3A_32, %sub3A_52 : i32
    %select_n3A_54 = arith.select %and3A_51, %sub3A_53, %div3A_32 : i32
    %mul3A_55 = arith.constant 8 : i32
    %mul3A_56 = arith.muli %select_n3A_54, %mul3A_55 : i32
    %mul3A_57 = arith.constant 16 : i32
    %mul3A_58 = arith.muli %mul3A_56, %mul3A_57 : i32
    %scan3A = arith.constant 0 : i32
    %scan3A_59 = arith.constant 0 : i32
    %scan3A_60 = arith.constant 64 : i32
    %scan3A_61 = arith.addi %scan3A_59, %scan3A_60 : i32
    %scan3A_62 = arith.constant 8 : i32
    scf.for %scan3A_450 = %scan3A_59 to %scan3A_61 step %scan3A_62  : i32 {
      %broadcast_in_dim3A_451 = arith.constant 0.000000e+00 : f32
      %broadcast_in_dim3A_452 = vector.broadcast %broadcast_in_dim3A_451 : f32 to vector<16xf32>
      %mul3A_453 = arith.constant 16 : i32
      %mul3A_454 = arith.muli %scan3A_450, %mul3A_453 : i32
      %swap3A_455 = arith.index_cast %mul3A_454 : i32 to index
      %swap3A_456 = tpu.vector_load %arg14[%swap3A_455] {strides = array<i32>} : memref<1024xf32, #tpu.memory_space<vmem>>, vector<16xf32>,
      tpu.vector_store %arg14[%swap3A_455], %broadcast_in_dim3A_452 {strides = array<i32>} : memref<1024xf32, #tpu.memory_space<vmem>>, vector<16xf32>,
      %scan3A_457 = arith.constant 1 : i32
      %scan3A_458 = arith.addi %scan3A_450, %scan3A_457 : i32
      %broadcast_in_dim3A_459 = arith.constant 0.000000e+00 : f32
      %broadcast_in_dim3A_460 = vector.broadcast %broadcast_in_dim3A_459 : f32 to vector<16xf32>
      %mul3A_461 = arith.constant 16 : i32
      %mul3A_462 = arith.muli %scan3A_458, %mul3A_461 : i32
      %swap3A_463 = arith.index_cast %mul3A_462 : i32 to index
      %swap3A_464 = tpu.vector_load %arg14[%swap3A_463] {strides = array<i32>} : memref<1024xf32, #tpu.memory_space<vmem>>, vector<16xf32>,
      tpu.vector_store %arg14[%swap3A_463], %broadcast_in_dim3A_460 {strides = array<i32>} : memref<1024xf32, #tpu.memory_space<vmem>>, vector<16xf32>,
      %scan3A_465 = arith.constant 2 : i32
      %scan3A_466 = arith.addi %scan3A_450, %scan3A_465 : i32
      %broadcast_in_dim3A_467 = arith.constant 0.000000e+00 : f32
      %broadcast_in_dim3A_468 = vector.broadcast %broadcast_in_dim3A_467 : f32 to vector<16xf32>
      %mul3A_469 = arith.constant 16 : i32
      %mul3A_470 = arith.muli %scan3A_466, %mul3A_469 : i32
      %swap3A_471 = arith.index_cast %mul3A_470 : i32 to index
      %swap3A_472 = tpu.vector_load %arg14[%swap3A_471] {strides = array<i32>} : memref<1024xf32, #tpu.memory_space<vmem>>, vector<16xf32>,
      tpu.vector_store %arg14[%swap3A_471], %broadcast_in_dim3A_468 {strides = array<i32>} : memref<1024xf32, #tpu.memory_space<vmem>>, vector<16xf32>,
      %scan3A_473 = arith.constant 3 : i32
      %scan3A_474 = arith.addi %scan3A_450, %scan3A_473 : i32
      %broadcast_in_dim3A_475 = arith.constant 0.000000e+00 : f32
      %broadcast_in_dim3A_476 = vector.broadcast %broadcast_in_dim3A_475 : f32 to vector<16xf32>
      %mul3A_477 = arith.constant 16 : i32
      %mul3A_478 = arith.muli %scan3A_474, %mul3A_477 : i32
      %swap3A_479 = arith.index_cast %mul3A_478 : i32 to index
      %swap3A_480 = tpu.vector_load %arg14[%swap3A_479] {strides = array<i32>} : memref<1024xf32, #tpu.memory_space<vmem>>, vector<16xf32>,
      tpu.vector_store %arg14[%swap3A_479], %broadcast_in_dim3A_476 {strides = array<i32>} : memref<1024xf32, #tpu.memory_space<vmem>>, vector<16xf32>,
      %scan3A_481 = arith.constant 4 : i32
      %scan3A_482 = arith.addi %scan3A_450, %scan3A_481 : i32
      %broadcast_in_dim3A_483 = arith.constant 0.000000e+00 : f32
      %broadcast_in_dim3A_484 = vector.broadcast %broadcast_in_dim3A_483 : f32 to vector<16xf32>
      %mul3A_485 = arith.constant 16 : i32
      %mul3A_486 = arith.muli %scan3A_482, %mul3A_485 : i32
      %swap3A_487 = arith.index_cast %mul3A_486 : i32 to index
      %swap3A_488 = tpu.vector_load %arg14[%swap3A_487] {strides = array<i32>} : memref<1024xf32, #tpu.memory_space<vmem>>, vector<16xf32>,
      tpu.vector_store %arg14[%swap3A_487], %broadcast_in_dim3A_484 {strides = array<i32>} : memref<1024xf32, #tpu.memory_space<vmem>>, vector<16xf32>,
      %scan3A_489 = arith.constant 5 : i32
      %scan3A_490 = arith.addi %scan3A_450, %scan3A_489 : i32
      %broadcast_in_dim3A_491 = arith.constant 0.000000e+00 : f32
      %broadcast_in_dim3A_492 = vector.broadcast %broadcast_in_dim3A_491 : f32 to vector<16xf32>
      %mul3A_493 = arith.constant 16 : i32
      %mul3A_494 = arith.muli %scan3A_490, %mul3A_493 : i32
      %swap3A_495 = arith.index_cast %mul3A_494 : i32 to index
      %swap3A_496 = tpu.vector_load %arg14[%swap3A_495] {strides = array<i32>} : memref<1024xf32, #tpu.memory_space<vmem>>, vector<16xf32>,
      tpu.vector_store %arg14[%swap3A_495], %broadcast_in_dim3A_492 {strides = array<i32>} : memref<1024xf32, #tpu.memory_space<vmem>>, vector<16xf32>,
      %scan3A_497 = arith.constant 6 : i32
      %scan3A_498 = arith.addi %scan3A_450, %scan3A_497 : i32
      %broadcast_in_dim3A_499 = arith.constant 0.000000e+00 : f32
      %broadcast_in_dim3A_500 = vector.broadcast %broadcast_in_dim3A_499 : f32 to vector<16xf32>
      %mul3A_501 = arith.constant 16 : i32
      %mul3A_502 = arith.muli %scan3A_498, %mul3A_501 : i32
      %swap3A_503 = arith.index_cast %mul3A_502 : i32 to index
      %swap3A_504 = tpu.vector_load %arg14[%swap3A_503] {strides = array<i32>} : memref<1024xf32, #tpu.memory_space<vmem>>, vector<16xf32>,
      tpu.vector_store %arg14[%swap3A_503], %broadcast_in_dim3A_500 {strides = array<i32>} : memref<1024xf32, #tpu.memory_space<vmem>>, vector<16xf32>,
      %scan3A_505 = arith.constant 7 : i32
      %scan3A_506 = arith.addi %scan3A_450, %scan3A_505 : i32
      %broadcast_in_dim3A_507 = arith.constant 0.000000e+00 : f32
      %broadcast_in_dim3A_508 = vector.broadcast %broadcast_in_dim3A_507 : f32 to vector<16xf32>
      %mul3A_509 = arith.constant 16 : i32
      %mul3A_510 = arith.muli %scan3A_506, %mul3A_509 : i32
      %swap3A_511 = arith.index_cast %mul3A_510 : i32 to index
      %swap3A_512 = tpu.vector_load %arg14[%swap3A_511] {strides = array<i32>} : memref<1024xf32, #tpu.memory_space<vmem>>, vector<16xf32>,
      tpu.vector_store %arg14[%swap3A_511], %broadcast_in_dim3A_508 {strides = array<i32>} : memref<1024xf32, #tpu.memory_space<vmem>>, vector<16xf32>,
    }
    %scan3A_63 = arith.constant 64 : i32
    %mul3A_64 = arith.constant 1024 : i32
    %mul3A_65 = arith.muli %arg1, %mul3A_64 : i32
    "tpu.region"() ({
      %run_scoped3A = tpu.sem_alloc : memref<!tpu.dma_semaphore, #tpu.memory_space<semaphore_mem>>
      %dma_start3A_450 = tpu.memref_slice %arg19[%mul3A_65] : memref<16384xf32, #tpu.memory_space<vmem_shared>> -> memref<1024xf32, #tpu.memory_space<vmem_shared>>
      %dma_start3A_451 = tpu.memref_slice %arg19[%mul3A_65] : memref<16384xf32, #tpu.memory_space<vmem_shared>> -> memref<1024xf32, #tpu.memory_space<vmem_shared>>
      tpu.enqueue_dma source(%arg14 : memref<1024xf32, #tpu.memory_space<vmem>>) target(%dma_start3A_451 : memref<1024xf32, #tpu.memory_space<vmem_shared>>) target_semaphore(%run_scoped3A : memref<!tpu.dma_semaphore, #tpu.memory_space<semaphore_mem>>)
      %dma_wait3A_452 = tpu.memref_slice %arg19[%mul3A_65] : memref<16384xf32, #tpu.memory_space<vmem_shared>> -> memref<1024xf32, #tpu.memory_space<vmem_shared>>
      %dma_wait3A_453 = tpu.memref_slice %arg19[%mul3A_65] : memref<16384xf32, #tpu.memory_space<vmem_shared>> -> memref<1024xf32, #tpu.memory_space<vmem_shared>>
      tpu.wait_dma2 semaphore(%run_scoped3A : memref<!tpu.dma_semaphore, #tpu.memory_space<semaphore_mem>>) src(%arg14 : memref<1024xf32, #tpu.memory_space<vmem>>) dst(%dma_wait3A_453 : memref<1024xf32, #tpu.memory_space<vmem_shared>>)
      tpu.yield
    }) : () -> ()
    %mul3A_66 = arith.constant 1024 : i32
    %mul3A_67 = arith.muli %arg1, %mul3A_66 : i32
    "tpu.region"() ({
      %run_scoped3A = tpu.sem_alloc : memref<!tpu.dma_semaphore, #tpu.memory_space<semaphore_mem>>
      %dma_start3A_450 = tpu.memref_slice %arg20[%mul3A_67] : memref<16384xf32, #tpu.memory_space<vmem_shared>> -> memref<1024xf32, #tpu.memory_space<vmem_shared>>
      %dma_start3A_451 = tpu.memref_slice %arg20[%mul3A_67] : memref<16384xf32, #tpu.memory_space<vmem_shared>> -> memref<1024xf32, #tpu.memory_space<vmem_shared>>
      tpu.enqueue_dma source(%arg14 : memref<1024xf32, #tpu.memory_space<vmem>>) target(%dma_start3A_451 : memref<1024xf32, #tpu.memory_space<vmem_shared>>) target_semaphore(%run_scoped3A : memref<!tpu.dma_semaphore, #tpu.memory_space<semaphore_mem>>)
      %dma_wait3A_452 = tpu.memref_slice %arg20[%mul3A_67] : memref<16384xf32, #tpu.memory_space<vmem_shared>> -> memref<1024xf32, #tpu.memory_space<vmem_shared>>
      %dma_wait3A_453 = tpu.memref_slice %arg20[%mul3A_67] : memref<16384xf32, #tpu.memory_space<vmem_shared>> -> memref<1024xf32, #tpu.memory_space<vmem_shared>>
      tpu.wait_dma2 semaphore(%run_scoped3A : memref<!tpu.dma_semaphore, #tpu.memory_space<semaphore_mem>>) src(%arg14 : memref<1024xf32, #tpu.memory_space<vmem>>) dst(%dma_wait3A_453 : memref<1024xf32, #tpu.memory_space<vmem_shared>>)
      tpu.yield
    }) : () -> ()
    %eq3A_68 = arith.constant 0 : i32
    %eq3A_69 = arith.cmpi eq, %add3A, %eq3A_68 : i32
    %convert_element_type3A = arith.extui %eq3A_69 : i1 to i32
    %cond3A = arith.constant 0 : i32
    %cond3A_70 = arith.cmpi ne, %convert_element_type3A, %cond3A : i32
    scf.if %cond3A_70 {
      %mul3A_450 = arith.constant 512 : i32
      %mul3A_451 = arith.muli %select_n3A_30, %mul3A_450 : i32
      "tpu.region"() ({
        %run_scoped3A = tpu.sem_alloc : memref<!tpu.dma_semaphore, #tpu.memory_space<semaphore_mem>>
        %dma_start3A_452 = tpu.memref_slice %arg2[%mul3A_451] : memref<4096xi32, #tpu.memory_space<hbm>> -> memref<512xi32, #tpu.memory_space<hbm>>
        %dma_start3A_453 = tpu.memref_slice %arg2[%mul3A_451] : memref<4096xi32, #tpu.memory_space<hbm>> -> memref<512xi32, #tpu.memory_space<hbm>>
        tpu.enqueue_dma source(%dma_start3A_453 : memref<512xi32, #tpu.memory_space<hbm>>) target(%arg10 : memref<512xi32, #tpu.memory_space<vmem>>) target_semaphore(%run_scoped3A : memref<!tpu.dma_semaphore, #tpu.memory_space<semaphore_mem>>)
        %dma_wait3A_454 = tpu.memref_slice %arg2[%mul3A_451] : memref<4096xi32, #tpu.memory_space<hbm>> -> memref<512xi32, #tpu.memory_space<hbm>>
        %dma_wait3A_455 = tpu.memref_slice %arg2[%mul3A_451] : memref<4096xi32, #tpu.memory_space<hbm>> -> memref<512xi32, #tpu.memory_space<hbm>>
        tpu.wait_dma2 semaphore(%run_scoped3A : memref<!tpu.dma_semaphore, #tpu.memory_space<semaphore_mem>>) src(%dma_wait3A_455 : memref<512xi32, #tpu.memory_space<hbm>>) dst(%arg10 : memref<512xi32, #tpu.memory_space<vmem>>)
        tpu.yield
      }) : () -> ()
    } else {
    }
    %eq3A_71 = arith.constant 1 : i32
    %eq3A_72 = arith.cmpi eq, %add3A, %eq3A_71 : i32
    %convert_element_type3A_73 = arith.extui %eq3A_72 : i1 to i32
    %cond3A_74 = arith.constant 0 : i32
    %cond3A_75 = arith.cmpi ne, %convert_element_type3A_73, %cond3A_74 : i32
    scf.if %cond3A_75 {
      %mul3A_450 = arith.constant 512 : i32
      %mul3A_451 = arith.muli %select_n3A_30, %mul3A_450 : i32
      "tpu.region"() ({
        %run_scoped3A = tpu.sem_alloc : memref<!tpu.dma_semaphore, #tpu.memory_space<semaphore_mem>>
        %dma_start3A_452 = tpu.memref_slice %arg3[%mul3A_451] : memref<4096xi32, #tpu.memory_space<hbm>> -> memref<512xi32, #tpu.memory_space<hbm>>
        %dma_start3A_453 = tpu.memref_slice %arg3[%mul3A_451] : memref<4096xi32, #tpu.memory_space<hbm>> -> memref<512xi32, #tpu.memory_space<hbm>>
        tpu.enqueue_dma source(%dma_start3A_453 : memref<512xi32, #tpu.memory_space<hbm>>) target(%arg10 : memref<512xi32, #tpu.memory_space<vmem>>) target_semaphore(%run_scoped3A : memref<!tpu.dma_semaphore, #tpu.memory_space<semaphore_mem>>)
        %dma_wait3A_454 = tpu.memref_slice %arg3[%mul3A_451] : memref<4096xi32, #tpu.memory_space<hbm>> -> memref<512xi32, #tpu.memory_space<hbm>>
        %dma_wait3A_455 = tpu.memref_slice %arg3[%mul3A_451] : memref<4096xi32, #tpu.memory_space<hbm>> -> memref<512xi32, #tpu.memory_space<hbm>>
        tpu.wait_dma2 semaphore(%run_scoped3A : memref<!tpu.dma_semaphore, #tpu.memory_space<semaphore_mem>>) src(%dma_wait3A_455 : memref<512xi32, #tpu.memory_space<hbm>>) dst(%arg10 : memref<512xi32, #tpu.memory_space<vmem>>)
        tpu.yield
      }) : () -> ()
    } else {
    }
    %eq3A_76 = arith.constant 2 : i32
    %eq3A_77 = arith.cmpi eq, %add3A, %eq3A_76 : i32
    %convert_element_type3A_78 = arith.extui %eq3A_77 : i1 to i32
    %cond3A_79 = arith.constant 0 : i32
    %cond3A_80 = arith.cmpi ne, %convert_element_type3A_78, %cond3A_79 : i32
    scf.if %cond3A_80 {
      %mul3A_450 = arith.constant 512 : i32
      %mul3A_451 = arith.muli %select_n3A_30, %mul3A_450 : i32
      "tpu.region"() ({
        %run_scoped3A = tpu.sem_alloc : memref<!tpu.dma_semaphore, #tpu.memory_space<semaphore_mem>>
        %dma_start3A_452 = tpu.memref_slice %arg4[%mul3A_451] : memref<4096xi32, #tpu.memory_space<hbm>> -> memref<512xi32, #tpu.memory_space<hbm>>
        %dma_start3A_453 = tpu.memref_slice %arg4[%mul3A_451] : memref<4096xi32, #tpu.memory_space<hbm>> -> memref<512xi32, #tpu.memory_space<hbm>>
        tpu.enqueue_dma source(%dma_start3A_453 : memref<512xi32, #tpu.memory_space<hbm>>) target(%arg10 : memref<512xi32, #tpu.memory_space<vmem>>) target_semaphore(%run_scoped3A : memref<!tpu.dma_semaphore, #tpu.memory_space<semaphore_mem>>)
        %dma_wait3A_454 = tpu.memref_slice %arg4[%mul3A_451] : memref<4096xi32, #tpu.memory_space<hbm>> -> memref<512xi32, #tpu.memory_space<hbm>>
        %dma_wait3A_455 = tpu.memref_slice %arg4[%mul3A_451] : memref<4096xi32, #tpu.memory_space<hbm>> -> memref<512xi32, #tpu.memory_space<hbm>>
        tpu.wait_dma2 semaphore(%run_scoped3A : memref<!tpu.dma_semaphore, #tpu.memory_space<semaphore_mem>>) src(%dma_wait3A_455 : memref<512xi32, #tpu.memory_space<hbm>>) dst(%arg10 : memref<512xi32, #tpu.memory_space<vmem>>)
        tpu.yield
      }) : () -> ()
    } else {
    }
    %eq3A_81 = arith.constant 3 : i32
    %eq3A_82 = arith.cmpi eq, %add3A, %eq3A_81 : i32
    %convert_element_type3A_83 = arith.extui %eq3A_82 : i1 to i32
    %cond3A_84 = arith.constant 0 : i32
    %cond3A_85 = arith.cmpi ne, %convert_element_type3A_83, %cond3A_84 : i32
    scf.if %cond3A_85 {
      %mul3A_450 = arith.constant 512 : i32
      %mul3A_451 = arith.muli %select_n3A_30, %mul3A_450 : i32
      "tpu.region"() ({
        %run_scoped3A = tpu.sem_alloc : memref<!tpu.dma_semaphore, #tpu.memory_space<semaphore_mem>>
        %dma_start3A_452 = tpu.memref_slice %arg5[%mul3A_451] : memref<4096xi32, #tpu.memory_space<hbm>> -> memref<512xi32, #tpu.memory_space<hbm>>
        %dma_start3A_453 = tpu.memref_slice %arg5[%mul3A_451] : memref<4096xi32, #tpu.memory_space<hbm>> -> memref<512xi32, #tpu.memory_space<hbm>>
        tpu.enqueue_dma source(%dma_start3A_453 : memref<512xi32, #tpu.memory_space<hbm>>) target(%arg10 : memref<512xi32, #tpu.memory_space<vmem>>) target_semaphore(%run_scoped3A : memref<!tpu.dma_semaphore, #tpu.memory_space<semaphore_mem>>)
        %dma_wait3A_454 = tpu.memref_slice %arg5[%mul3A_451] : memref<4096xi32, #tpu.memory_space<hbm>> -> memref<512xi32, #tpu.memory_space<hbm>>
        %dma_wait3A_455 = tpu.memref_slice %arg5[%mul3A_451] : memref<4096xi32, #tpu.memory_space<hbm>> -> memref<512xi32, #tpu.memory_space<hbm>>
        tpu.wait_dma2 semaphore(%run_scoped3A : memref<!tpu.dma_semaphore, #tpu.memory_space<semaphore_mem>>) src(%dma_wait3A_455 : memref<512xi32, #tpu.memory_space<hbm>>) dst(%arg10 : memref<512xi32, #tpu.memory_space<vmem>>)
        tpu.yield
      }) : () -> ()
    } else {
    }
    %dma_start3A = arith.constant 0 : i32
    %dma_start3A_86 = tpu.memref_slice %arg6[%dma_start3A] : memref<16384xf32, #tpu.memory_space<hbm>> -> memref<16384xf32, #tpu.memory_space<hbm>>
    tpu.enqueue_indirect_dma source(%dma_start3A_86 : memref<16384xf32, #tpu.memory_space<hbm>>) target(%arg11 : memref<512xf32, #tpu.memory_space<vmem>>) offsets(%arg10 : memref<512xi32, #tpu.memory_space<vmem>>) semaphore(%arg27 : memref<!tpu.dma_semaphore, #tpu.memory_space<semaphore_mem>>)
    %dma_start3A_87 = arith.constant 0 : i32
    %dma_start3A_88 = tpu.memref_slice %arg7[%dma_start3A_87] : memref<16384xf32, #tpu.memory_space<hbm>> -> memref<16384xf32, #tpu.memory_space<hbm>>
    tpu.enqueue_indirect_dma source(%dma_start3A_88 : memref<16384xf32, #tpu.memory_space<hbm>>) target(%arg12 : memref<512xf32, #tpu.memory_space<vmem>>) offsets(%arg10 : memref<512xi32, #tpu.memory_space<vmem>>) semaphore(%arg27 : memref<!tpu.dma_semaphore, #tpu.memory_space<semaphore_mem>>)
    %dma_wait3A = arith.constant 0 : i32
    %dma_wait3A_89 = tpu.memref_slice %arg6[%dma_wait3A] : memref<16384xf32, #tpu.memory_space<hbm>> -> memref<16384xf32, #tpu.memory_space<hbm>>
    tpu.wait_indirect_dma semaphore(%arg27 : memref<!tpu.dma_semaphore, #tpu.memory_space<semaphore_mem>>) src(%dma_wait3A_89 : memref<16384xf32, #tpu.memory_space<hbm>>) dst(%arg11 : memref<512xf32, #tpu.memory_space<vmem>>)
    %dma_wait3A_90 = arith.constant 0 : i32
    %dma_wait3A_91 = tpu.memref_slice %arg7[%dma_wait3A_90] : memref<16384xf32, #tpu.memory_space<hbm>> -> memref<16384xf32, #tpu.memory_space<hbm>>
    tpu.wait_indirect_dma semaphore(%arg27 : memref<!tpu.dma_semaphore, #tpu.memory_space<semaphore_mem>>) src(%dma_wait3A_91 : memref<16384xf32, #tpu.memory_space<hbm>>) dst(%arg12 : memref<512xf32, #tpu.memory_space<vmem>>)
    %broadcast_in_dim3A = arith.constant 0xFF800000 : f32
    %broadcast_in_dim3A_92 = vector.broadcast %broadcast_in_dim3A : f32 to vector<16xf32>
    %scan3A_93 = arith.constant 0 : i32
    %scan3A_94 = arith.constant 32 : i32
    %scan3A_95 = arith.addi %scan3A_93, %scan3A_94 : i32
    %scan3A_96 = arith.constant 8 : i32
    %scan3A_97 = scf.for %scan3A_450 = %scan3A_93 to %scan3A_95 step %scan3A_96 iter_args(%scan3A_451 = %broadcast_in_dim3A_92) -> (vector<16xf32>)  : i32 {
      %mul3A_452 = arith.constant 16 : i32
      %mul3A_453 = arith.muli %scan3A_450, %mul3A_452 : i32
      %get3A_454 = arith.index_cast %mul3A_453 : i32 to index
      %get3A_455 = tpu.vector_load %arg11[%get3A_454] {strides = array<i32>} : memref<512xf32, #tpu.memory_space<vmem>>, vector<16xf32>,
      %max3A_456 = arith.maximumf %scan3A_451, %get3A_455 : vector<16xf32>
      %scan3A_457 = arith.constant 1 : i32
      %scan3A_458 = arith.addi %scan3A_450, %scan3A_457 : i32
      %mul3A_459 = arith.constant 16 : i32
      %mul3A_460 = arith.muli %scan3A_458, %mul3A_459 : i32
      %get3A_461 = arith.index_cast %mul3A_460 : i32 to index
      %get3A_462 = tpu.vector_load %arg11[%get3A_461] {strides = array<i32>} : memref<512xf32, #tpu.memory_space<vmem>>, vector<16xf32>,
      %max3A_463 = arith.maximumf %max3A_456, %get3A_462 : vector<16xf32>
      %scan3A_464 = arith.constant 2 : i32
      %scan3A_465 = arith.addi %scan3A_450, %scan3A_464 : i32
      %mul3A_466 = arith.constant 16 : i32
      %mul3A_467 = arith.muli %scan3A_465, %mul3A_466 : i32
      %get3A_468 = arith.index_cast %mul3A_467 : i32 to index
      %get3A_469 = tpu.vector_load %arg11[%get3A_468] {strides = array<i32>} : memref<512xf32, #tpu.memory_space<vmem>>, vector<16xf32>,
      %max3A_470 = arith.maximumf %max3A_463, %get3A_469 : vector<16xf32>
      %scan3A_471 = arith.constant 3 : i32
      %scan3A_472 = arith.addi %scan3A_450, %scan3A_471 : i32
      %mul3A_473 = arith.constant 16 : i32
      %mul3A_474 = arith.muli %scan3A_472, %mul3A_473 : i32
      %get3A_475 = arith.index_cast %mul3A_474 : i32 to index
      %get3A_476 = tpu.vector_load %arg11[%get3A_475] {strides = array<i32>} : memref<512xf32, #tpu.memory_space<vmem>>, vector<16xf32>,
      %max3A_477 = arith.maximumf %max3A_470, %get3A_476 : vector<16xf32>
      %scan3A_478 = arith.constant 4 : i32
      %scan3A_479 = arith.addi %scan3A_450, %scan3A_478 : i32
      %mul3A_480 = arith.constant 16 : i32
      %mul3A_481 = arith.muli %scan3A_479, %mul3A_480 : i32
      %get3A_482 = arith.index_cast %mul3A_481 : i32 to index
      %get3A_483 = tpu.vector_load %arg11[%get3A_482] {strides = array<i32>} : memref<512xf32, #tpu.memory_space<vmem>>, vector<16xf32>,
      %max3A_484 = arith.maximumf %max3A_477, %get3A_483 : vector<16xf32>
      %scan3A_485 = arith.constant 5 : i32
      %scan3A_486 = arith.addi %scan3A_450, %scan3A_485 : i32
      %mul3A_487 = arith.constant 16 : i32
      %mul3A_488 = arith.muli %scan3A_486, %mul3A_487 : i32
      %get3A_489 = arith.index_cast %mul3A_488 : i32 to index
      %get3A_490 = tpu.vector_load %arg11[%get3A_489] {strides = array<i32>} : memref<512xf32, #tpu.memory_space<vmem>>, vector<16xf32>,
      %max3A_491 = arith.maximumf %max3A_484, %get3A_490 : vector<16xf32>
      %scan3A_492 = arith.constant 6 : i32
      %scan3A_493 = arith.addi %scan3A_450, %scan3A_492 : i32
      %mul3A_494 = arith.constant 16 : i32
      %mul3A_495 = arith.muli %scan3A_493, %mul3A_494 : i32
      %get3A_496 = arith.index_cast %mul3A_495 : i32 to index
      %get3A_497 = tpu.vector_load %arg11[%get3A_496] {strides = array<i32>} : memref<512xf32, #tpu.memory_space<vmem>>, vector<16xf32>,
      %max3A_498 = arith.maximumf %max3A_491, %get3A_497 : vector<16xf32>
      %scan3A_499 = arith.constant 7 : i32
      %scan3A_500 = arith.addi %scan3A_450, %scan3A_499 : i32
      %mul3A_501 = arith.constant 16 : i32
      %mul3A_502 = arith.muli %scan3A_500, %mul3A_501 : i32
      %get3A_503 = arith.index_cast %mul3A_502 : i32 to index
      %get3A_504 = tpu.vector_load %arg11[%get3A_503] {strides = array<i32>} : memref<512xf32, #tpu.memory_space<vmem>>, vector<16xf32>,
      %max3A_505 = arith.maximumf %max3A_498, %get3A_504 : vector<16xf32>
      scf.yield %max3A_505 : vector<16xf32>
    }
    %scan3A_98 = arith.constant 32 : i32
    %swap3A = arith.constant 0 : index
    %swap3A_99 = tpu.vector_load %arg15[%swap3A] {strides = array<i32>} : memref<16xf32, #tpu.memory_space<vmem>>, vector<16xf32>,
    tpu.vector_store %arg15[%swap3A], %scan3A_97 {strides = array<i32>} : memref<16xf32, #tpu.memory_space<vmem>>, vector<16xf32>,
    %mul3A_100 = arith.constant 16 : i32
    %mul3A_101 = arith.muli %arg1, %mul3A_100 : i32
    "tpu.region"() ({
      %run_scoped3A = tpu.sem_alloc : memref<!tpu.dma_semaphore, #tpu.memory_space<semaphore_mem>>
      %dma_start3A_450 = tpu.memref_slice %arg21[%mul3A_101] : memref<256xf32, #tpu.memory_space<vmem_shared>> -> memref<16xf32, #tpu.memory_space<vmem_shared>>
      %dma_start3A_451 = tpu.memref_slice %arg21[%mul3A_101] : memref<256xf32, #tpu.memory_space<vmem_shared>> -> memref<16xf32, #tpu.memory_space<vmem_shared>>
      tpu.enqueue_dma source(%arg15 : memref<16xf32, #tpu.memory_space<vmem>>) target(%dma_start3A_451 : memref<16xf32, #tpu.memory_space<vmem_shared>>) target_semaphore(%run_scoped3A : memref<!tpu.dma_semaphore, #tpu.memory_space<semaphore_mem>>)
      %dma_wait3A_452 = tpu.memref_slice %arg21[%mul3A_101] : memref<256xf32, #tpu.memory_space<vmem_shared>> -> memref<16xf32, #tpu.memory_space<vmem_shared>>
      %dma_wait3A_453 = tpu.memref_slice %arg21[%mul3A_101] : memref<256xf32, #tpu.memory_space<vmem_shared>> -> memref<16xf32, #tpu.memory_space<vmem_shared>>
      tpu.wait_dma2 semaphore(%run_scoped3A : memref<!tpu.dma_semaphore, #tpu.memory_space<semaphore_mem>>) src(%arg15 : memref<16xf32, #tpu.memory_space<vmem>>) dst(%dma_wait3A_453 : memref<16xf32, #tpu.memory_space<vmem_shared>>)
      tpu.yield
    }) : () -> ()
    %barrier3A = arith.constant 0 : index
    tpu.barrier barrier_id(%barrier3A)
    "tpu.region"() ({
      %run_scoped3A = tpu.sem_alloc : memref<!tpu.dma_semaphore, #tpu.memory_space<semaphore_mem>>
      %dma_start3A_450 = tpu.memref_slice %arg21[%mul3A_58] : memref<256xf32, #tpu.memory_space<vmem_shared>> -> memref<128xf32, #tpu.memory_space<vmem_shared>>
      %dma_start3A_451 = tpu.memref_slice %arg21[%mul3A_58] : memref<256xf32, #tpu.memory_space<vmem_shared>> -> memref<128xf32, #tpu.memory_space<vmem_shared>>
      tpu.enqueue_dma source(%dma_start3A_451 : memref<128xf32, #tpu.memory_space<vmem_shared>>) target(%arg17 : memref<128xf32, #tpu.memory_space<vmem>>) target_semaphore(%run_scoped3A : memref<!tpu.dma_semaphore, #tpu.memory_space<semaphore_mem>>)
      %dma_wait3A_452 = tpu.memref_slice %arg21[%mul3A_58] : memref<256xf32, #tpu.memory_space<vmem_shared>> -> memref<128xf32, #tpu.memory_space<vmem_shared>>
      %dma_wait3A_453 = tpu.memref_slice %arg21[%mul3A_58] : memref<256xf32, #tpu.memory_space<vmem_shared>> -> memref<128xf32, #tpu.memory_space<vmem_shared>>
      tpu.wait_dma2 semaphore(%run_scoped3A : memref<!tpu.dma_semaphore, #tpu.memory_space<semaphore_mem>>) src(%dma_wait3A_453 : memref<128xf32, #tpu.memory_space<vmem_shared>>) dst(%arg17 : memref<128xf32, #tpu.memory_space<vmem>>)
      tpu.yield
    }) : () -> ()
    %get3A = arith.constant 0 : index
    %get3A_102 = tpu.vector_load %arg17[%get3A] {strides = array<i32>} : memref<128xf32, #tpu.memory_space<vmem>>, vector<16xf32>,
    %get3A_103 = arith.constant 16 : index
    %get3A_104 = tpu.vector_load %arg17[%get3A_103] {strides = array<i32>} : memref<128xf32, #tpu.memory_space<vmem>>, vector<16xf32>,
    %max3A = arith.maximumf %get3A_102, %get3A_104 : vector<16xf32>
    %get3A_105 = arith.constant 32 : index
    %get3A_106 = tpu.vector_load %arg17[%get3A_105] {strides = array<i32>} : memref<128xf32, #tpu.memory_space<vmem>>, vector<16xf32>,
    %max3A_107 = arith.maximumf %max3A, %get3A_106 : vector<16xf32>
    %get3A_108 = arith.constant 48 : index
    %get3A_109 = tpu.vector_load %arg17[%get3A_108] {strides = array<i32>} : memref<128xf32, #tpu.memory_space<vmem>>, vector<16xf32>,
    %max3A_110 = arith.maximumf %max3A_107, %get3A_109 : vector<16xf32>
    %get3A_111 = arith.constant 64 : index
    %get3A_112 = tpu.vector_load %arg17[%get3A_111] {strides = array<i32>} : memref<128xf32, #tpu.memory_space<vmem>>, vector<16xf32>,
    %max3A_113 = arith.maximumf %max3A_110, %get3A_112 : vector<16xf32>
    %get3A_114 = arith.constant 80 : index
    %get3A_115 = tpu.vector_load %arg17[%get3A_114] {strides = array<i32>} : memref<128xf32, #tpu.memory_space<vmem>>, vector<16xf32>,
    %max3A_116 = arith.maximumf %max3A_113, %get3A_115 : vector<16xf32>
    %get3A_117 = arith.constant 96 : index
    %get3A_118 = tpu.vector_load %arg17[%get3A_117] {strides = array<i32>} : memref<128xf32, #tpu.memory_space<vmem>>, vector<16xf32>,
    %max3A_119 = arith.maximumf %max3A_116, %get3A_118 : vector<16xf32>
    %get3A_120 = arith.constant 112 : index
    %get3A_121 = tpu.vector_load %arg17[%get3A_120] {strides = array<i32>} : memref<128xf32, #tpu.memory_space<vmem>>, vector<16xf32>,
    %max3A_122 = arith.maximumf %max3A_119, %get3A_121 : vector<16xf32>
    %iota3A = tpu.iota {dimensions = array<i32: 0>} : vector<16xi32>
    %add3A_123 = arith.constant 8 : i32
    %add3A_124 = vector.broadcast %add3A_123 : i32 to vector<16xi32>
    %add3A_125 = arith.addi %iota3A, %add3A_124 : vector<16xi32>
    %jit3A_126 = arith.constant 16 : i32
    %eq3A_127 = arith.constant 0 : i32
    %eq3A_128 = arith.cmpi eq, %jit3A_126, %eq3A_127 : i32
    %jit3A_129 = arith.constant 1 : i32
    %select_n3A_130 = arith.select %eq3A_128, %jit3A_129, %jit3A_126 : i32
    %rem3A_131 = vector.broadcast %select_n3A_130 : i32 to vector<16xi32>
    %rem3A_132 = arith.remsi %add3A_125, %rem3A_131 : vector<16xi32>
    %ne3A_133 = arith.constant 0 : i32
    %ne3A_134 = vector.broadcast %ne3A_133 : i32 to vector<16xi32>
    %ne3A_135 = arith.cmpi ne, %rem3A_132, %ne3A_134 : vector<16xi32>
    %lt3A_136 = arith.constant 0 : i32
    %lt3A_137 = vector.broadcast %lt3A_136 : i32 to vector<16xi32>
    %lt3A_138 = arith.cmpi slt, %rem3A_132, %lt3A_137 : vector<16xi32>
    %lt3A_139 = arith.constant 0 : i32
    %lt3A_140 = arith.cmpi slt, %select_n3A_130, %lt3A_139 : i32
    %ne3A_141 = vector.broadcast %lt3A_140 : i1 to vector<16xi1>
    %ne3A_142 = vector.broadcast %ne3A_141 : vector<16xi1> to vector<16xi1>
    %ne3A_143 = arith.xori %lt3A_138, %ne3A_142 : vector<16xi1>
    %and3A_144 = arith.andi %ne3A_143, %ne3A_135 : vector<16xi1>
    %add3A_145 = vector.broadcast %select_n3A_130 : i32 to vector<16xi32>
    %add3A_146 = arith.addi %rem3A_132, %add3A_145 : vector<16xi32>
    %select_n3A_147 = arith.select %and3A_144, %add3A_146, %rem3A_132 : vector<16xi1>, vector<16xi32>
    %broadcast_in_dim3A_148 = vector.shape_cast %select_n3A_147 : vector<16xi32> to vector<16x1xi32>
    %gather3A = vector.shape_cast %broadcast_in_dim3A_148 : vector<16x1xi32> to vector<16xi32>
    %gather3A_149 = tpu.dynamic_gather %max3A_122[%gather3A] in [0] : vector<16xf32>, vector<16xi32> -> vector<16xf32>
    %max3A_150 = arith.maximumf %max3A_122, %gather3A_149 : vector<16xf32>
    %add3A_151 = arith.constant 4 : i32
    %add3A_152 = vector.broadcast %add3A_151 : i32 to vector<16xi32>
    %add3A_153 = arith.addi %iota3A, %add3A_152 : vector<16xi32>
    %jit3A_154 = arith.constant 16 : i32
    %eq3A_155 = arith.constant 0 : i32
    %eq3A_156 = arith.cmpi eq, %jit3A_154, %eq3A_155 : i32
    %jit3A_157 = arith.constant 1 : i32
    %select_n3A_158 = arith.select %eq3A_156, %jit3A_157, %jit3A_154 : i32
    %rem3A_159 = vector.broadcast %select_n3A_158 : i32 to vector<16xi32>
    %rem3A_160 = arith.remsi %add3A_153, %rem3A_159 : vector<16xi32>
    %ne3A_161 = arith.constant 0 : i32
    %ne3A_162 = vector.broadcast %ne3A_161 : i32 to vector<16xi32>
    %ne3A_163 = arith.cmpi ne, %rem3A_160, %ne3A_162 : vector<16xi32>
    %lt3A_164 = arith.constant 0 : i32
    %lt3A_165 = vector.broadcast %lt3A_164 : i32 to vector<16xi32>
    %lt3A_166 = arith.cmpi slt, %rem3A_160, %lt3A_165 : vector<16xi32>
    %lt3A_167 = arith.constant 0 : i32
    %lt3A_168 = arith.cmpi slt, %select_n3A_158, %lt3A_167 : i32
    %ne3A_169 = vector.broadcast %lt3A_168 : i1 to vector<16xi1>
    %ne3A_170 = vector.broadcast %ne3A_169 : vector<16xi1> to vector<16xi1>
    %ne3A_171 = arith.xori %lt3A_166, %ne3A_170 : vector<16xi1>
    %and3A_172 = arith.andi %ne3A_171, %ne3A_163 : vector<16xi1>
    %add3A_173 = vector.broadcast %select_n3A_158 : i32 to vector<16xi32>
    %add3A_174 = arith.addi %rem3A_160, %add3A_173 : vector<16xi32>
    %select_n3A_175 = arith.select %and3A_172, %add3A_174, %rem3A_160 : vector<16xi1>, vector<16xi32>
    %broadcast_in_dim3A_176 = vector.shape_cast %select_n3A_175 : vector<16xi32> to vector<16x1xi32>
    %gather3A_177 = vector.shape_cast %broadcast_in_dim3A_176 : vector<16x1xi32> to vector<16xi32>
    %gather3A_178 = tpu.dynamic_gather %max3A_150[%gather3A_177] in [0] : vector<16xf32>, vector<16xi32> -> vector<16xf32>
    %max3A_179 = arith.maximumf %max3A_150, %gather3A_178 : vector<16xf32>
    %add3A_180 = arith.constant 2 : i32
    %add3A_181 = vector.broadcast %add3A_180 : i32 to vector<16xi32>
    %add3A_182 = arith.addi %iota3A, %add3A_181 : vector<16xi32>
    %jit3A_183 = arith.constant 16 : i32
    %eq3A_184 = arith.constant 0 : i32
    %eq3A_185 = arith.cmpi eq, %jit3A_183, %eq3A_184 : i32
    %jit3A_186 = arith.constant 1 : i32
    %select_n3A_187 = arith.select %eq3A_185, %jit3A_186, %jit3A_183 : i32
    %rem3A_188 = vector.broadcast %select_n3A_187 : i32 to vector<16xi32>
    %rem3A_189 = arith.remsi %add3A_182, %rem3A_188 : vector<16xi32>
    %ne3A_190 = arith.constant 0 : i32
    %ne3A_191 = vector.broadcast %ne3A_190 : i32 to vector<16xi32>
    %ne3A_192 = arith.cmpi ne, %rem3A_189, %ne3A_191 : vector<16xi32>
    %lt3A_193 = arith.constant 0 : i32
    %lt3A_194 = vector.broadcast %lt3A_193 : i32 to vector<16xi32>
    %lt3A_195 = arith.cmpi slt, %rem3A_189, %lt3A_194 : vector<16xi32>
    %lt3A_196 = arith.constant 0 : i32
    %lt3A_197 = arith.cmpi slt, %select_n3A_187, %lt3A_196 : i32
    %ne3A_198 = vector.broadcast %lt3A_197 : i1 to vector<16xi1>
    %ne3A_199 = vector.broadcast %ne3A_198 : vector<16xi1> to vector<16xi1>
    %ne3A_200 = arith.xori %lt3A_195, %ne3A_199 : vector<16xi1>
    %and3A_201 = arith.andi %ne3A_200, %ne3A_192 : vector<16xi1>
    %add3A_202 = vector.broadcast %select_n3A_187 : i32 to vector<16xi32>
    %add3A_203 = arith.addi %rem3A_189, %add3A_202 : vector<16xi32>
    %select_n3A_204 = arith.select %and3A_201, %add3A_203, %rem3A_189 : vector<16xi1>, vector<16xi32>
    %broadcast_in_dim3A_205 = vector.shape_cast %select_n3A_204 : vector<16xi32> to vector<16x1xi32>
    %gather3A_206 = vector.shape_cast %broadcast_in_dim3A_205 : vector<16x1xi32> to vector<16xi32>
    %gather3A_207 = tpu.dynamic_gather %max3A_179[%gather3A_206] in [0] : vector<16xf32>, vector<16xi32> -> vector<16xf32>
    %max3A_208 = arith.maximumf %max3A_179, %gather3A_207 : vector<16xf32>
    %add3A_209 = arith.constant 1 : i32
    %add3A_210 = vector.broadcast %add3A_209 : i32 to vector<16xi32>
    %add3A_211 = arith.addi %iota3A, %add3A_210 : vector<16xi32>
    %jit3A_212 = arith.constant 16 : i32
    %eq3A_213 = arith.constant 0 : i32
    %eq3A_214 = arith.cmpi eq, %jit3A_212, %eq3A_213 : i32
    %jit3A_215 = arith.constant 1 : i32
    %select_n3A_216 = arith.select %eq3A_214, %jit3A_215, %jit3A_212 : i32
    %rem3A_217 = vector.broadcast %select_n3A_216 : i32 to vector<16xi32>
    %rem3A_218 = arith.remsi %add3A_211, %rem3A_217 : vector<16xi32>
    %ne3A_219 = arith.constant 0 : i32
    %ne3A_220 = vector.broadcast %ne3A_219 : i32 to vector<16xi32>
    %ne3A_221 = arith.cmpi ne, %rem3A_218, %ne3A_220 : vector<16xi32>
    %lt3A_222 = arith.constant 0 : i32
    %lt3A_223 = vector.broadcast %lt3A_222 : i32 to vector<16xi32>
    %lt3A_224 = arith.cmpi slt, %rem3A_218, %lt3A_223 : vector<16xi32>
    %lt3A_225 = arith.constant 0 : i32
    %lt3A_226 = arith.cmpi slt, %select_n3A_216, %lt3A_225 : i32
    %ne3A_227 = vector.broadcast %lt3A_226 : i1 to vector<16xi1>
    %ne3A_228 = vector.broadcast %ne3A_227 : vector<16xi1> to vector<16xi1>
    %ne3A_229 = arith.xori %lt3A_224, %ne3A_228 : vector<16xi1>
    %and3A_230 = arith.andi %ne3A_229, %ne3A_221 : vector<16xi1>
    %add3A_231 = vector.broadcast %select_n3A_216 : i32 to vector<16xi32>
    %add3A_232 = arith.addi %rem3A_218, %add3A_231 : vector<16xi32>
    %select_n3A_233 = arith.select %and3A_230, %add3A_232, %rem3A_218 : vector<16xi1>, vector<16xi32>
    %broadcast_in_dim3A_234 = vector.shape_cast %select_n3A_233 : vector<16xi32> to vector<16x1xi32>
    %gather3A_235 = vector.shape_cast %broadcast_in_dim3A_234 : vector<16x1xi32> to vector<16xi32>
    %gather3A_236 = tpu.dynamic_gather %max3A_208[%gather3A_235] in [0] : vector<16xf32>, vector<16xi32> -> vector<16xf32>
    %max3A_237 = arith.maximumf %max3A_208, %gather3A_236 : vector<16xf32>
    %broadcast_in_dim3A_238 = arith.constant 0.000000e+00 : f32
    %broadcast_in_dim3A_239 = vector.broadcast %broadcast_in_dim3A_238 : f32 to vector<16xf32>
    %scan3A_240 = arith.constant 0 : i32
    %scan3A_241 = arith.constant 32 : i32
    %scan3A_242 = arith.addi %scan3A_240, %scan3A_241 : i32
    %scan3A_243 = arith.constant 8 : i32
    %scan3A_244 = scf.for %scan3A_450 = %scan3A_240 to %scan3A_242 step %scan3A_243 iter_args(%scan3A_451 = %broadcast_in_dim3A_239) -> (vector<16xf32>)  : i32 {
      %mul3A_452 = arith.constant 16 : i32
      %mul3A_453 = arith.muli %scan3A_450, %mul3A_452 : i32
      %get3A_454 = arith.index_cast %mul3A_453 : i32 to index
      %get3A_455 = tpu.vector_load %arg11[%get3A_454] {strides = array<i32>} : memref<512xf32, #tpu.memory_space<vmem>>, vector<16xf32>,
      %sub3A_456 = arith.subf %get3A_455, %max3A_237 : vector<16xf32>
      %exp3A = math.exp %sub3A_456 : vector<16xf32>
      %mul3A_457 = arith.constant 16 : i32
      %mul3A_458 = arith.muli %scan3A_450, %mul3A_457 : i32
      %swap3A_459 = arith.index_cast %mul3A_458 : i32 to index
      %swap3A_460 = tpu.vector_load %arg13[%swap3A_459] {strides = array<i32>} : memref<512xf32, #tpu.memory_space<vmem>>, vector<16xf32>,
      tpu.vector_store %arg13[%swap3A_459], %exp3A {strides = array<i32>} : memref<512xf32, #tpu.memory_space<vmem>>, vector<16xf32>,
      %add3A_461 = arith.addf %scan3A_451, %exp3A : vector<16xf32>
      %scan3A_462 = arith.constant 1 : i32
      %scan3A_463 = arith.addi %scan3A_450, %scan3A_462 : i32
      %mul3A_464 = arith.constant 16 : i32
      %mul3A_465 = arith.muli %scan3A_463, %mul3A_464 : i32
      %get3A_466 = arith.index_cast %mul3A_465 : i32 to index
      %get3A_467 = tpu.vector_load %arg11[%get3A_466] {strides = array<i32>} : memref<512xf32, #tpu.memory_space<vmem>>, vector<16xf32>,
      %sub3A_468 = arith.subf %get3A_467, %max3A_237 : vector<16xf32>
      %exp3A_469 = math.exp %sub3A_468 : vector<16xf32>
      %mul3A_470 = arith.constant 16 : i32
      %mul3A_471 = arith.muli %scan3A_463, %mul3A_470 : i32
      %swap3A_472 = arith.index_cast %mul3A_471 : i32 to index
      %swap3A_473 = tpu.vector_load %arg13[%swap3A_472] {strides = array<i32>} : memref<512xf32, #tpu.memory_space<vmem>>, vector<16xf32>,
      tpu.vector_store %arg13[%swap3A_472], %exp3A_469 {strides = array<i32>} : memref<512xf32, #tpu.memory_space<vmem>>, vector<16xf32>,
      %add3A_474 = arith.addf %add3A_461, %exp3A_469 : vector<16xf32>
      %scan3A_475 = arith.constant 2 : i32
      %scan3A_476 = arith.addi %scan3A_450, %scan3A_475 : i32
      %mul3A_477 = arith.constant 16 : i32
      %mul3A_478 = arith.muli %scan3A_476, %mul3A_477 : i32
      %get3A_479 = arith.index_cast %mul3A_478 : i32 to index
      %get3A_480 = tpu.vector_load %arg11[%get3A_479] {strides = array<i32>} : memref<512xf32, #tpu.memory_space<vmem>>, vector<16xf32>,
      %sub3A_481 = arith.subf %get3A_480, %max3A_237 : vector<16xf32>
      %exp3A_482 = math.exp %sub3A_481 : vector<16xf32>
      %mul3A_483 = arith.constant 16 : i32
      %mul3A_484 = arith.muli %scan3A_476, %mul3A_483 : i32
      %swap3A_485 = arith.index_cast %mul3A_484 : i32 to index
      %swap3A_486 = tpu.vector_load %arg13[%swap3A_485] {strides = array<i32>} : memref<512xf32, #tpu.memory_space<vmem>>, vector<16xf32>,
      tpu.vector_store %arg13[%swap3A_485], %exp3A_482 {strides = array<i32>} : memref<512xf32, #tpu.memory_space<vmem>>, vector<16xf32>,
      %add3A_487 = arith.addf %add3A_474, %exp3A_482 : vector<16xf32>
      %scan3A_488 = arith.constant 3 : i32
      %scan3A_489 = arith.addi %scan3A_450, %scan3A_488 : i32
      %mul3A_490 = arith.constant 16 : i32
      %mul3A_491 = arith.muli %scan3A_489, %mul3A_490 : i32
      %get3A_492 = arith.index_cast %mul3A_491 : i32 to index
      %get3A_493 = tpu.vector_load %arg11[%get3A_492] {strides = array<i32>} : memref<512xf32, #tpu.memory_space<vmem>>, vector<16xf32>,
      %sub3A_494 = arith.subf %get3A_493, %max3A_237 : vector<16xf32>
      %exp3A_495 = math.exp %sub3A_494 : vector<16xf32>
      %mul3A_496 = arith.constant 16 : i32
      %mul3A_497 = arith.muli %scan3A_489, %mul3A_496 : i32
      %swap3A_498 = arith.index_cast %mul3A_497 : i32 to index
      %swap3A_499 = tpu.vector_load %arg13[%swap3A_498] {strides = array<i32>} : memref<512xf32, #tpu.memory_space<vmem>>, vector<16xf32>,
      tpu.vector_store %arg13[%swap3A_498], %exp3A_495 {strides = array<i32>} : memref<512xf32, #tpu.memory_space<vmem>>, vector<16xf32>,
      %add3A_500 = arith.addf %add3A_487, %exp3A_495 : vector<16xf32>
      %scan3A_501 = arith.constant 4 : i32
      %scan3A_502 = arith.addi %scan3A_450, %scan3A_501 : i32
      %mul3A_503 = arith.constant 16 : i32
      %mul3A_504 = arith.muli %scan3A_502, %mul3A_503 : i32
      %get3A_505 = arith.index_cast %mul3A_504 : i32 to index
      %get3A_506 = tpu.vector_load %arg11[%get3A_505] {strides = array<i32>} : memref<512xf32, #tpu.memory_space<vmem>>, vector<16xf32>,
      %sub3A_507 = arith.subf %get3A_506, %max3A_237 : vector<16xf32>
      %exp3A_508 = math.exp %sub3A_507 : vector<16xf32>
      %mul3A_509 = arith.constant 16 : i32
      %mul3A_510 = arith.muli %scan3A_502, %mul3A_509 : i32
      %swap3A_511 = arith.index_cast %mul3A_510 : i32 to index
      %swap3A_512 = tpu.vector_load %arg13[%swap3A_511] {strides = array<i32>} : memref<512xf32, #tpu.memory_space<vmem>>, vector<16xf32>,
      tpu.vector_store %arg13[%swap3A_511], %exp3A_508 {strides = array<i32>} : memref<512xf32, #tpu.memory_space<vmem>>, vector<16xf32>,
      %add3A_513 = arith.addf %add3A_500, %exp3A_508 : vector<16xf32>
      %scan3A_514 = arith.constant 5 : i32
      %scan3A_515 = arith.addi %scan3A_450, %scan3A_514 : i32
      %mul3A_516 = arith.constant 16 : i32
      %mul3A_517 = arith.muli %scan3A_515, %mul3A_516 : i32
      %get3A_518 = arith.index_cast %mul3A_517 : i32 to index
      %get3A_519 = tpu.vector_load %arg11[%get3A_518] {strides = array<i32>} : memref<512xf32, #tpu.memory_space<vmem>>, vector<16xf32>,
      %sub3A_520 = arith.subf %get3A_519, %max3A_237 : vector<16xf32>
      %exp3A_521 = math.exp %sub3A_520 : vector<16xf32>
      %mul3A_522 = arith.constant 16 : i32
      %mul3A_523 = arith.muli %scan3A_515, %mul3A_522 : i32
      %swap3A_524 = arith.index_cast %mul3A_523 : i32 to index
      %swap3A_525 = tpu.vector_load %arg13[%swap3A_524] {strides = array<i32>} : memref<512xf32, #tpu.memory_space<vmem>>, vector<16xf32>,
      tpu.vector_store %arg13[%swap3A_524], %exp3A_521 {strides = array<i32>} : memref<512xf32, #tpu.memory_space<vmem>>, vector<16xf32>,
      %add3A_526 = arith.addf %add3A_513, %exp3A_521 : vector<16xf32>
      %scan3A_527 = arith.constant 6 : i32
      %scan3A_528 = arith.addi %scan3A_450, %scan3A_527 : i32
      %mul3A_529 = arith.constant 16 : i32
      %mul3A_530 = arith.muli %scan3A_528, %mul3A_529 : i32
      %get3A_531 = arith.index_cast %mul3A_530 : i32 to index
      %get3A_532 = tpu.vector_load %arg11[%get3A_531] {strides = array<i32>} : memref<512xf32, #tpu.memory_space<vmem>>, vector<16xf32>,
      %sub3A_533 = arith.subf %get3A_532, %max3A_237 : vector<16xf32>
      %exp3A_534 = math.exp %sub3A_533 : vector<16xf32>
      %mul3A_535 = arith.constant 16 : i32
      %mul3A_536 = arith.muli %scan3A_528, %mul3A_535 : i32
      %swap3A_537 = arith.index_cast %mul3A_536 : i32 to index
      %swap3A_538 = tpu.vector_load %arg13[%swap3A_537] {strides = array<i32>} : memref<512xf32, #tpu.memory_space<vmem>>, vector<16xf32>,
      tpu.vector_store %arg13[%swap3A_537], %exp3A_534 {strides = array<i32>} : memref<512xf32, #tpu.memory_space<vmem>>, vector<16xf32>,
      %add3A_539 = arith.addf %add3A_526, %exp3A_534 : vector<16xf32>
      %scan3A_540 = arith.constant 7 : i32
      %scan3A_541 = arith.addi %scan3A_450, %scan3A_540 : i32
      %mul3A_542 = arith.constant 16 : i32
      %mul3A_543 = arith.muli %scan3A_541, %mul3A_542 : i32
      %get3A_544 = arith.index_cast %mul3A_543 : i32 to index
      %get3A_545 = tpu.vector_load %arg11[%get3A_544] {strides = array<i32>} : memref<512xf32, #tpu.memory_space<vmem>>, vector<16xf32>,
      %sub3A_546 = arith.subf %get3A_545, %max3A_237 : vector<16xf32>
      %exp3A_547 = math.exp %sub3A_546 : vector<16xf32>
      %mul3A_548 = arith.constant 16 : i32
      %mul3A_549 = arith.muli %scan3A_541, %mul3A_548 : i32
      %swap3A_550 = arith.index_cast %mul3A_549 : i32 to index
      %swap3A_551 = tpu.vector_load %arg13[%swap3A_550] {strides = array<i32>} : memref<512xf32, #tpu.memory_space<vmem>>, vector<16xf32>,
      tpu.vector_store %arg13[%swap3A_550], %exp3A_547 {strides = array<i32>} : memref<512xf32, #tpu.memory_space<vmem>>, vector<16xf32>,
      %add3A_552 = arith.addf %add3A_539, %exp3A_547 : vector<16xf32>
      scf.yield %add3A_552 : vector<16xf32>
    }
    %scan3A_245 = arith.constant 32 : i32
    %swap3A_246 = arith.constant 0 : index
    %swap3A_247 = tpu.vector_load %arg15[%swap3A_246] {strides = array<i32>} : memref<16xf32, #tpu.memory_space<vmem>>, vector<16xf32>,
    tpu.vector_store %arg15[%swap3A_246], %scan3A_244 {strides = array<i32>} : memref<16xf32, #tpu.memory_space<vmem>>, vector<16xf32>,
    %mul3A_248 = arith.constant 16 : i32
    %mul3A_249 = arith.muli %arg1, %mul3A_248 : i32
    "tpu.region"() ({
      %run_scoped3A = tpu.sem_alloc : memref<!tpu.dma_semaphore, #tpu.memory_space<semaphore_mem>>
      %dma_start3A_450 = tpu.memref_slice %arg22[%mul3A_249] : memref<256xf32, #tpu.memory_space<vmem_shared>> -> memref<16xf32, #tpu.memory_space<vmem_shared>>
      %dma_start3A_451 = tpu.memref_slice %arg22[%mul3A_249] : memref<256xf32, #tpu.memory_space<vmem_shared>> -> memref<16xf32, #tpu.memory_space<vmem_shared>>
      tpu.enqueue_dma source(%arg15 : memref<16xf32, #tpu.memory_space<vmem>>) target(%dma_start3A_451 : memref<16xf32, #tpu.memory_space<vmem_shared>>) target_semaphore(%run_scoped3A : memref<!tpu.dma_semaphore, #tpu.memory_space<semaphore_mem>>)
      %dma_wait3A_452 = tpu.memref_slice %arg22[%mul3A_249] : memref<256xf32, #tpu.memory_space<vmem_shared>> -> memref<16xf32, #tpu.memory_space<vmem_shared>>
      %dma_wait3A_453 = tpu.memref_slice %arg22[%mul3A_249] : memref<256xf32, #tpu.memory_space<vmem_shared>> -> memref<16xf32, #tpu.memory_space<vmem_shared>>
      tpu.wait_dma2 semaphore(%run_scoped3A : memref<!tpu.dma_semaphore, #tpu.memory_space<semaphore_mem>>) src(%arg15 : memref<16xf32, #tpu.memory_space<vmem>>) dst(%dma_wait3A_453 : memref<16xf32, #tpu.memory_space<vmem_shared>>)
      tpu.yield
    }) : () -> ()
    %barrier3A_250 = arith.constant 0 : index
    tpu.barrier barrier_id(%barrier3A_250)
    "tpu.region"() ({
      %run_scoped3A = tpu.sem_alloc : memref<!tpu.dma_semaphore, #tpu.memory_space<semaphore_mem>>
      %dma_start3A_450 = tpu.memref_slice %arg22[%mul3A_58] : memref<256xf32, #tpu.memory_space<vmem_shared>> -> memref<128xf32, #tpu.memory_space<vmem_shared>>
      %dma_start3A_451 = tpu.memref_slice %arg22[%mul3A_58] : memref<256xf32, #tpu.memory_space<vmem_shared>> -> memref<128xf32, #tpu.memory_space<vmem_shared>>
      tpu.enqueue_dma source(%dma_start3A_451 : memref<128xf32, #tpu.memory_space<vmem_shared>>) target(%arg17 : memref<128xf32, #tpu.memory_space<vmem>>) target_semaphore(%run_scoped3A : memref<!tpu.dma_semaphore, #tpu.memory_space<semaphore_mem>>)
      %dma_wait3A_452 = tpu.memref_slice %arg22[%mul3A_58] : memref<256xf32, #tpu.memory_space<vmem_shared>> -> memref<128xf32, #tpu.memory_space<vmem_shared>>
      %dma_wait3A_453 = tpu.memref_slice %arg22[%mul3A_58] : memref<256xf32, #tpu.memory_space<vmem_shared>> -> memref<128xf32, #tpu.memory_space<vmem_shared>>
      tpu.wait_dma2 semaphore(%run_scoped3A : memref<!tpu.dma_semaphore, #tpu.memory_space<semaphore_mem>>) src(%dma_wait3A_453 : memref<128xf32, #tpu.memory_space<vmem_shared>>) dst(%arg17 : memref<128xf32, #tpu.memory_space<vmem>>)
      tpu.yield
    }) : () -> ()
    %get3A_251 = arith.constant 0 : index
    %get3A_252 = tpu.vector_load %arg17[%get3A_251] {strides = array<i32>} : memref<128xf32, #tpu.memory_space<vmem>>, vector<16xf32>,
    %get3A_253 = arith.constant 16 : index
    %get3A_254 = tpu.vector_load %arg17[%get3A_253] {strides = array<i32>} : memref<128xf32, #tpu.memory_space<vmem>>, vector<16xf32>,
    %add3A_255 = arith.addf %get3A_252, %get3A_254 : vector<16xf32>
    %get3A_256 = arith.constant 32 : index
    %get3A_257 = tpu.vector_load %arg17[%get3A_256] {strides = array<i32>} : memref<128xf32, #tpu.memory_space<vmem>>, vector<16xf32>,
    %add3A_258 = arith.addf %add3A_255, %get3A_257 : vector<16xf32>
    %get3A_259 = arith.constant 48 : index
    %get3A_260 = tpu.vector_load %arg17[%get3A_259] {strides = array<i32>} : memref<128xf32, #tpu.memory_space<vmem>>, vector<16xf32>,
    %add3A_261 = arith.addf %add3A_258, %get3A_260 : vector<16xf32>
    %get3A_262 = arith.constant 64 : index
    %get3A_263 = tpu.vector_load %arg17[%get3A_262] {strides = array<i32>} : memref<128xf32, #tpu.memory_space<vmem>>, vector<16xf32>,
    %add3A_264 = arith.addf %add3A_261, %get3A_263 : vector<16xf32>
    %get3A_265 = arith.constant 80 : index
    %get3A_266 = tpu.vector_load %arg17[%get3A_265] {strides = array<i32>} : memref<128xf32, #tpu.memory_space<vmem>>, vector<16xf32>,
    %add3A_267 = arith.addf %add3A_264, %get3A_266 : vector<16xf32>
    %get3A_268 = arith.constant 96 : index
    %get3A_269 = tpu.vector_load %arg17[%get3A_268] {strides = array<i32>} : memref<128xf32, #tpu.memory_space<vmem>>, vector<16xf32>,
    %add3A_270 = arith.addf %add3A_267, %get3A_269 : vector<16xf32>
    %get3A_271 = arith.constant 112 : index
    %get3A_272 = tpu.vector_load %arg17[%get3A_271] {strides = array<i32>} : memref<128xf32, #tpu.memory_space<vmem>>, vector<16xf32>,
    %add3A_273 = arith.addf %add3A_270, %get3A_272 : vector<16xf32>
    %iota3A_274 = tpu.iota {dimensions = array<i32: 0>} : vector<16xi32>
    %add3A_275 = arith.constant 8 : i32
    %add3A_276 = vector.broadcast %add3A_275 : i32 to vector<16xi32>
    %add3A_277 = arith.addi %iota3A_274, %add3A_276 : vector<16xi32>
    %jit3A_278 = arith.constant 16 : i32
    %eq3A_279 = arith.constant 0 : i32
    %eq3A_280 = arith.cmpi eq, %jit3A_278, %eq3A_279 : i32
    %jit3A_281 = arith.constant 1 : i32
    %select_n3A_282 = arith.select %eq3A_280, %jit3A_281, %jit3A_278 : i32
    %rem3A_283 = vector.broadcast %select_n3A_282 : i32 to vector<16xi32>
    %rem3A_284 = arith.remsi %add3A_277, %rem3A_283 : vector<16xi32>
    %ne3A_285 = arith.constant 0 : i32
    %ne3A_286 = vector.broadcast %ne3A_285 : i32 to vector<16xi32>
    %ne3A_287 = arith.cmpi ne, %rem3A_284, %ne3A_286 : vector<16xi32>
    %lt3A_288 = arith.constant 0 : i32
    %lt3A_289 = vector.broadcast %lt3A_288 : i32 to vector<16xi32>
    %lt3A_290 = arith.cmpi slt, %rem3A_284, %lt3A_289 : vector<16xi32>
    %lt3A_291 = arith.constant 0 : i32
    %lt3A_292 = arith.cmpi slt, %select_n3A_282, %lt3A_291 : i32
    %ne3A_293 = vector.broadcast %lt3A_292 : i1 to vector<16xi1>
    %ne3A_294 = vector.broadcast %ne3A_293 : vector<16xi1> to vector<16xi1>
    %ne3A_295 = arith.xori %lt3A_290, %ne3A_294 : vector<16xi1>
    %and3A_296 = arith.andi %ne3A_295, %ne3A_287 : vector<16xi1>
    %add3A_297 = vector.broadcast %select_n3A_282 : i32 to vector<16xi32>
    %add3A_298 = arith.addi %rem3A_284, %add3A_297 : vector<16xi32>
    %select_n3A_299 = arith.select %and3A_296, %add3A_298, %rem3A_284 : vector<16xi1>, vector<16xi32>
    %broadcast_in_dim3A_300 = vector.shape_cast %select_n3A_299 : vector<16xi32> to vector<16x1xi32>
    %gather3A_301 = vector.shape_cast %broadcast_in_dim3A_300 : vector<16x1xi32> to vector<16xi32>
    %gather3A_302 = tpu.dynamic_gather %add3A_273[%gather3A_301] in [0] : vector<16xf32>, vector<16xi32> -> vector<16xf32>
    %add3A_303 = arith.addf %add3A_273, %gather3A_302 : vector<16xf32>
    %add3A_304 = arith.constant 4 : i32
    %add3A_305 = vector.broadcast %add3A_304 : i32 to vector<16xi32>
    %add3A_306 = arith.addi %iota3A_274, %add3A_305 : vector<16xi32>
    %jit3A_307 = arith.constant 16 : i32
    %eq3A_308 = arith.constant 0 : i32
    %eq3A_309 = arith.cmpi eq, %jit3A_307, %eq3A_308 : i32
    %jit3A_310 = arith.constant 1 : i32
    %select_n3A_311 = arith.select %eq3A_309, %jit3A_310, %jit3A_307 : i32
    %rem3A_312 = vector.broadcast %select_n3A_311 : i32 to vector<16xi32>
    %rem3A_313 = arith.remsi %add3A_306, %rem3A_312 : vector<16xi32>
    %ne3A_314 = arith.constant 0 : i32
    %ne3A_315 = vector.broadcast %ne3A_314 : i32 to vector<16xi32>
    %ne3A_316 = arith.cmpi ne, %rem3A_313, %ne3A_315 : vector<16xi32>
    %lt3A_317 = arith.constant 0 : i32
    %lt3A_318 = vector.broadcast %lt3A_317 : i32 to vector<16xi32>
    %lt3A_319 = arith.cmpi slt, %rem3A_313, %lt3A_318 : vector<16xi32>
    %lt3A_320 = arith.constant 0 : i32
    %lt3A_321 = arith.cmpi slt, %select_n3A_311, %lt3A_320 : i32
    %ne3A_322 = vector.broadcast %lt3A_321 : i1 to vector<16xi1>
    %ne3A_323 = vector.broadcast %ne3A_322 : vector<16xi1> to vector<16xi1>
    %ne3A_324 = arith.xori %lt3A_319, %ne3A_323 : vector<16xi1>
    %and3A_325 = arith.andi %ne3A_324, %ne3A_316 : vector<16xi1>
    %add3A_326 = vector.broadcast %select_n3A_311 : i32 to vector<16xi32>
    %add3A_327 = arith.addi %rem3A_313, %add3A_326 : vector<16xi32>
    %select_n3A_328 = arith.select %and3A_325, %add3A_327, %rem3A_313 : vector<16xi1>, vector<16xi32>
    %broadcast_in_dim3A_329 = vector.shape_cast %select_n3A_328 : vector<16xi32> to vector<16x1xi32>
    %gather3A_330 = vector.shape_cast %broadcast_in_dim3A_329 : vector<16x1xi32> to vector<16xi32>
    %gather3A_331 = tpu.dynamic_gather %add3A_303[%gather3A_330] in [0] : vector<16xf32>, vector<16xi32> -> vector<16xf32>
    %add3A_332 = arith.addf %add3A_303, %gather3A_331 : vector<16xf32>
    %add3A_333 = arith.constant 2 : i32
    %add3A_334 = vector.broadcast %add3A_333 : i32 to vector<16xi32>
    %add3A_335 = arith.addi %iota3A_274, %add3A_334 : vector<16xi32>
    %jit3A_336 = arith.constant 16 : i32
    %eq3A_337 = arith.constant 0 : i32
    %eq3A_338 = arith.cmpi eq, %jit3A_336, %eq3A_337 : i32
    %jit3A_339 = arith.constant 1 : i32
    %select_n3A_340 = arith.select %eq3A_338, %jit3A_339, %jit3A_336 : i32
    %rem3A_341 = vector.broadcast %select_n3A_340 : i32 to vector<16xi32>
    %rem3A_342 = arith.remsi %add3A_335, %rem3A_341 : vector<16xi32>
    %ne3A_343 = arith.constant 0 : i32
    %ne3A_344 = vector.broadcast %ne3A_343 : i32 to vector<16xi32>
    %ne3A_345 = arith.cmpi ne, %rem3A_342, %ne3A_344 : vector<16xi32>
    %lt3A_346 = arith.constant 0 : i32
    %lt3A_347 = vector.broadcast %lt3A_346 : i32 to vector<16xi32>
    %lt3A_348 = arith.cmpi slt, %rem3A_342, %lt3A_347 : vector<16xi32>
    %lt3A_349 = arith.constant 0 : i32
    %lt3A_350 = arith.cmpi slt, %select_n3A_340, %lt3A_349 : i32
    %ne3A_351 = vector.broadcast %lt3A_350 : i1 to vector<16xi1>
    %ne3A_352 = vector.broadcast %ne3A_351 : vector<16xi1> to vector<16xi1>
    %ne3A_353 = arith.xori %lt3A_348, %ne3A_352 : vector<16xi1>
    %and3A_354 = arith.andi %ne3A_353, %ne3A_345 : vector<16xi1>
    %add3A_355 = vector.broadcast %select_n3A_340 : i32 to vector<16xi32>
    %add3A_356 = arith.addi %rem3A_342, %add3A_355 : vector<16xi32>
    %select_n3A_357 = arith.select %and3A_354, %add3A_356, %rem3A_342 : vector<16xi1>, vector<16xi32>
    %broadcast_in_dim3A_358 = vector.shape_cast %select_n3A_357 : vector<16xi32> to vector<16x1xi32>
    %gather3A_359 = vector.shape_cast %broadcast_in_dim3A_358 : vector<16x1xi32> to vector<16xi32>
    %gather3A_360 = tpu.dynamic_gather %add3A_332[%gather3A_359] in [0] : vector<16xf32>, vector<16xi32> -> vector<16xf32>
    %add3A_361 = arith.addf %add3A_332, %gather3A_360 : vector<16xf32>
    %add3A_362 = arith.constant 1 : i32
    %add3A_363 = vector.broadcast %add3A_362 : i32 to vector<16xi32>
    %add3A_364 = arith.addi %iota3A_274, %add3A_363 : vector<16xi32>
    %jit3A_365 = arith.constant 16 : i32
    %eq3A_366 = arith.constant 0 : i32
    %eq3A_367 = arith.cmpi eq, %jit3A_365, %eq3A_366 : i32
    %jit3A_368 = arith.constant 1 : i32
    %select_n3A_369 = arith.select %eq3A_367, %jit3A_368, %jit3A_365 : i32
    %rem3A_370 = vector.broadcast %select_n3A_369 : i32 to vector<16xi32>
    %rem3A_371 = arith.remsi %add3A_364, %rem3A_370 : vector<16xi32>
    %ne3A_372 = arith.constant 0 : i32
    %ne3A_373 = vector.broadcast %ne3A_372 : i32 to vector<16xi32>
    %ne3A_374 = arith.cmpi ne, %rem3A_371, %ne3A_373 : vector<16xi32>
    %lt3A_375 = arith.constant 0 : i32
    %lt3A_376 = vector.broadcast %lt3A_375 : i32 to vector<16xi32>
    %lt3A_377 = arith.cmpi slt, %rem3A_371, %lt3A_376 : vector<16xi32>
    %lt3A_378 = arith.constant 0 : i32
    %lt3A_379 = arith.cmpi slt, %select_n3A_369, %lt3A_378 : i32
    %ne3A_380 = vector.broadcast %lt3A_379 : i1 to vector<16xi1>
    %ne3A_381 = vector.broadcast %ne3A_380 : vector<16xi1> to vector<16xi1>
    %ne3A_382 = arith.xori %lt3A_377, %ne3A_381 : vector<16xi1>
    %and3A_383 = arith.andi %ne3A_382, %ne3A_374 : vector<16xi1>
    %add3A_384 = vector.broadcast %select_n3A_369 : i32 to vector<16xi32>
    %add3A_385 = arith.addi %rem3A_371, %add3A_384 : vector<16xi32>
    %select_n3A_386 = arith.select %and3A_383, %add3A_385, %rem3A_371 : vector<16xi1>, vector<16xi32>
    %broadcast_in_dim3A_387 = vector.shape_cast %select_n3A_386 : vector<16xi32> to vector<16x1xi32>
    %gather3A_388 = vector.shape_cast %broadcast_in_dim3A_387 : vector<16x1xi32> to vector<16xi32>
    %gather3A_389 = tpu.dynamic_gather %add3A_361[%gather3A_388] in [0] : vector<16xf32>, vector<16xi32> -> vector<16xf32>
    %add3A_390 = arith.addf %add3A_361, %gather3A_389 : vector<16xf32>
    %div3A_391 = arith.constant 1.000000e+00 : f32
    %div3A_392 = vector.broadcast %div3A_391 : f32 to vector<16xf32>
    %div3A_393 = arith.divf %div3A_392, %add3A_390 : vector<16xf32>
    %broadcast_in_dim3A_394 = arith.constant 0xFF800000 : f32
    %broadcast_in_dim3A_395 = vector.broadcast %broadcast_in_dim3A_394 : f32 to vector<16xf32>
    %broadcast_in_dim3A_396 = arith.constant 0 : i32
    %broadcast_in_dim3A_397 = vector.broadcast %broadcast_in_dim3A_396 : i32 to vector<16xi32>
    %broadcast_in_dim3A_398 = arith.constant 0x7F800000 : f32
    %broadcast_in_dim3A_399 = vector.broadcast %broadcast_in_dim3A_398 : f32 to vector<16xf32>
    %broadcast_in_dim3A_400 = arith.constant 0 : i32
    %broadcast_in_dim3A_401 = vector.broadcast %broadcast_in_dim3A_400 : i32 to vector<16xi32>
    %scan3A_402 = arith.constant 0 : i32
    %scan3A_403 = arith.constant 32 : i32
    %scan3A_404 = arith.addi %scan3A_402, %scan3A_403 : i32
    %scan3A_405 = arith.constant 8 : i32
    %scan3A_406:4 = scf.for %scan3A_450 = %scan3A_402 to %scan3A_404 step %scan3A_405 iter_args(%scan3A_451 = %broadcast_in_dim3A_395, %scan3A_452 = %broadcast_in_dim3A_397, %scan3A_453 = %broadcast_in_dim3A_399, %scan3A_454 = %broadcast_in_dim3A_401) -> (vector<16xf32>, vector<16xi32>, vector<16xf32>, vector<16xi32>)  : i32 {
      %mul3A_455 = arith.constant 16 : i32
      %mul3A_456 = arith.muli %scan3A_450, %mul3A_455 : i32
      %get3A_457 = arith.index_cast %mul3A_456 : i32 to index
      %get3A_458 = tpu.vector_load %arg10[%get3A_457] {strides = array<i32>} : memref<512xi32, #tpu.memory_space<vmem>>, vector<16xi32>,
      %mul3A_459 = arith.constant 16 : i32
      %mul3A_460 = arith.muli %scan3A_450, %mul3A_459 : i32
      %get3A_461 = arith.index_cast %mul3A_460 : i32 to index
      %get3A_462 = tpu.vector_load %arg13[%get3A_461] {strides = array<i32>} : memref<512xf32, #tpu.memory_space<vmem>>, vector<16xf32>,
      %mul3A_463 = arith.mulf %get3A_462, %div3A_393 : vector<16xf32>
      %mul3A_464 = arith.constant 16 : i32
      %mul3A_465 = arith.muli %scan3A_450, %mul3A_464 : i32
      %swap3A_466 = arith.index_cast %mul3A_465 : i32 to index
      %swap3A_467 = tpu.vector_load %arg13[%swap3A_466] {strides = array<i32>} : memref<512xf32, #tpu.memory_space<vmem>>, vector<16xf32>,
      tpu.vector_store %arg13[%swap3A_466], %mul3A_463 {strides = array<i32>} : memref<512xf32, #tpu.memory_space<vmem>>, vector<16xf32>,
      %mul3A_468 = arith.constant 16 : i32
      %mul3A_469 = arith.muli %scan3A_450, %mul3A_468 : i32
      %get3A_470 = arith.index_cast %mul3A_469 : i32 to index
      %get3A_471 = tpu.vector_load %arg12[%get3A_470] {strides = array<i32>} : memref<512xf32, #tpu.memory_space<vmem>>, vector<16xf32>,
      %mul3A_472 = arith.mulf %mul3A_463, %get3A_471 : vector<16xf32>
      %gt3A = arith.cmpf ogt, %mul3A_472, %scan3A_451 : vector<16xf32>
      %le3A = arith.cmpf ole, %mul3A_472, %scan3A_453 : vector<16xf32>
      %select_n3A_473 = arith.select %gt3A, %mul3A_472, %scan3A_451 : vector<16xi1>, vector<16xf32>
      %select_n3A_474 = arith.select %gt3A, %get3A_458, %scan3A_452 : vector<16xi1>, vector<16xi32>
      %select_n3A_475 = arith.select %le3A, %mul3A_472, %scan3A_453 : vector<16xi1>, vector<16xf32>
      %select_n3A_476 = arith.select %le3A, %get3A_458, %scan3A_454 : vector<16xi1>, vector<16xi32>
      %scan3A_477 = arith.constant 1 : i32
      %scan3A_478 = arith.addi %scan3A_450, %scan3A_477 : i32
      %mul3A_479 = arith.constant 16 : i32
      %mul3A_480 = arith.muli %scan3A_478, %mul3A_479 : i32
      %get3A_481 = arith.index_cast %mul3A_480 : i32 to index
      %get3A_482 = tpu.vector_load %arg10[%get3A_481] {strides = array<i32>} : memref<512xi32, #tpu.memory_space<vmem>>, vector<16xi32>,
      %mul3A_483 = arith.constant 16 : i32
      %mul3A_484 = arith.muli %scan3A_478, %mul3A_483 : i32
      %get3A_485 = arith.index_cast %mul3A_484 : i32 to index
      %get3A_486 = tpu.vector_load %arg13[%get3A_485] {strides = array<i32>} : memref<512xf32, #tpu.memory_space<vmem>>, vector<16xf32>,
      %mul3A_487 = arith.mulf %get3A_486, %div3A_393 : vector<16xf32>
      %mul3A_488 = arith.constant 16 : i32
      %mul3A_489 = arith.muli %scan3A_478, %mul3A_488 : i32
      %swap3A_490 = arith.index_cast %mul3A_489 : i32 to index
      %swap3A_491 = tpu.vector_load %arg13[%swap3A_490] {strides = array<i32>} : memref<512xf32, #tpu.memory_space<vmem>>, vector<16xf32>,
      tpu.vector_store %arg13[%swap3A_490], %mul3A_487 {strides = array<i32>} : memref<512xf32, #tpu.memory_space<vmem>>, vector<16xf32>,
      %mul3A_492 = arith.constant 16 : i32
      %mul3A_493 = arith.muli %scan3A_478, %mul3A_492 : i32
      %get3A_494 = arith.index_cast %mul3A_493 : i32 to index
      %get3A_495 = tpu.vector_load %arg12[%get3A_494] {strides = array<i32>} : memref<512xf32, #tpu.memory_space<vmem>>, vector<16xf32>,
      %mul3A_496 = arith.mulf %mul3A_487, %get3A_495 : vector<16xf32>
      %gt3A_497 = arith.cmpf ogt, %mul3A_496, %select_n3A_473 : vector<16xf32>
      %le3A_498 = arith.cmpf ole, %mul3A_496, %select_n3A_475 : vector<16xf32>
      %select_n3A_499 = arith.select %gt3A_497, %mul3A_496, %select_n3A_473 : vector<16xi1>, vector<16xf32>
      %select_n3A_500 = arith.select %gt3A_497, %get3A_482, %select_n3A_474 : vector<16xi1>, vector<16xi32>
      %select_n3A_501 = arith.select %le3A_498, %mul3A_496, %select_n3A_475 : vector<16xi1>, vector<16xf32>
      %select_n3A_502 = arith.select %le3A_498, %get3A_482, %select_n3A_476 : vector<16xi1>, vector<16xi32>
      %scan3A_503 = arith.constant 2 : i32
      %scan3A_504 = arith.addi %scan3A_450, %scan3A_503 : i32
      %mul3A_505 = arith.constant 16 : i32
      %mul3A_506 = arith.muli %scan3A_504, %mul3A_505 : i32
      %get3A_507 = arith.index_cast %mul3A_506 : i32 to index
      %get3A_508 = tpu.vector_load %arg10[%get3A_507] {strides = array<i32>} : memref<512xi32, #tpu.memory_space<vmem>>, vector<16xi32>,
      %mul3A_509 = arith.constant 16 : i32
      %mul3A_510 = arith.muli %scan3A_504, %mul3A_509 : i32
      %get3A_511 = arith.index_cast %mul3A_510 : i32 to index
      %get3A_512 = tpu.vector_load %arg13[%get3A_511] {strides = array<i32>} : memref<512xf32, #tpu.memory_space<vmem>>, vector<16xf32>,
      %mul3A_513 = arith.mulf %get3A_512, %div3A_393 : vector<16xf32>
      %mul3A_514 = arith.constant 16 : i32
      %mul3A_515 = arith.muli %scan3A_504, %mul3A_514 : i32
      %swap3A_516 = arith.index_cast %mul3A_515 : i32 to index
      %swap3A_517 = tpu.vector_load %arg13[%swap3A_516] {strides = array<i32>} : memref<512xf32, #tpu.memory_space<vmem>>, vector<16xf32>,
      tpu.vector_store %arg13[%swap3A_516], %mul3A_513 {strides = array<i32>} : memref<512xf32, #tpu.memory_space<vmem>>, vector<16xf32>,
      %mul3A_518 = arith.constant 16 : i32
      %mul3A_519 = arith.muli %scan3A_504, %mul3A_518 : i32
      %get3A_520 = arith.index_cast %mul3A_519 : i32 to index
      %get3A_521 = tpu.vector_load %arg12[%get3A_520] {strides = array<i32>} : memref<512xf32, #tpu.memory_space<vmem>>, vector<16xf32>,
      %mul3A_522 = arith.mulf %mul3A_513, %get3A_521 : vector<16xf32>
      %gt3A_523 = arith.cmpf ogt, %mul3A_522, %select_n3A_499 : vector<16xf32>
      %le3A_524 = arith.cmpf ole, %mul3A_522, %select_n3A_501 : vector<16xf32>
      %select_n3A_525 = arith.select %gt3A_523, %mul3A_522, %select_n3A_499 : vector<16xi1>, vector<16xf32>
      %select_n3A_526 = arith.select %gt3A_523, %get3A_508, %select_n3A_500 : vector<16xi1>, vector<16xi32>
      %select_n3A_527 = arith.select %le3A_524, %mul3A_522, %select_n3A_501 : vector<16xi1>, vector<16xf32>
      %select_n3A_528 = arith.select %le3A_524, %get3A_508, %select_n3A_502 : vector<16xi1>, vector<16xi32>
      %scan3A_529 = arith.constant 3 : i32
      %scan3A_530 = arith.addi %scan3A_450, %scan3A_529 : i32
      %mul3A_531 = arith.constant 16 : i32
      %mul3A_532 = arith.muli %scan3A_530, %mul3A_531 : i32
      %get3A_533 = arith.index_cast %mul3A_532 : i32 to index
      %get3A_534 = tpu.vector_load %arg10[%get3A_533] {strides = array<i32>} : memref<512xi32, #tpu.memory_space<vmem>>, vector<16xi32>,
      %mul3A_535 = arith.constant 16 : i32
      %mul3A_536 = arith.muli %scan3A_530, %mul3A_535 : i32
      %get3A_537 = arith.index_cast %mul3A_536 : i32 to index
      %get3A_538 = tpu.vector_load %arg13[%get3A_537] {strides = array<i32>} : memref<512xf32, #tpu.memory_space<vmem>>, vector<16xf32>,
      %mul3A_539 = arith.mulf %get3A_538, %div3A_393 : vector<16xf32>
      %mul3A_540 = arith.constant 16 : i32
      %mul3A_541 = arith.muli %scan3A_530, %mul3A_540 : i32
      %swap3A_542 = arith.index_cast %mul3A_541 : i32 to index
      %swap3A_543 = tpu.vector_load %arg13[%swap3A_542] {strides = array<i32>} : memref<512xf32, #tpu.memory_space<vmem>>, vector<16xf32>,
      tpu.vector_store %arg13[%swap3A_542], %mul3A_539 {strides = array<i32>} : memref<512xf32, #tpu.memory_space<vmem>>, vector<16xf32>,
      %mul3A_544 = arith.constant 16 : i32
      %mul3A_545 = arith.muli %scan3A_530, %mul3A_544 : i32
      %get3A_546 = arith.index_cast %mul3A_545 : i32 to index
      %get3A_547 = tpu.vector_load %arg12[%get3A_546] {strides = array<i32>} : memref<512xf32, #tpu.memory_space<vmem>>, vector<16xf32>,
      %mul3A_548 = arith.mulf %mul3A_539, %get3A_547 : vector<16xf32>
      %gt3A_549 = arith.cmpf ogt, %mul3A_548, %select_n3A_525 : vector<16xf32>
      %le3A_550 = arith.cmpf ole, %mul3A_548, %select_n3A_527 : vector<16xf32>
      %select_n3A_551 = arith.select %gt3A_549, %mul3A_548, %select_n3A_525 : vector<16xi1>, vector<16xf32>
      %select_n3A_552 = arith.select %gt3A_549, %get3A_534, %select_n3A_526 : vector<16xi1>, vector<16xi32>
      %select_n3A_553 = arith.select %le3A_550, %mul3A_548, %select_n3A_527 : vector<16xi1>, vector<16xf32>
      %select_n3A_554 = arith.select %le3A_550, %get3A_534, %select_n3A_528 : vector<16xi1>, vector<16xi32>
      %scan3A_555 = arith.constant 4 : i32
      %scan3A_556 = arith.addi %scan3A_450, %scan3A_555 : i32
      %mul3A_557 = arith.constant 16 : i32
      %mul3A_558 = arith.muli %scan3A_556, %mul3A_557 : i32
      %get3A_559 = arith.index_cast %mul3A_558 : i32 to index
      %get3A_560 = tpu.vector_load %arg10[%get3A_559] {strides = array<i32>} : memref<512xi32, #tpu.memory_space<vmem>>, vector<16xi32>,
      %mul3A_561 = arith.constant 16 : i32
      %mul3A_562 = arith.muli %scan3A_556, %mul3A_561 : i32
      %get3A_563 = arith.index_cast %mul3A_562 : i32 to index
      %get3A_564 = tpu.vector_load %arg13[%get3A_563] {strides = array<i32>} : memref<512xf32, #tpu.memory_space<vmem>>, vector<16xf32>,
      %mul3A_565 = arith.mulf %get3A_564, %div3A_393 : vector<16xf32>
      %mul3A_566 = arith.constant 16 : i32
      %mul3A_567 = arith.muli %scan3A_556, %mul3A_566 : i32
      %swap3A_568 = arith.index_cast %mul3A_567 : i32 to index
      %swap3A_569 = tpu.vector_load %arg13[%swap3A_568] {strides = array<i32>} : memref<512xf32, #tpu.memory_space<vmem>>, vector<16xf32>,
      tpu.vector_store %arg13[%swap3A_568], %mul3A_565 {strides = array<i32>} : memref<512xf32, #tpu.memory_space<vmem>>, vector<16xf32>,
      %mul3A_570 = arith.constant 16 : i32
      %mul3A_571 = arith.muli %scan3A_556, %mul3A_570 : i32
      %get3A_572 = arith.index_cast %mul3A_571 : i32 to index
      %get3A_573 = tpu.vector_load %arg12[%get3A_572] {strides = array<i32>} : memref<512xf32, #tpu.memory_space<vmem>>, vector<16xf32>,
      %mul3A_574 = arith.mulf %mul3A_565, %get3A_573 : vector<16xf32>
      %gt3A_575 = arith.cmpf ogt, %mul3A_574, %select_n3A_551 : vector<16xf32>
      %le3A_576 = arith.cmpf ole, %mul3A_574, %select_n3A_553 : vector<16xf32>
      %select_n3A_577 = arith.select %gt3A_575, %mul3A_574, %select_n3A_551 : vector<16xi1>, vector<16xf32>
      %select_n3A_578 = arith.select %gt3A_575, %get3A_560, %select_n3A_552 : vector<16xi1>, vector<16xi32>
      %select_n3A_579 = arith.select %le3A_576, %mul3A_574, %select_n3A_553 : vector<16xi1>, vector<16xf32>
      %select_n3A_580 = arith.select %le3A_576, %get3A_560, %select_n3A_554 : vector<16xi1>, vector<16xi32>
      %scan3A_581 = arith.constant 5 : i32
      %scan3A_582 = arith.addi %scan3A_450, %scan3A_581 : i32
      %mul3A_583 = arith.constant 16 : i32
      %mul3A_584 = arith.muli %scan3A_582, %mul3A_583 : i32
      %get3A_585 = arith.index_cast %mul3A_584 : i32 to index
      %get3A_586 = tpu.vector_load %arg10[%get3A_585] {strides = array<i32>} : memref<512xi32, #tpu.memory_space<vmem>>, vector<16xi32>,
      %mul3A_587 = arith.constant 16 : i32
      %mul3A_588 = arith.muli %scan3A_582, %mul3A_587 : i32
      %get3A_589 = arith.index_cast %mul3A_588 : i32 to index
      %get3A_590 = tpu.vector_load %arg13[%get3A_589] {strides = array<i32>} : memref<512xf32, #tpu.memory_space<vmem>>, vector<16xf32>,
      %mul3A_591 = arith.mulf %get3A_590, %div3A_393 : vector<16xf32>
      %mul3A_592 = arith.constant 16 : i32
      %mul3A_593 = arith.muli %scan3A_582, %mul3A_592 : i32
      %swap3A_594 = arith.index_cast %mul3A_593 : i32 to index
      %swap3A_595 = tpu.vector_load %arg13[%swap3A_594] {strides = array<i32>} : memref<512xf32, #tpu.memory_space<vmem>>, vector<16xf32>,
      tpu.vector_store %arg13[%swap3A_594], %mul3A_591 {strides = array<i32>} : memref<512xf32, #tpu.memory_space<vmem>>, vector<16xf32>,
      %mul3A_596 = arith.constant 16 : i32
      %mul3A_597 = arith.muli %scan3A_582, %mul3A_596 : i32
      %get3A_598 = arith.index_cast %mul3A_597 : i32 to index
      %get3A_599 = tpu.vector_load %arg12[%get3A_598] {strides = array<i32>} : memref<512xf32, #tpu.memory_space<vmem>>, vector<16xf32>,
      %mul3A_600 = arith.mulf %mul3A_591, %get3A_599 : vector<16xf32>
      %gt3A_601 = arith.cmpf ogt, %mul3A_600, %select_n3A_577 : vector<16xf32>
      %le3A_602 = arith.cmpf ole, %mul3A_600, %select_n3A_579 : vector<16xf32>
      %select_n3A_603 = arith.select %gt3A_601, %mul3A_600, %select_n3A_577 : vector<16xi1>, vector<16xf32>
      %select_n3A_604 = arith.select %gt3A_601, %get3A_586, %select_n3A_578 : vector<16xi1>, vector<16xi32>
      %select_n3A_605 = arith.select %le3A_602, %mul3A_600, %select_n3A_579 : vector<16xi1>, vector<16xf32>
      %select_n3A_606 = arith.select %le3A_602, %get3A_586, %select_n3A_580 : vector<16xi1>, vector<16xi32>
      %scan3A_607 = arith.constant 6 : i32
      %scan3A_608 = arith.addi %scan3A_450, %scan3A_607 : i32
      %mul3A_609 = arith.constant 16 : i32
      %mul3A_610 = arith.muli %scan3A_608, %mul3A_609 : i32
      %get3A_611 = arith.index_cast %mul3A_610 : i32 to index
      %get3A_612 = tpu.vector_load %arg10[%get3A_611] {strides = array<i32>} : memref<512xi32, #tpu.memory_space<vmem>>, vector<16xi32>,
      %mul3A_613 = arith.constant 16 : i32
      %mul3A_614 = arith.muli %scan3A_608, %mul3A_613 : i32
      %get3A_615 = arith.index_cast %mul3A_614 : i32 to index
      %get3A_616 = tpu.vector_load %arg13[%get3A_615] {strides = array<i32>} : memref<512xf32, #tpu.memory_space<vmem>>, vector<16xf32>,
      %mul3A_617 = arith.mulf %get3A_616, %div3A_393 : vector<16xf32>
      %mul3A_618 = arith.constant 16 : i32
      %mul3A_619 = arith.muli %scan3A_608, %mul3A_618 : i32
      %swap3A_620 = arith.index_cast %mul3A_619 : i32 to index
      %swap3A_621 = tpu.vector_load %arg13[%swap3A_620] {strides = array<i32>} : memref<512xf32, #tpu.memory_space<vmem>>, vector<16xf32>,
      tpu.vector_store %arg13[%swap3A_620], %mul3A_617 {strides = array<i32>} : memref<512xf32, #tpu.memory_space<vmem>>, vector<16xf32>,
      %mul3A_622 = arith.constant 16 : i32
      %mul3A_623 = arith.muli %scan3A_608, %mul3A_622 : i32
      %get3A_624 = arith.index_cast %mul3A_623 : i32 to index
      %get3A_625 = tpu.vector_load %arg12[%get3A_624] {strides = array<i32>} : memref<512xf32, #tpu.memory_space<vmem>>, vector<16xf32>,
      %mul3A_626 = arith.mulf %mul3A_617, %get3A_625 : vector<16xf32>
      %gt3A_627 = arith.cmpf ogt, %mul3A_626, %select_n3A_603 : vector<16xf32>
      %le3A_628 = arith.cmpf ole, %mul3A_626, %select_n3A_605 : vector<16xf32>
      %select_n3A_629 = arith.select %gt3A_627, %mul3A_626, %select_n3A_603 : vector<16xi1>, vector<16xf32>
      %select_n3A_630 = arith.select %gt3A_627, %get3A_612, %select_n3A_604 : vector<16xi1>, vector<16xi32>
      %select_n3A_631 = arith.select %le3A_628, %mul3A_626, %select_n3A_605 : vector<16xi1>, vector<16xf32>
      %select_n3A_632 = arith.select %le3A_628, %get3A_612, %select_n3A_606 : vector<16xi1>, vector<16xi32>
      %scan3A_633 = arith.constant 7 : i32
      %scan3A_634 = arith.addi %scan3A_450, %scan3A_633 : i32
      %mul3A_635 = arith.constant 16 : i32
      %mul3A_636 = arith.muli %scan3A_634, %mul3A_635 : i32
      %get3A_637 = arith.index_cast %mul3A_636 : i32 to index
      %get3A_638 = tpu.vector_load %arg10[%get3A_637] {strides = array<i32>} : memref<512xi32, #tpu.memory_space<vmem>>, vector<16xi32>,
      %mul3A_639 = arith.constant 16 : i32
      %mul3A_640 = arith.muli %scan3A_634, %mul3A_639 : i32
      %get3A_641 = arith.index_cast %mul3A_640 : i32 to index
      %get3A_642 = tpu.vector_load %arg13[%get3A_641] {strides = array<i32>} : memref<512xf32, #tpu.memory_space<vmem>>, vector<16xf32>,
      %mul3A_643 = arith.mulf %get3A_642, %div3A_393 : vector<16xf32>
      %mul3A_644 = arith.constant 16 : i32
      %mul3A_645 = arith.muli %scan3A_634, %mul3A_644 : i32
      %swap3A_646 = arith.index_cast %mul3A_645 : i32 to index
      %swap3A_647 = tpu.vector_load %arg13[%swap3A_646] {strides = array<i32>} : memref<512xf32, #tpu.memory_space<vmem>>, vector<16xf32>,
      tpu.vector_store %arg13[%swap3A_646], %mul3A_643 {strides = array<i32>} : memref<512xf32, #tpu.memory_space<vmem>>, vector<16xf32>,
      %mul3A_648 = arith.constant 16 : i32
      %mul3A_649 = arith.muli %scan3A_634, %mul3A_648 : i32
      %get3A_650 = arith.index_cast %mul3A_649 : i32 to index
      %get3A_651 = tpu.vector_load %arg12[%get3A_650] {strides = array<i32>} : memref<512xf32, #tpu.memory_space<vmem>>, vector<16xf32>,
      %mul3A_652 = arith.mulf %mul3A_643, %get3A_651 : vector<16xf32>
      %gt3A_653 = arith.cmpf ogt, %mul3A_652, %select_n3A_629 : vector<16xf32>
      %le3A_654 = arith.cmpf ole, %mul3A_652, %select_n3A_631 : vector<16xf32>
      %select_n3A_655 = arith.select %gt3A_653, %mul3A_652, %select_n3A_629 : vector<16xi1>, vector<16xf32>
      %select_n3A_656 = arith.select %gt3A_653, %get3A_638, %select_n3A_630 : vector<16xi1>, vector<16xi32>
      %select_n3A_657 = arith.select %le3A_654, %mul3A_652, %select_n3A_631 : vector<16xi1>, vector<16xf32>
      %select_n3A_658 = arith.select %le3A_654, %get3A_638, %select_n3A_632 : vector<16xi1>, vector<16xi32>
      scf.yield %select_n3A_655, %select_n3A_656, %select_n3A_657, %select_n3A_658 : vector<16xf32>, vector<16xi32>, vector<16xf32>, vector<16xi32>
    }
    %scan3A_407 = arith.constant 32 : i32
    %swap3A_408 = arith.constant 0 : index
    %swap3A_409 = tpu.vector_load %arg15[%swap3A_408] {strides = array<i32>} : memref<16xf32, #tpu.memory_space<vmem>>, vector<16xf32>,
    tpu.vector_store %arg15[%swap3A_408], %scan3A_406#0 {strides = array<i32>} : memref<16xf32, #tpu.memory_space<vmem>>, vector<16xf32>,
    %mul3A_410 = arith.constant 16 : i32
    %mul3A_411 = arith.muli %arg1, %mul3A_410 : i32
    "tpu.region"() ({
      %run_scoped3A = tpu.sem_alloc : memref<!tpu.dma_semaphore, #tpu.memory_space<semaphore_mem>>
      %dma_start3A_450 = tpu.memref_slice %arg23[%mul3A_411] : memref<256xf32, #tpu.memory_space<vmem_shared>> -> memref<16xf32, #tpu.memory_space<vmem_shared>>
      %dma_start3A_451 = tpu.memref_slice %arg23[%mul3A_411] : memref<256xf32, #tpu.memory_space<vmem_shared>> -> memref<16xf32, #tpu.memory_space<vmem_shared>>
      tpu.enqueue_dma source(%arg15 : memref<16xf32, #tpu.memory_space<vmem>>) target(%dma_start3A_451 : memref<16xf32, #tpu.memory_space<vmem_shared>>) target_semaphore(%run_scoped3A : memref<!tpu.dma_semaphore, #tpu.memory_space<semaphore_mem>>)
      %dma_wait3A_452 = tpu.memref_slice %arg23[%mul3A_411] : memref<256xf32, #tpu.memory_space<vmem_shared>> -> memref<16xf32, #tpu.memory_space<vmem_shared>>
      %dma_wait3A_453 = tpu.memref_slice %arg23[%mul3A_411] : memref<256xf32, #tpu.memory_space<vmem_shared>> -> memref<16xf32, #tpu.memory_space<vmem_shared>>
      tpu.wait_dma2 semaphore(%run_scoped3A : memref<!tpu.dma_semaphore, #tpu.memory_space<semaphore_mem>>) src(%arg15 : memref<16xf32, #tpu.memory_space<vmem>>) dst(%dma_wait3A_453 : memref<16xf32, #tpu.memory_space<vmem_shared>>)
      tpu.yield
    }) : () -> ()
    %swap3A_412 = arith.constant 0 : index
    %swap3A_413 = tpu.vector_load %arg16[%swap3A_412] {strides = array<i32>} : memref<16xi32, #tpu.memory_space<vmem>>, vector<16xi32>,
    tpu.vector_store %arg16[%swap3A_412], %scan3A_406#1 {strides = array<i32>} : memref<16xi32, #tpu.memory_space<vmem>>, vector<16xi32>,
    %mul3A_414 = arith.constant 16 : i32
    %mul3A_415 = arith.muli %arg1, %mul3A_414 : i32
    "tpu.region"() ({
      %run_scoped3A = tpu.sem_alloc : memref<!tpu.dma_semaphore, #tpu.memory_space<semaphore_mem>>
      %dma_start3A_450 = tpu.memref_slice %arg24[%mul3A_415] : memref<256xi32, #tpu.memory_space<vmem_shared>> -> memref<16xi32, #tpu.memory_space<vmem_shared>>
      %dma_start3A_451 = tpu.memref_slice %arg24[%mul3A_415] : memref<256xi32, #tpu.memory_space<vmem_shared>> -> memref<16xi32, #tpu.memory_space<vmem_shared>>
      tpu.enqueue_dma source(%arg16 : memref<16xi32, #tpu.memory_space<vmem>>) target(%dma_start3A_451 : memref<16xi32, #tpu.memory_space<vmem_shared>>) target_semaphore(%run_scoped3A : memref<!tpu.dma_semaphore, #tpu.memory_space<semaphore_mem>>)
      %dma_wait3A_452 = tpu.memref_slice %arg24[%mul3A_415] : memref<256xi32, #tpu.memory_space<vmem_shared>> -> memref<16xi32, #tpu.memory_space<vmem_shared>>
      %dma_wait3A_453 = tpu.memref_slice %arg24[%mul3A_415] : memref<256xi32, #tpu.memory_space<vmem_shared>> -> memref<16xi32, #tpu.memory_space<vmem_shared>>
      tpu.wait_dma2 semaphore(%run_scoped3A : memref<!tpu.dma_semaphore, #tpu.memory_space<semaphore_mem>>) src(%arg16 : memref<16xi32, #tpu.memory_space<vmem>>) dst(%dma_wait3A_453 : memref<16xi32, #tpu.memory_space<vmem_shared>>)
      tpu.yield
    }) : () -> ()
    %swap3A_416 = arith.constant 0 : index
    %swap3A_417 = tpu.vector_load %arg15[%swap3A_416] {strides = array<i32>} : memref<16xf32, #tpu.memory_space<vmem>>, vector<16xf32>,
    tpu.vector_store %arg15[%swap3A_416], %scan3A_406#2 {strides = array<i32>} : memref<16xf32, #tpu.memory_space<vmem>>, vector<16xf32>,
    %mul3A_418 = arith.constant 16 : i32
    %mul3A_419 = arith.muli %arg1, %mul3A_418 : i32
    "tpu.region"() ({
      %run_scoped3A = tpu.sem_alloc : memref<!tpu.dma_semaphore, #tpu.memory_space<semaphore_mem>>
      %dma_start3A_450 = tpu.memref_slice %arg25[%mul3A_419] : memref<256xf32, #tpu.memory_space<vmem_shared>> -> memref<16xf32, #tpu.memory_space<vmem_shared>>
      %dma_start3A_451 = tpu.memref_slice %arg25[%mul3A_419] : memref<256xf32, #tpu.memory_space<vmem_shared>> -> memref<16xf32, #tpu.memory_space<vmem_shared>>
      tpu.enqueue_dma source(%arg15 : memref<16xf32, #tpu.memory_space<vmem>>) target(%dma_start3A_451 : memref<16xf32, #tpu.memory_space<vmem_shared>>) target_semaphore(%run_scoped3A : memref<!tpu.dma_semaphore, #tpu.memory_space<semaphore_mem>>)
      %dma_wait3A_452 = tpu.memref_slice %arg25[%mul3A_419] : memref<256xf32, #tpu.memory_space<vmem_shared>> -> memref<16xf32, #tpu.memory_space<vmem_shared>>
      %dma_wait3A_453 = tpu.memref_slice %arg25[%mul3A_419] : memref<256xf32, #tpu.memory_space<vmem_shared>> -> memref<16xf32, #tpu.memory_space<vmem_shared>>
      tpu.wait_dma2 semaphore(%run_scoped3A : memref<!tpu.dma_semaphore, #tpu.memory_space<semaphore_mem>>) src(%arg15 : memref<16xf32, #tpu.memory_space<vmem>>) dst(%dma_wait3A_453 : memref<16xf32, #tpu.memory_space<vmem_shared>>)
      tpu.yield
    }) : () -> ()
    %swap3A_420 = arith.constant 0 : index
    %swap3A_421 = tpu.vector_load %arg16[%swap3A_420] {strides = array<i32>} : memref<16xi32, #tpu.memory_space<vmem>>, vector<16xi32>,
    tpu.vector_store %arg16[%swap3A_420], %scan3A_406#3 {strides = array<i32>} : memref<16xi32, #tpu.memory_space<vmem>>, vector<16xi32>,
    %mul3A_422 = arith.constant 16 : i32
    %mul3A_423 = arith.muli %arg1, %mul3A_422 : i32
    "tpu.region"() ({
      %run_scoped3A = tpu.sem_alloc : memref<!tpu.dma_semaphore, #tpu.memory_space<semaphore_mem>>
      %dma_start3A_450 = tpu.memref_slice %arg26[%mul3A_423] : memref<256xi32, #tpu.memory_space<vmem_shared>> -> memref<16xi32, #tpu.memory_space<vmem_shared>>
      %dma_start3A_451 = tpu.memref_slice %arg26[%mul3A_423] : memref<256xi32, #tpu.memory_space<vmem_shared>> -> memref<16xi32, #tpu.memory_space<vmem_shared>>
      tpu.enqueue_dma source(%arg16 : memref<16xi32, #tpu.memory_space<vmem>>) target(%dma_start3A_451 : memref<16xi32, #tpu.memory_space<vmem_shared>>) target_semaphore(%run_scoped3A : memref<!tpu.dma_semaphore, #tpu.memory_space<semaphore_mem>>)
      %dma_wait3A_452 = tpu.memref_slice %arg26[%mul3A_423] : memref<256xi32, #tpu.memory_space<vmem_shared>> -> memref<16xi32, #tpu.memory_space<vmem_shared>>
      %dma_wait3A_453 = tpu.memref_slice %arg26[%mul3A_423] : memref<256xi32, #tpu.memory_space<vmem_shared>> -> memref<16xi32, #tpu.memory_space<vmem_shared>>
      tpu.wait_dma2 semaphore(%run_scoped3A : memref<!tpu.dma_semaphore, #tpu.memory_space<semaphore_mem>>) src(%arg16 : memref<16xi32, #tpu.memory_space<vmem>>) dst(%dma_wait3A_453 : memref<16xi32, #tpu.memory_space<vmem_shared>>)
      tpu.yield
    }) : () -> ()
    %eq3A_424 = arith.constant 0 : i32
    %eq3A_425 = arith.cmpi eq, %select_n3A_54, %eq3A_424 : i32
    %convert_element_type3A_426 = arith.extui %eq3A_425 : i1 to i32
    %cond3A_427 = arith.constant 0 : i32
    %cond3A_428 = arith.cmpi ne, %convert_element_type3A_426, %cond3A_427 : i32
    scf.if %cond3A_428 {
      "tpu.region"() ({
        %run_scoped3A = tpu.sem_alloc : memref<!tpu.dma_semaphore, #tpu.memory_space<semaphore_mem>>
        %dma_start3A_450 = arith.constant 0 : i32
        %dma_start3A_451 = tpu.memref_slice %arg19[%dma_start3A_450] : memref<16384xf32, #tpu.memory_space<vmem_shared>> -> memref<16384xf32, #tpu.memory_space<vmem_shared>>
        tpu.enqueue_indirect_dma source(%arg13 : memref<512xf32, #tpu.memory_space<vmem>>) target(%dma_start3A_451 : memref<16384xf32, #tpu.memory_space<vmem_shared>>) offsets(%arg10 : memref<512xi32, #tpu.memory_space<vmem>>) semaphore(%run_scoped3A : memref<!tpu.dma_semaphore, #tpu.memory_space<semaphore_mem>>) {add = true}
        %dma_wait3A_452 = arith.constant 0 : i32
        %dma_wait3A_453 = tpu.memref_slice %arg19[%dma_wait3A_452] : memref<16384xf32, #tpu.memory_space<vmem_shared>> -> memref<16384xf32, #tpu.memory_space<vmem_shared>>
        tpu.wait_indirect_dma semaphore(%run_scoped3A : memref<!tpu.dma_semaphore, #tpu.memory_space<semaphore_mem>>) src(%arg13 : memref<512xf32, #tpu.memory_space<vmem>>) dst(%dma_wait3A_453 : memref<16384xf32, #tpu.memory_space<vmem_shared>>)
        tpu.yield
      }) : () -> ()
    } else {
    }
    %eq3A_429 = arith.constant 1 : i32
    %eq3A_430 = arith.cmpi eq, %select_n3A_54, %eq3A_429 : i32
    %convert_element_type3A_431 = arith.extui %eq3A_430 : i1 to i32
    %cond3A_432 = arith.constant 0 : i32
    %cond3A_433 = arith.cmpi ne, %convert_element_type3A_431, %cond3A_432 : i32
    scf.if %cond3A_433 {
      "tpu.region"() ({
        %run_scoped3A = tpu.sem_alloc : memref<!tpu.dma_semaphore, #tpu.memory_space<semaphore_mem>>
        %dma_start3A_450 = arith.constant 0 : i32
        %dma_start3A_451 = tpu.memref_slice %arg20[%dma_start3A_450] : memref<16384xf32, #tpu.memory_space<vmem_shared>> -> memref<16384xf32, #tpu.memory_space<vmem_shared>>
        tpu.enqueue_indirect_dma source(%arg13 : memref<512xf32, #tpu.memory_space<vmem>>) target(%dma_start3A_451 : memref<16384xf32, #tpu.memory_space<vmem_shared>>) offsets(%arg10 : memref<512xi32, #tpu.memory_space<vmem>>) semaphore(%run_scoped3A : memref<!tpu.dma_semaphore, #tpu.memory_space<semaphore_mem>>) {add = true}
        %dma_wait3A_452 = arith.constant 0 : i32
        %dma_wait3A_453 = tpu.memref_slice %arg20[%dma_wait3A_452] : memref<16384xf32, #tpu.memory_space<vmem_shared>> -> memref<16384xf32, #tpu.memory_space<vmem_shared>>
        tpu.wait_indirect_dma semaphore(%run_scoped3A : memref<!tpu.dma_semaphore, #tpu.memory_space<semaphore_mem>>) src(%arg13 : memref<512xf32, #tpu.memory_space<vmem>>) dst(%dma_wait3A_453 : memref<16384xf32, #tpu.memory_space<vmem_shared>>)
        tpu.yield
      }) : () -> ()
    } else {
    }
    %barrier3A_434 = arith.constant 0 : index
    tpu.barrier barrier_id(%barrier3A_434)
    %eq3A_435 = arith.constant 0 : i32
    %eq3A_436 = arith.cmpi eq, %select_n3A_30, %eq3A_435 : i32
    %convert_element_type3A_437 = arith.extui %eq3A_436 : i1 to i32
    %cond3A_438 = arith.constant 0 : i32
    %cond3A_439 = arith.cmpi ne, %convert_element_type3A_437, %cond3A_438 : i32
    scf.if %cond3A_439 {
      "tpu.region"() ({
        %run_scoped3A = tpu.sem_alloc : memref<!tpu.dma_semaphore, #tpu.memory_space<semaphore_mem>>
        %dma_start3A_1036 = tpu.memref_slice %arg23[%mul3A_58] : memref<256xf32, #tpu.memory_space<vmem_shared>> -> memref<128xf32, #tpu.memory_space<vmem_shared>>
        %dma_start3A_1037 = tpu.memref_slice %arg23[%mul3A_58] : memref<256xf32, #tpu.memory_space<vmem_shared>> -> memref<128xf32, #tpu.memory_space<vmem_shared>>
        tpu.enqueue_dma source(%dma_start3A_1037 : memref<128xf32, #tpu.memory_space<vmem_shared>>) target(%arg17 : memref<128xf32, #tpu.memory_space<vmem>>) target_semaphore(%run_scoped3A : memref<!tpu.dma_semaphore, #tpu.memory_space<semaphore_mem>>)
        %dma_wait3A_1038 = tpu.memref_slice %arg23[%mul3A_58] : memref<256xf32, #tpu.memory_space<vmem_shared>> -> memref<128xf32, #tpu.memory_space<vmem_shared>>
        %dma_wait3A_1039 = tpu.memref_slice %arg23[%mul3A_58] : memref<256xf32, #tpu.memory_space<vmem_shared>> -> memref<128xf32, #tpu.memory_space<vmem_shared>>
        tpu.wait_dma2 semaphore(%run_scoped3A : memref<!tpu.dma_semaphore, #tpu.memory_space<semaphore_mem>>) src(%dma_wait3A_1039 : memref<128xf32, #tpu.memory_space<vmem_shared>>) dst(%arg17 : memref<128xf32, #tpu.memory_space<vmem>>)
        tpu.yield
      }) : () -> ()
      "tpu.region"() ({
        %run_scoped3A = tpu.sem_alloc : memref<!tpu.dma_semaphore, #tpu.memory_space<semaphore_mem>>
        %dma_start3A_1036 = tpu.memref_slice %arg24[%mul3A_58] : memref<256xi32, #tpu.memory_space<vmem_shared>> -> memref<128xi32, #tpu.memory_space<vmem_shared>>
        %dma_start3A_1037 = tpu.memref_slice %arg24[%mul3A_58] : memref<256xi32, #tpu.memory_space<vmem_shared>> -> memref<128xi32, #tpu.memory_space<vmem_shared>>
        tpu.enqueue_dma source(%dma_start3A_1037 : memref<128xi32, #tpu.memory_space<vmem_shared>>) target(%arg18 : memref<128xi32, #tpu.memory_space<vmem>>) target_semaphore(%run_scoped3A : memref<!tpu.dma_semaphore, #tpu.memory_space<semaphore_mem>>)
        %dma_wait3A_1038 = tpu.memref_slice %arg24[%mul3A_58] : memref<256xi32, #tpu.memory_space<vmem_shared>> -> memref<128xi32, #tpu.memory_space<vmem_shared>>
        %dma_wait3A_1039 = tpu.memref_slice %arg24[%mul3A_58] : memref<256xi32, #tpu.memory_space<vmem_shared>> -> memref<128xi32, #tpu.memory_space<vmem_shared>>
        tpu.wait_dma2 semaphore(%run_scoped3A : memref<!tpu.dma_semaphore, #tpu.memory_space<semaphore_mem>>) src(%dma_wait3A_1039 : memref<128xi32, #tpu.memory_space<vmem_shared>>) dst(%arg18 : memref<128xi32, #tpu.memory_space<vmem>>)
        tpu.yield
      }) : () -> ()
      %get3A_450 = arith.constant 0 : index
      %get3A_451 = tpu.vector_load %arg17[%get3A_450] {strides = array<i32>} : memref<128xf32, #tpu.memory_space<vmem>>, vector<16xf32>,
      %get3A_452 = arith.constant 0 : index
      %get3A_453 = tpu.vector_load %arg18[%get3A_452] {strides = array<i32>} : memref<128xi32, #tpu.memory_space<vmem>>, vector<16xi32>,
      %get3A_454 = arith.constant 16 : index
      %get3A_455 = tpu.vector_load %arg17[%get3A_454] {strides = array<i32>} : memref<128xf32, #tpu.memory_space<vmem>>, vector<16xf32>,
      %get3A_456 = arith.constant 16 : index
      %get3A_457 = tpu.vector_load %arg18[%get3A_456] {strides = array<i32>} : memref<128xi32, #tpu.memory_space<vmem>>, vector<16xi32>,
      %gt3A = arith.cmpf ogt, %get3A_455, %get3A_451 : vector<16xf32>
      %select_n3A_458 = arith.select %gt3A, %get3A_455, %get3A_451 : vector<16xi1>, vector<16xf32>
      %select_n3A_459 = arith.select %gt3A, %get3A_457, %get3A_453 : vector<16xi1>, vector<16xi32>
      %get3A_460 = arith.constant 32 : index
      %get3A_461 = tpu.vector_load %arg17[%get3A_460] {strides = array<i32>} : memref<128xf32, #tpu.memory_space<vmem>>, vector<16xf32>,
      %get3A_462 = arith.constant 32 : index
      %get3A_463 = tpu.vector_load %arg18[%get3A_462] {strides = array<i32>} : memref<128xi32, #tpu.memory_space<vmem>>, vector<16xi32>,
      %gt3A_464 = arith.cmpf ogt, %get3A_461, %select_n3A_458 : vector<16xf32>
      %select_n3A_465 = arith.select %gt3A_464, %get3A_461, %select_n3A_458 : vector<16xi1>, vector<16xf32>
      %select_n3A_466 = arith.select %gt3A_464, %get3A_463, %select_n3A_459 : vector<16xi1>, vector<16xi32>
      %get3A_467 = arith.constant 48 : index
      %get3A_468 = tpu.vector_load %arg17[%get3A_467] {strides = array<i32>} : memref<128xf32, #tpu.memory_space<vmem>>, vector<16xf32>,
      %get3A_469 = arith.constant 48 : index
      %get3A_470 = tpu.vector_load %arg18[%get3A_469] {strides = array<i32>} : memref<128xi32, #tpu.memory_space<vmem>>, vector<16xi32>,
      %gt3A_471 = arith.cmpf ogt, %get3A_468, %select_n3A_465 : vector<16xf32>
      %select_n3A_472 = arith.select %gt3A_471, %get3A_468, %select_n3A_465 : vector<16xi1>, vector<16xf32>
      %select_n3A_473 = arith.select %gt3A_471, %get3A_470, %select_n3A_466 : vector<16xi1>, vector<16xi32>
      %get3A_474 = arith.constant 64 : index
      %get3A_475 = tpu.vector_load %arg17[%get3A_474] {strides = array<i32>} : memref<128xf32, #tpu.memory_space<vmem>>, vector<16xf32>,
      %get3A_476 = arith.constant 64 : index
      %get3A_477 = tpu.vector_load %arg18[%get3A_476] {strides = array<i32>} : memref<128xi32, #tpu.memory_space<vmem>>, vector<16xi32>,
      %gt3A_478 = arith.cmpf ogt, %get3A_475, %select_n3A_472 : vector<16xf32>
      %select_n3A_479 = arith.select %gt3A_478, %get3A_475, %select_n3A_472 : vector<16xi1>, vector<16xf32>
      %select_n3A_480 = arith.select %gt3A_478, %get3A_477, %select_n3A_473 : vector<16xi1>, vector<16xi32>
      %get3A_481 = arith.constant 80 : index
      %get3A_482 = tpu.vector_load %arg17[%get3A_481] {strides = array<i32>} : memref<128xf32, #tpu.memory_space<vmem>>, vector<16xf32>,
      %get3A_483 = arith.constant 80 : index
      %get3A_484 = tpu.vector_load %arg18[%get3A_483] {strides = array<i32>} : memref<128xi32, #tpu.memory_space<vmem>>, vector<16xi32>,
      %gt3A_485 = arith.cmpf ogt, %get3A_482, %select_n3A_479 : vector<16xf32>
      %select_n3A_486 = arith.select %gt3A_485, %get3A_482, %select_n3A_479 : vector<16xi1>, vector<16xf32>
      %select_n3A_487 = arith.select %gt3A_485, %get3A_484, %select_n3A_480 : vector<16xi1>, vector<16xi32>
      %get3A_488 = arith.constant 96 : index
      %get3A_489 = tpu.vector_load %arg17[%get3A_488] {strides = array<i32>} : memref<128xf32, #tpu.memory_space<vmem>>, vector<16xf32>,
      %get3A_490 = arith.constant 96 : index
      %get3A_491 = tpu.vector_load %arg18[%get3A_490] {strides = array<i32>} : memref<128xi32, #tpu.memory_space<vmem>>, vector<16xi32>,
      %gt3A_492 = arith.cmpf ogt, %get3A_489, %select_n3A_486 : vector<16xf32>
      %select_n3A_493 = arith.select %gt3A_492, %get3A_489, %select_n3A_486 : vector<16xi1>, vector<16xf32>
      %select_n3A_494 = arith.select %gt3A_492, %get3A_491, %select_n3A_487 : vector<16xi1>, vector<16xi32>
      %get3A_495 = arith.constant 112 : index
      %get3A_496 = tpu.vector_load %arg17[%get3A_495] {strides = array<i32>} : memref<128xf32, #tpu.memory_space<vmem>>, vector<16xf32>,
      %get3A_497 = arith.constant 112 : index
      %get3A_498 = tpu.vector_load %arg18[%get3A_497] {strides = array<i32>} : memref<128xi32, #tpu.memory_space<vmem>>, vector<16xi32>,
      %gt3A_499 = arith.cmpf ogt, %get3A_496, %select_n3A_493 : vector<16xf32>
      %select_n3A_500 = arith.select %gt3A_499, %get3A_496, %select_n3A_493 : vector<16xi1>, vector<16xf32>
      %select_n3A_501 = arith.select %gt3A_499, %get3A_498, %select_n3A_494 : vector<16xi1>, vector<16xi32>
      %iota3A_502 = tpu.iota {dimensions = array<i32: 0>} : vector<16xi32>
      %add3A_503 = arith.constant 8 : i32
      %add3A_504 = vector.broadcast %add3A_503 : i32 to vector<16xi32>
      %add3A_505 = arith.addi %iota3A_502, %add3A_504 : vector<16xi32>
      %jit3A_506 = arith.constant 16 : i32
      %eq3A_507 = arith.constant 0 : i32
      %eq3A_508 = arith.cmpi eq, %jit3A_506, %eq3A_507 : i32
      %jit3A_509 = arith.constant 1 : i32
      %select_n3A_510 = arith.select %eq3A_508, %jit3A_509, %jit3A_506 : i32
      %rem3A_511 = vector.broadcast %select_n3A_510 : i32 to vector<16xi32>
      %rem3A_512 = arith.remsi %add3A_505, %rem3A_511 : vector<16xi32>
      %ne3A_513 = arith.constant 0 : i32
      %ne3A_514 = vector.broadcast %ne3A_513 : i32 to vector<16xi32>
      %ne3A_515 = arith.cmpi ne, %rem3A_512, %ne3A_514 : vector<16xi32>
      %lt3A_516 = arith.constant 0 : i32
      %lt3A_517 = vector.broadcast %lt3A_516 : i32 to vector<16xi32>
      %lt3A_518 = arith.cmpi slt, %rem3A_512, %lt3A_517 : vector<16xi32>
      %lt3A_519 = arith.constant 0 : i32
      %lt3A_520 = arith.cmpi slt, %select_n3A_510, %lt3A_519 : i32
      %ne3A_521 = vector.broadcast %lt3A_520 : i1 to vector<16xi1>
      %ne3A_522 = vector.broadcast %ne3A_521 : vector<16xi1> to vector<16xi1>
      %ne3A_523 = arith.xori %lt3A_518, %ne3A_522 : vector<16xi1>
      %and3A_524 = arith.andi %ne3A_523, %ne3A_515 : vector<16xi1>
      %add3A_525 = vector.broadcast %select_n3A_510 : i32 to vector<16xi32>
      %add3A_526 = arith.addi %rem3A_512, %add3A_525 : vector<16xi32>
      %select_n3A_527 = arith.select %and3A_524, %add3A_526, %rem3A_512 : vector<16xi1>, vector<16xi32>
      %broadcast_in_dim3A_528 = vector.shape_cast %select_n3A_527 : vector<16xi32> to vector<16x1xi32>
      %gather3A_529 = vector.shape_cast %broadcast_in_dim3A_528 : vector<16x1xi32> to vector<16xi32>
      %gather3A_530 = tpu.dynamic_gather %select_n3A_500[%gather3A_529] in [0] : vector<16xf32>, vector<16xi32> -> vector<16xf32>
      %max3A_531 = arith.maximumf %select_n3A_500, %gather3A_530 : vector<16xf32>
      %add3A_532 = arith.constant 4 : i32
      %add3A_533 = vector.broadcast %add3A_532 : i32 to vector<16xi32>
      %add3A_534 = arith.addi %iota3A_502, %add3A_533 : vector<16xi32>
      %jit3A_535 = arith.constant 16 : i32
      %eq3A_536 = arith.constant 0 : i32
      %eq3A_537 = arith.cmpi eq, %jit3A_535, %eq3A_536 : i32
      %jit3A_538 = arith.constant 1 : i32
      %select_n3A_539 = arith.select %eq3A_537, %jit3A_538, %jit3A_535 : i32
      %rem3A_540 = vector.broadcast %select_n3A_539 : i32 to vector<16xi32>
      %rem3A_541 = arith.remsi %add3A_534, %rem3A_540 : vector<16xi32>
      %ne3A_542 = arith.constant 0 : i32
      %ne3A_543 = vector.broadcast %ne3A_542 : i32 to vector<16xi32>
      %ne3A_544 = arith.cmpi ne, %rem3A_541, %ne3A_543 : vector<16xi32>
      %lt3A_545 = arith.constant 0 : i32
      %lt3A_546 = vector.broadcast %lt3A_545 : i32 to vector<16xi32>
      %lt3A_547 = arith.cmpi slt, %rem3A_541, %lt3A_546 : vector<16xi32>
      %lt3A_548 = arith.constant 0 : i32
      %lt3A_549 = arith.cmpi slt, %select_n3A_539, %lt3A_548 : i32
      %ne3A_550 = vector.broadcast %lt3A_549 : i1 to vector<16xi1>
      %ne3A_551 = vector.broadcast %ne3A_550 : vector<16xi1> to vector<16xi1>
      %ne3A_552 = arith.xori %lt3A_547, %ne3A_551 : vector<16xi1>
      %and3A_553 = arith.andi %ne3A_552, %ne3A_544 : vector<16xi1>
      %add3A_554 = vector.broadcast %select_n3A_539 : i32 to vector<16xi32>
      %add3A_555 = arith.addi %rem3A_541, %add3A_554 : vector<16xi32>
      %select_n3A_556 = arith.select %and3A_553, %add3A_555, %rem3A_541 : vector<16xi1>, vector<16xi32>
      %broadcast_in_dim3A_557 = vector.shape_cast %select_n3A_556 : vector<16xi32> to vector<16x1xi32>
      %gather3A_558 = vector.shape_cast %broadcast_in_dim3A_557 : vector<16x1xi32> to vector<16xi32>
      %gather3A_559 = tpu.dynamic_gather %max3A_531[%gather3A_558] in [0] : vector<16xf32>, vector<16xi32> -> vector<16xf32>
      %max3A_560 = arith.maximumf %max3A_531, %gather3A_559 : vector<16xf32>
      %add3A_561 = arith.constant 2 : i32
      %add3A_562 = vector.broadcast %add3A_561 : i32 to vector<16xi32>
      %add3A_563 = arith.addi %iota3A_502, %add3A_562 : vector<16xi32>
      %jit3A_564 = arith.constant 16 : i32
      %eq3A_565 = arith.constant 0 : i32
      %eq3A_566 = arith.cmpi eq, %jit3A_564, %eq3A_565 : i32
      %jit3A_567 = arith.constant 1 : i32
      %select_n3A_568 = arith.select %eq3A_566, %jit3A_567, %jit3A_564 : i32
      %rem3A_569 = vector.broadcast %select_n3A_568 : i32 to vector<16xi32>
      %rem3A_570 = arith.remsi %add3A_563, %rem3A_569 : vector<16xi32>
      %ne3A_571 = arith.constant 0 : i32
      %ne3A_572 = vector.broadcast %ne3A_571 : i32 to vector<16xi32>
      %ne3A_573 = arith.cmpi ne, %rem3A_570, %ne3A_572 : vector<16xi32>
      %lt3A_574 = arith.constant 0 : i32
      %lt3A_575 = vector.broadcast %lt3A_574 : i32 to vector<16xi32>
      %lt3A_576 = arith.cmpi slt, %rem3A_570, %lt3A_575 : vector<16xi32>
      %lt3A_577 = arith.constant 0 : i32
      %lt3A_578 = arith.cmpi slt, %select_n3A_568, %lt3A_577 : i32
      %ne3A_579 = vector.broadcast %lt3A_578 : i1 to vector<16xi1>
      %ne3A_580 = vector.broadcast %ne3A_579 : vector<16xi1> to vector<16xi1>
      %ne3A_581 = arith.xori %lt3A_576, %ne3A_580 : vector<16xi1>
      %and3A_582 = arith.andi %ne3A_581, %ne3A_573 : vector<16xi1>
      %add3A_583 = vector.broadcast %select_n3A_568 : i32 to vector<16xi32>
      %add3A_584 = arith.addi %rem3A_570, %add3A_583 : vector<16xi32>
      %select_n3A_585 = arith.select %and3A_582, %add3A_584, %rem3A_570 : vector<16xi1>, vector<16xi32>
      %broadcast_in_dim3A_586 = vector.shape_cast %select_n3A_585 : vector<16xi32> to vector<16x1xi32>
      %gather3A_587 = vector.shape_cast %broadcast_in_dim3A_586 : vector<16x1xi32> to vector<16xi32>
      %gather3A_588 = tpu.dynamic_gather %max3A_560[%gather3A_587] in [0] : vector<16xf32>, vector<16xi32> -> vector<16xf32>
      %max3A_589 = arith.maximumf %max3A_560, %gather3A_588 : vector<16xf32>
      %add3A_590 = arith.constant 1 : i32
      %add3A_591 = vector.broadcast %add3A_590 : i32 to vector<16xi32>
      %add3A_592 = arith.addi %iota3A_502, %add3A_591 : vector<16xi32>
      %jit3A_593 = arith.constant 16 : i32
      %eq3A_594 = arith.constant 0 : i32
      %eq3A_595 = arith.cmpi eq, %jit3A_593, %eq3A_594 : i32
      %jit3A_596 = arith.constant 1 : i32
      %select_n3A_597 = arith.select %eq3A_595, %jit3A_596, %jit3A_593 : i32
      %rem3A_598 = vector.broadcast %select_n3A_597 : i32 to vector<16xi32>
      %rem3A_599 = arith.remsi %add3A_592, %rem3A_598 : vector<16xi32>
      %ne3A_600 = arith.constant 0 : i32
      %ne3A_601 = vector.broadcast %ne3A_600 : i32 to vector<16xi32>
      %ne3A_602 = arith.cmpi ne, %rem3A_599, %ne3A_601 : vector<16xi32>
      %lt3A_603 = arith.constant 0 : i32
      %lt3A_604 = vector.broadcast %lt3A_603 : i32 to vector<16xi32>
      %lt3A_605 = arith.cmpi slt, %rem3A_599, %lt3A_604 : vector<16xi32>
      %lt3A_606 = arith.constant 0 : i32
      %lt3A_607 = arith.cmpi slt, %select_n3A_597, %lt3A_606 : i32
      %ne3A_608 = vector.broadcast %lt3A_607 : i1 to vector<16xi1>
      %ne3A_609 = vector.broadcast %ne3A_608 : vector<16xi1> to vector<16xi1>
      %ne3A_610 = arith.xori %lt3A_605, %ne3A_609 : vector<16xi1>
      %and3A_611 = arith.andi %ne3A_610, %ne3A_602 : vector<16xi1>
      %add3A_612 = vector.broadcast %select_n3A_597 : i32 to vector<16xi32>
      %add3A_613 = arith.addi %rem3A_599, %add3A_612 : vector<16xi32>
      %select_n3A_614 = arith.select %and3A_611, %add3A_613, %rem3A_599 : vector<16xi1>, vector<16xi32>
      %broadcast_in_dim3A_615 = vector.shape_cast %select_n3A_614 : vector<16xi32> to vector<16x1xi32>
      %gather3A_616 = vector.shape_cast %broadcast_in_dim3A_615 : vector<16x1xi32> to vector<16xi32>
      %gather3A_617 = tpu.dynamic_gather %max3A_589[%gather3A_616] in [0] : vector<16xf32>, vector<16xi32> -> vector<16xf32>
      %max3A_618 = arith.maximumf %max3A_589, %gather3A_617 : vector<16xf32>
      %eq3A_619 = arith.cmpf oeq, %select_n3A_500, %max3A_618 : vector<16xf32>
      %jit3A_620 = arith.constant 0 : i32
      %broadcast_in_dim3A_621 = vector.broadcast %jit3A_620 : i32 to vector<16xi32>
      %select_n3A_622 = arith.select %eq3A_619, %select_n3A_501, %broadcast_in_dim3A_621 : vector<16xi1>, vector<16xi32>
      %iota3A_623 = tpu.iota {dimensions = array<i32: 0>} : vector<16xi32>
      %add3A_624 = arith.constant 8 : i32
      %add3A_625 = vector.broadcast %add3A_624 : i32 to vector<16xi32>
      %add3A_626 = arith.addi %iota3A_623, %add3A_625 : vector<16xi32>
      %jit3A_627 = arith.constant 16 : i32
      %eq3A_628 = arith.constant 0 : i32
      %eq3A_629 = arith.cmpi eq, %jit3A_627, %eq3A_628 : i32
      %jit3A_630 = arith.constant 1 : i32
      %select_n3A_631 = arith.select %eq3A_629, %jit3A_630, %jit3A_627 : i32
      %rem3A_632 = vector.broadcast %select_n3A_631 : i32 to vector<16xi32>
      %rem3A_633 = arith.remsi %add3A_626, %rem3A_632 : vector<16xi32>
      %ne3A_634 = arith.constant 0 : i32
      %ne3A_635 = vector.broadcast %ne3A_634 : i32 to vector<16xi32>
      %ne3A_636 = arith.cmpi ne, %rem3A_633, %ne3A_635 : vector<16xi32>
      %lt3A_637 = arith.constant 0 : i32
      %lt3A_638 = vector.broadcast %lt3A_637 : i32 to vector<16xi32>
      %lt3A_639 = arith.cmpi slt, %rem3A_633, %lt3A_638 : vector<16xi32>
      %lt3A_640 = arith.constant 0 : i32
      %lt3A_641 = arith.cmpi slt, %select_n3A_631, %lt3A_640 : i32
      %ne3A_642 = vector.broadcast %lt3A_641 : i1 to vector<16xi1>
      %ne3A_643 = vector.broadcast %ne3A_642 : vector<16xi1> to vector<16xi1>
      %ne3A_644 = arith.xori %lt3A_639, %ne3A_643 : vector<16xi1>
      %and3A_645 = arith.andi %ne3A_644, %ne3A_636 : vector<16xi1>
      %add3A_646 = vector.broadcast %select_n3A_631 : i32 to vector<16xi32>
      %add3A_647 = arith.addi %rem3A_633, %add3A_646 : vector<16xi32>
      %select_n3A_648 = arith.select %and3A_645, %add3A_647, %rem3A_633 : vector<16xi1>, vector<16xi32>
      %broadcast_in_dim3A_649 = vector.shape_cast %select_n3A_648 : vector<16xi32> to vector<16x1xi32>
      %gather3A_650 = vector.shape_cast %broadcast_in_dim3A_649 : vector<16x1xi32> to vector<16xi32>
      %gather3A_651 = tpu.dynamic_gather %select_n3A_622[%gather3A_650] in [0] : vector<16xi32>, vector<16xi32> -> vector<16xi32>
      %max3A_652 = arith.maxsi %select_n3A_622, %gather3A_651 : vector<16xi32>
      %add3A_653 = arith.constant 4 : i32
      %add3A_654 = vector.broadcast %add3A_653 : i32 to vector<16xi32>
      %add3A_655 = arith.addi %iota3A_623, %add3A_654 : vector<16xi32>
      %jit3A_656 = arith.constant 16 : i32
      %eq3A_657 = arith.constant 0 : i32
      %eq3A_658 = arith.cmpi eq, %jit3A_656, %eq3A_657 : i32
      %jit3A_659 = arith.constant 1 : i32
      %select_n3A_660 = arith.select %eq3A_658, %jit3A_659, %jit3A_656 : i32
      %rem3A_661 = vector.broadcast %select_n3A_660 : i32 to vector<16xi32>
      %rem3A_662 = arith.remsi %add3A_655, %rem3A_661 : vector<16xi32>
      %ne3A_663 = arith.constant 0 : i32
      %ne3A_664 = vector.broadcast %ne3A_663 : i32 to vector<16xi32>
      %ne3A_665 = arith.cmpi ne, %rem3A_662, %ne3A_664 : vector<16xi32>
      %lt3A_666 = arith.constant 0 : i32
      %lt3A_667 = vector.broadcast %lt3A_666 : i32 to vector<16xi32>
      %lt3A_668 = arith.cmpi slt, %rem3A_662, %lt3A_667 : vector<16xi32>
      %lt3A_669 = arith.constant 0 : i32
      %lt3A_670 = arith.cmpi slt, %select_n3A_660, %lt3A_669 : i32
      %ne3A_671 = vector.broadcast %lt3A_670 : i1 to vector<16xi1>
      %ne3A_672 = vector.broadcast %ne3A_671 : vector<16xi1> to vector<16xi1>
      %ne3A_673 = arith.xori %lt3A_668, %ne3A_672 : vector<16xi1>
      %and3A_674 = arith.andi %ne3A_673, %ne3A_665 : vector<16xi1>
      %add3A_675 = vector.broadcast %select_n3A_660 : i32 to vector<16xi32>
      %add3A_676 = arith.addi %rem3A_662, %add3A_675 : vector<16xi32>
      %select_n3A_677 = arith.select %and3A_674, %add3A_676, %rem3A_662 : vector<16xi1>, vector<16xi32>
      %broadcast_in_dim3A_678 = vector.shape_cast %select_n3A_677 : vector<16xi32> to vector<16x1xi32>
      %gather3A_679 = vector.shape_cast %broadcast_in_dim3A_678 : vector<16x1xi32> to vector<16xi32>
      %gather3A_680 = tpu.dynamic_gather %max3A_652[%gather3A_679] in [0] : vector<16xi32>, vector<16xi32> -> vector<16xi32>
      %max3A_681 = arith.maxsi %max3A_652, %gather3A_680 : vector<16xi32>
      %add3A_682 = arith.constant 2 : i32
      %add3A_683 = vector.broadcast %add3A_682 : i32 to vector<16xi32>
      %add3A_684 = arith.addi %iota3A_623, %add3A_683 : vector<16xi32>
      %jit3A_685 = arith.constant 16 : i32
      %eq3A_686 = arith.constant 0 : i32
      %eq3A_687 = arith.cmpi eq, %jit3A_685, %eq3A_686 : i32
      %jit3A_688 = arith.constant 1 : i32
      %select_n3A_689 = arith.select %eq3A_687, %jit3A_688, %jit3A_685 : i32
      %rem3A_690 = vector.broadcast %select_n3A_689 : i32 to vector<16xi32>
      %rem3A_691 = arith.remsi %add3A_684, %rem3A_690 : vector<16xi32>
      %ne3A_692 = arith.constant 0 : i32
      %ne3A_693 = vector.broadcast %ne3A_692 : i32 to vector<16xi32>
      %ne3A_694 = arith.cmpi ne, %rem3A_691, %ne3A_693 : vector<16xi32>
      %lt3A_695 = arith.constant 0 : i32
      %lt3A_696 = vector.broadcast %lt3A_695 : i32 to vector<16xi32>
      %lt3A_697 = arith.cmpi slt, %rem3A_691, %lt3A_696 : vector<16xi32>
      %lt3A_698 = arith.constant 0 : i32
      %lt3A_699 = arith.cmpi slt, %select_n3A_689, %lt3A_698 : i32
      %ne3A_700 = vector.broadcast %lt3A_699 : i1 to vector<16xi1>
      %ne3A_701 = vector.broadcast %ne3A_700 : vector<16xi1> to vector<16xi1>
      %ne3A_702 = arith.xori %lt3A_697, %ne3A_701 : vector<16xi1>
      %and3A_703 = arith.andi %ne3A_702, %ne3A_694 : vector<16xi1>
      %add3A_704 = vector.broadcast %select_n3A_689 : i32 to vector<16xi32>
      %add3A_705 = arith.addi %rem3A_691, %add3A_704 : vector<16xi32>
      %select_n3A_706 = arith.select %and3A_703, %add3A_705, %rem3A_691 : vector<16xi1>, vector<16xi32>
      %broadcast_in_dim3A_707 = vector.shape_cast %select_n3A_706 : vector<16xi32> to vector<16x1xi32>
      %gather3A_708 = vector.shape_cast %broadcast_in_dim3A_707 : vector<16x1xi32> to vector<16xi32>
      %gather3A_709 = tpu.dynamic_gather %max3A_681[%gather3A_708] in [0] : vector<16xi32>, vector<16xi32> -> vector<16xi32>
      %max3A_710 = arith.maxsi %max3A_681, %gather3A_709 : vector<16xi32>
      %add3A_711 = arith.constant 1 : i32
      %add3A_712 = vector.broadcast %add3A_711 : i32 to vector<16xi32>
      %add3A_713 = arith.addi %iota3A_623, %add3A_712 : vector<16xi32>
      %jit3A_714 = arith.constant 16 : i32
      %eq3A_715 = arith.constant 0 : i32
      %eq3A_716 = arith.cmpi eq, %jit3A_714, %eq3A_715 : i32
      %jit3A_717 = arith.constant 1 : i32
      %select_n3A_718 = arith.select %eq3A_716, %jit3A_717, %jit3A_714 : i32
      %rem3A_719 = vector.broadcast %select_n3A_718 : i32 to vector<16xi32>
      %rem3A_720 = arith.remsi %add3A_713, %rem3A_719 : vector<16xi32>
      %ne3A_721 = arith.constant 0 : i32
      %ne3A_722 = vector.broadcast %ne3A_721 : i32 to vector<16xi32>
      %ne3A_723 = arith.cmpi ne, %rem3A_720, %ne3A_722 : vector<16xi32>
      %lt3A_724 = arith.constant 0 : i32
      %lt3A_725 = vector.broadcast %lt3A_724 : i32 to vector<16xi32>
      %lt3A_726 = arith.cmpi slt, %rem3A_720, %lt3A_725 : vector<16xi32>
      %lt3A_727 = arith.constant 0 : i32
      %lt3A_728 = arith.cmpi slt, %select_n3A_718, %lt3A_727 : i32
      %ne3A_729 = vector.broadcast %lt3A_728 : i1 to vector<16xi1>
      %ne3A_730 = vector.broadcast %ne3A_729 : vector<16xi1> to vector<16xi1>
      %ne3A_731 = arith.xori %lt3A_726, %ne3A_730 : vector<16xi1>
      %and3A_732 = arith.andi %ne3A_731, %ne3A_723 : vector<16xi1>
      %add3A_733 = vector.broadcast %select_n3A_718 : i32 to vector<16xi32>
      %add3A_734 = arith.addi %rem3A_720, %add3A_733 : vector<16xi32>
      %select_n3A_735 = arith.select %and3A_732, %add3A_734, %rem3A_720 : vector<16xi1>, vector<16xi32>
      %broadcast_in_dim3A_736 = vector.shape_cast %select_n3A_735 : vector<16xi32> to vector<16x1xi32>
      %gather3A_737 = vector.shape_cast %broadcast_in_dim3A_736 : vector<16x1xi32> to vector<16xi32>
      %gather3A_738 = tpu.dynamic_gather %max3A_710[%gather3A_737] in [0] : vector<16xi32>, vector<16xi32> -> vector<16xi32>
      %max3A_739 = arith.maxsi %max3A_710, %gather3A_738 : vector<16xi32>
      "tpu.region"() ({
        %run_scoped3A = tpu.sem_alloc : memref<!tpu.dma_semaphore, #tpu.memory_space<semaphore_mem>>
        %dma_start3A_1036 = tpu.memref_slice %arg25[%mul3A_58] : memref<256xf32, #tpu.memory_space<vmem_shared>> -> memref<128xf32, #tpu.memory_space<vmem_shared>>
        %dma_start3A_1037 = tpu.memref_slice %arg25[%mul3A_58] : memref<256xf32, #tpu.memory_space<vmem_shared>> -> memref<128xf32, #tpu.memory_space<vmem_shared>>
        tpu.enqueue_dma source(%dma_start3A_1037 : memref<128xf32, #tpu.memory_space<vmem_shared>>) target(%arg17 : memref<128xf32, #tpu.memory_space<vmem>>) target_semaphore(%run_scoped3A : memref<!tpu.dma_semaphore, #tpu.memory_space<semaphore_mem>>)
        %dma_wait3A_1038 = tpu.memref_slice %arg25[%mul3A_58] : memref<256xf32, #tpu.memory_space<vmem_shared>> -> memref<128xf32, #tpu.memory_space<vmem_shared>>
        %dma_wait3A_1039 = tpu.memref_slice %arg25[%mul3A_58] : memref<256xf32, #tpu.memory_space<vmem_shared>> -> memref<128xf32, #tpu.memory_space<vmem_shared>>
        tpu.wait_dma2 semaphore(%run_scoped3A : memref<!tpu.dma_semaphore, #tpu.memory_space<semaphore_mem>>) src(%dma_wait3A_1039 : memref<128xf32, #tpu.memory_space<vmem_shared>>) dst(%arg17 : memref<128xf32, #tpu.memory_space<vmem>>)
        tpu.yield
      }) : () -> ()
      "tpu.region"() ({
        %run_scoped3A = tpu.sem_alloc : memref<!tpu.dma_semaphore, #tpu.memory_space<semaphore_mem>>
        %dma_start3A_1036 = tpu.memref_slice %arg26[%mul3A_58] : memref<256xi32, #tpu.memory_space<vmem_shared>> -> memref<128xi32, #tpu.memory_space<vmem_shared>>
        %dma_start3A_1037 = tpu.memref_slice %arg26[%mul3A_58] : memref<256xi32, #tpu.memory_space<vmem_shared>> -> memref<128xi32, #tpu.memory_space<vmem_shared>>
        tpu.enqueue_dma source(%dma_start3A_1037 : memref<128xi32, #tpu.memory_space<vmem_shared>>) target(%arg18 : memref<128xi32, #tpu.memory_space<vmem>>) target_semaphore(%run_scoped3A : memref<!tpu.dma_semaphore, #tpu.memory_space<semaphore_mem>>)
        %dma_wait3A_1038 = tpu.memref_slice %arg26[%mul3A_58] : memref<256xi32, #tpu.memory_space<vmem_shared>> -> memref<128xi32, #tpu.memory_space<vmem_shared>>
        %dma_wait3A_1039 = tpu.memref_slice %arg26[%mul3A_58] : memref<256xi32, #tpu.memory_space<vmem_shared>> -> memref<128xi32, #tpu.memory_space<vmem_shared>>
        tpu.wait_dma2 semaphore(%run_scoped3A : memref<!tpu.dma_semaphore, #tpu.memory_space<semaphore_mem>>) src(%dma_wait3A_1039 : memref<128xi32, #tpu.memory_space<vmem_shared>>) dst(%arg18 : memref<128xi32, #tpu.memory_space<vmem>>)
        tpu.yield
      }) : () -> ()
      %get3A_740 = arith.constant 0 : index
      %get3A_741 = tpu.vector_load %arg17[%get3A_740] {strides = array<i32>} : memref<128xf32, #tpu.memory_space<vmem>>, vector<16xf32>,
      %get3A_742 = arith.constant 0 : index
      %get3A_743 = tpu.vector_load %arg18[%get3A_742] {strides = array<i32>} : memref<128xi32, #tpu.memory_space<vmem>>, vector<16xi32>,
      %get3A_744 = arith.constant 16 : index
      %get3A_745 = tpu.vector_load %arg17[%get3A_744] {strides = array<i32>} : memref<128xf32, #tpu.memory_space<vmem>>, vector<16xf32>,
      %get3A_746 = arith.constant 16 : index
      %get3A_747 = tpu.vector_load %arg18[%get3A_746] {strides = array<i32>} : memref<128xi32, #tpu.memory_space<vmem>>, vector<16xi32>,
      %le3A = arith.cmpf ole, %get3A_745, %get3A_741 : vector<16xf32>
      %select_n3A_748 = arith.select %le3A, %get3A_745, %get3A_741 : vector<16xi1>, vector<16xf32>
      %select_n3A_749 = arith.select %le3A, %get3A_747, %get3A_743 : vector<16xi1>, vector<16xi32>
      %get3A_750 = arith.constant 32 : index
      %get3A_751 = tpu.vector_load %arg17[%get3A_750] {strides = array<i32>} : memref<128xf32, #tpu.memory_space<vmem>>, vector<16xf32>,
      %get3A_752 = arith.constant 32 : index
      %get3A_753 = tpu.vector_load %arg18[%get3A_752] {strides = array<i32>} : memref<128xi32, #tpu.memory_space<vmem>>, vector<16xi32>,
      %le3A_754 = arith.cmpf ole, %get3A_751, %select_n3A_748 : vector<16xf32>
      %select_n3A_755 = arith.select %le3A_754, %get3A_751, %select_n3A_748 : vector<16xi1>, vector<16xf32>
      %select_n3A_756 = arith.select %le3A_754, %get3A_753, %select_n3A_749 : vector<16xi1>, vector<16xi32>
      %get3A_757 = arith.constant 48 : index
      %get3A_758 = tpu.vector_load %arg17[%get3A_757] {strides = array<i32>} : memref<128xf32, #tpu.memory_space<vmem>>, vector<16xf32>,
      %get3A_759 = arith.constant 48 : index
      %get3A_760 = tpu.vector_load %arg18[%get3A_759] {strides = array<i32>} : memref<128xi32, #tpu.memory_space<vmem>>, vector<16xi32>,
      %le3A_761 = arith.cmpf ole, %get3A_758, %select_n3A_755 : vector<16xf32>
      %select_n3A_762 = arith.select %le3A_761, %get3A_758, %select_n3A_755 : vector<16xi1>, vector<16xf32>
      %select_n3A_763 = arith.select %le3A_761, %get3A_760, %select_n3A_756 : vector<16xi1>, vector<16xi32>
      %get3A_764 = arith.constant 64 : index
      %get3A_765 = tpu.vector_load %arg17[%get3A_764] {strides = array<i32>} : memref<128xf32, #tpu.memory_space<vmem>>, vector<16xf32>,
      %get3A_766 = arith.constant 64 : index
      %get3A_767 = tpu.vector_load %arg18[%get3A_766] {strides = array<i32>} : memref<128xi32, #tpu.memory_space<vmem>>, vector<16xi32>,
      %le3A_768 = arith.cmpf ole, %get3A_765, %select_n3A_762 : vector<16xf32>
      %select_n3A_769 = arith.select %le3A_768, %get3A_765, %select_n3A_762 : vector<16xi1>, vector<16xf32>
      %select_n3A_770 = arith.select %le3A_768, %get3A_767, %select_n3A_763 : vector<16xi1>, vector<16xi32>
      %get3A_771 = arith.constant 80 : index
      %get3A_772 = tpu.vector_load %arg17[%get3A_771] {strides = array<i32>} : memref<128xf32, #tpu.memory_space<vmem>>, vector<16xf32>,
      %get3A_773 = arith.constant 80 : index
      %get3A_774 = tpu.vector_load %arg18[%get3A_773] {strides = array<i32>} : memref<128xi32, #tpu.memory_space<vmem>>, vector<16xi32>,
      %le3A_775 = arith.cmpf ole, %get3A_772, %select_n3A_769 : vector<16xf32>
      %select_n3A_776 = arith.select %le3A_775, %get3A_772, %select_n3A_769 : vector<16xi1>, vector<16xf32>
      %select_n3A_777 = arith.select %le3A_775, %get3A_774, %select_n3A_770 : vector<16xi1>, vector<16xi32>
      %get3A_778 = arith.constant 96 : index
      %get3A_779 = tpu.vector_load %arg17[%get3A_778] {strides = array<i32>} : memref<128xf32, #tpu.memory_space<vmem>>, vector<16xf32>,
      %get3A_780 = arith.constant 96 : index
      %get3A_781 = tpu.vector_load %arg18[%get3A_780] {strides = array<i32>} : memref<128xi32, #tpu.memory_space<vmem>>, vector<16xi32>,
      %le3A_782 = arith.cmpf ole, %get3A_779, %select_n3A_776 : vector<16xf32>
      %select_n3A_783 = arith.select %le3A_782, %get3A_779, %select_n3A_776 : vector<16xi1>, vector<16xf32>
      %select_n3A_784 = arith.select %le3A_782, %get3A_781, %select_n3A_777 : vector<16xi1>, vector<16xi32>
      %get3A_785 = arith.constant 112 : index
      %get3A_786 = tpu.vector_load %arg17[%get3A_785] {strides = array<i32>} : memref<128xf32, #tpu.memory_space<vmem>>, vector<16xf32>,
      %get3A_787 = arith.constant 112 : index
      %get3A_788 = tpu.vector_load %arg18[%get3A_787] {strides = array<i32>} : memref<128xi32, #tpu.memory_space<vmem>>, vector<16xi32>,
      %le3A_789 = arith.cmpf ole, %get3A_786, %select_n3A_783 : vector<16xf32>
      %select_n3A_790 = arith.select %le3A_789, %get3A_786, %select_n3A_783 : vector<16xi1>, vector<16xf32>
      %select_n3A_791 = arith.select %le3A_789, %get3A_788, %select_n3A_784 : vector<16xi1>, vector<16xi32>
      %iota3A_792 = tpu.iota {dimensions = array<i32: 0>} : vector<16xi32>
      %add3A_793 = arith.constant 8 : i32
      %add3A_794 = vector.broadcast %add3A_793 : i32 to vector<16xi32>
      %add3A_795 = arith.addi %iota3A_792, %add3A_794 : vector<16xi32>
      %jit3A_796 = arith.constant 16 : i32
      %eq3A_797 = arith.constant 0 : i32
      %eq3A_798 = arith.cmpi eq, %jit3A_796, %eq3A_797 : i32
      %jit3A_799 = arith.constant 1 : i32
      %select_n3A_800 = arith.select %eq3A_798, %jit3A_799, %jit3A_796 : i32
      %rem3A_801 = vector.broadcast %select_n3A_800 : i32 to vector<16xi32>
      %rem3A_802 = arith.remsi %add3A_795, %rem3A_801 : vector<16xi32>
      %ne3A_803 = arith.constant 0 : i32
      %ne3A_804 = vector.broadcast %ne3A_803 : i32 to vector<16xi32>
      %ne3A_805 = arith.cmpi ne, %rem3A_802, %ne3A_804 : vector<16xi32>
      %lt3A_806 = arith.constant 0 : i32
      %lt3A_807 = vector.broadcast %lt3A_806 : i32 to vector<16xi32>
      %lt3A_808 = arith.cmpi slt, %rem3A_802, %lt3A_807 : vector<16xi32>
      %lt3A_809 = arith.constant 0 : i32
      %lt3A_810 = arith.cmpi slt, %select_n3A_800, %lt3A_809 : i32
      %ne3A_811 = vector.broadcast %lt3A_810 : i1 to vector<16xi1>
      %ne3A_812 = vector.broadcast %ne3A_811 : vector<16xi1> to vector<16xi1>
      %ne3A_813 = arith.xori %lt3A_808, %ne3A_812 : vector<16xi1>
      %and3A_814 = arith.andi %ne3A_813, %ne3A_805 : vector<16xi1>
      %add3A_815 = vector.broadcast %select_n3A_800 : i32 to vector<16xi32>
      %add3A_816 = arith.addi %rem3A_802, %add3A_815 : vector<16xi32>
      %select_n3A_817 = arith.select %and3A_814, %add3A_816, %rem3A_802 : vector<16xi1>, vector<16xi32>
      %broadcast_in_dim3A_818 = vector.shape_cast %select_n3A_817 : vector<16xi32> to vector<16x1xi32>
      %gather3A_819 = vector.shape_cast %broadcast_in_dim3A_818 : vector<16x1xi32> to vector<16xi32>
      %gather3A_820 = tpu.dynamic_gather %select_n3A_790[%gather3A_819] in [0] : vector<16xf32>, vector<16xi32> -> vector<16xf32>
      %min3A = arith.minimumf %select_n3A_790, %gather3A_820 : vector<16xf32>
      %add3A_821 = arith.constant 4 : i32
      %add3A_822 = vector.broadcast %add3A_821 : i32 to vector<16xi32>
      %add3A_823 = arith.addi %iota3A_792, %add3A_822 : vector<16xi32>
      %jit3A_824 = arith.constant 16 : i32
      %eq3A_825 = arith.constant 0 : i32
      %eq3A_826 = arith.cmpi eq, %jit3A_824, %eq3A_825 : i32
      %jit3A_827 = arith.constant 1 : i32
      %select_n3A_828 = arith.select %eq3A_826, %jit3A_827, %jit3A_824 : i32
      %rem3A_829 = vector.broadcast %select_n3A_828 : i32 to vector<16xi32>
      %rem3A_830 = arith.remsi %add3A_823, %rem3A_829 : vector<16xi32>
      %ne3A_831 = arith.constant 0 : i32
      %ne3A_832 = vector.broadcast %ne3A_831 : i32 to vector<16xi32>
      %ne3A_833 = arith.cmpi ne, %rem3A_830, %ne3A_832 : vector<16xi32>
      %lt3A_834 = arith.constant 0 : i32
      %lt3A_835 = vector.broadcast %lt3A_834 : i32 to vector<16xi32>
      %lt3A_836 = arith.cmpi slt, %rem3A_830, %lt3A_835 : vector<16xi32>
      %lt3A_837 = arith.constant 0 : i32
      %lt3A_838 = arith.cmpi slt, %select_n3A_828, %lt3A_837 : i32
      %ne3A_839 = vector.broadcast %lt3A_838 : i1 to vector<16xi1>
      %ne3A_840 = vector.broadcast %ne3A_839 : vector<16xi1> to vector<16xi1>
      %ne3A_841 = arith.xori %lt3A_836, %ne3A_840 : vector<16xi1>
      %and3A_842 = arith.andi %ne3A_841, %ne3A_833 : vector<16xi1>
      %add3A_843 = vector.broadcast %select_n3A_828 : i32 to vector<16xi32>
      %add3A_844 = arith.addi %rem3A_830, %add3A_843 : vector<16xi32>
      %select_n3A_845 = arith.select %and3A_842, %add3A_844, %rem3A_830 : vector<16xi1>, vector<16xi32>
      %broadcast_in_dim3A_846 = vector.shape_cast %select_n3A_845 : vector<16xi32> to vector<16x1xi32>
      %gather3A_847 = vector.shape_cast %broadcast_in_dim3A_846 : vector<16x1xi32> to vector<16xi32>
      %gather3A_848 = tpu.dynamic_gather %min3A[%gather3A_847] in [0] : vector<16xf32>, vector<16xi32> -> vector<16xf32>
      %min3A_849 = arith.minimumf %min3A, %gather3A_848 : vector<16xf32>
      %add3A_850 = arith.constant 2 : i32
      %add3A_851 = vector.broadcast %add3A_850 : i32 to vector<16xi32>
      %add3A_852 = arith.addi %iota3A_792, %add3A_851 : vector<16xi32>
      %jit3A_853 = arith.constant 16 : i32
      %eq3A_854 = arith.constant 0 : i32
      %eq3A_855 = arith.cmpi eq, %jit3A_853, %eq3A_854 : i32
      %jit3A_856 = arith.constant 1 : i32
      %select_n3A_857 = arith.select %eq3A_855, %jit3A_856, %jit3A_853 : i32
      %rem3A_858 = vector.broadcast %select_n3A_857 : i32 to vector<16xi32>
      %rem3A_859 = arith.remsi %add3A_852, %rem3A_858 : vector<16xi32>
      %ne3A_860 = arith.constant 0 : i32
      %ne3A_861 = vector.broadcast %ne3A_860 : i32 to vector<16xi32>
      %ne3A_862 = arith.cmpi ne, %rem3A_859, %ne3A_861 : vector<16xi32>
      %lt3A_863 = arith.constant 0 : i32
      %lt3A_864 = vector.broadcast %lt3A_863 : i32 to vector<16xi32>
      %lt3A_865 = arith.cmpi slt, %rem3A_859, %lt3A_864 : vector<16xi32>
      %lt3A_866 = arith.constant 0 : i32
      %lt3A_867 = arith.cmpi slt, %select_n3A_857, %lt3A_866 : i32
      %ne3A_868 = vector.broadcast %lt3A_867 : i1 to vector<16xi1>
      %ne3A_869 = vector.broadcast %ne3A_868 : vector<16xi1> to vector<16xi1>
      %ne3A_870 = arith.xori %lt3A_865, %ne3A_869 : vector<16xi1>
      %and3A_871 = arith.andi %ne3A_870, %ne3A_862 : vector<16xi1>
      %add3A_872 = vector.broadcast %select_n3A_857 : i32 to vector<16xi32>
      %add3A_873 = arith.addi %rem3A_859, %add3A_872 : vector<16xi32>
      %select_n3A_874 = arith.select %and3A_871, %add3A_873, %rem3A_859 : vector<16xi1>, vector<16xi32>
      %broadcast_in_dim3A_875 = vector.shape_cast %select_n3A_874 : vector<16xi32> to vector<16x1xi32>
      %gather3A_876 = vector.shape_cast %broadcast_in_dim3A_875 : vector<16x1xi32> to vector<16xi32>
      %gather3A_877 = tpu.dynamic_gather %min3A_849[%gather3A_876] in [0] : vector<16xf32>, vector<16xi32> -> vector<16xf32>
      %min3A_878 = arith.minimumf %min3A_849, %gather3A_877 : vector<16xf32>
      %add3A_879 = arith.constant 1 : i32
      %add3A_880 = vector.broadcast %add3A_879 : i32 to vector<16xi32>
      %add3A_881 = arith.addi %iota3A_792, %add3A_880 : vector<16xi32>
      %jit3A_882 = arith.constant 16 : i32
      %eq3A_883 = arith.constant 0 : i32
      %eq3A_884 = arith.cmpi eq, %jit3A_882, %eq3A_883 : i32
      %jit3A_885 = arith.constant 1 : i32
      %select_n3A_886 = arith.select %eq3A_884, %jit3A_885, %jit3A_882 : i32
      %rem3A_887 = vector.broadcast %select_n3A_886 : i32 to vector<16xi32>
      %rem3A_888 = arith.remsi %add3A_881, %rem3A_887 : vector<16xi32>
      %ne3A_889 = arith.constant 0 : i32
      %ne3A_890 = vector.broadcast %ne3A_889 : i32 to vector<16xi32>
      %ne3A_891 = arith.cmpi ne, %rem3A_888, %ne3A_890 : vector<16xi32>
      %lt3A_892 = arith.constant 0 : i32
      %lt3A_893 = vector.broadcast %lt3A_892 : i32 to vector<16xi32>
      %lt3A_894 = arith.cmpi slt, %rem3A_888, %lt3A_893 : vector<16xi32>
      %lt3A_895 = arith.constant 0 : i32
      %lt3A_896 = arith.cmpi slt, %select_n3A_886, %lt3A_895 : i32
      %ne3A_897 = vector.broadcast %lt3A_896 : i1 to vector<16xi1>
      %ne3A_898 = vector.broadcast %ne3A_897 : vector<16xi1> to vector<16xi1>
      %ne3A_899 = arith.xori %lt3A_894, %ne3A_898 : vector<16xi1>
      %and3A_900 = arith.andi %ne3A_899, %ne3A_891 : vector<16xi1>
      %add3A_901 = vector.broadcast %select_n3A_886 : i32 to vector<16xi32>
      %add3A_902 = arith.addi %rem3A_888, %add3A_901 : vector<16xi32>
      %select_n3A_903 = arith.select %and3A_900, %add3A_902, %rem3A_888 : vector<16xi1>, vector<16xi32>
      %broadcast_in_dim3A_904 = vector.shape_cast %select_n3A_903 : vector<16xi32> to vector<16x1xi32>
      %gather3A_905 = vector.shape_cast %broadcast_in_dim3A_904 : vector<16x1xi32> to vector<16xi32>
      %gather3A_906 = tpu.dynamic_gather %min3A_878[%gather3A_905] in [0] : vector<16xf32>, vector<16xi32> -> vector<16xf32>
      %min3A_907 = arith.minimumf %min3A_878, %gather3A_906 : vector<16xf32>
      %eq3A_908 = arith.cmpf oeq, %select_n3A_790, %min3A_907 : vector<16xf32>
      %jit3A_909 = arith.constant 0 : i32
      %broadcast_in_dim3A_910 = vector.broadcast %jit3A_909 : i32 to vector<16xi32>
      %select_n3A_911 = arith.select %eq3A_908, %select_n3A_791, %broadcast_in_dim3A_910 : vector<16xi1>, vector<16xi32>
      %iota3A_912 = tpu.iota {dimensions = array<i32: 0>} : vector<16xi32>
      %add3A_913 = arith.constant 8 : i32
      %add3A_914 = vector.broadcast %add3A_913 : i32 to vector<16xi32>
      %add3A_915 = arith.addi %iota3A_912, %add3A_914 : vector<16xi32>
      %jit3A_916 = arith.constant 16 : i32
      %eq3A_917 = arith.constant 0 : i32
      %eq3A_918 = arith.cmpi eq, %jit3A_916, %eq3A_917 : i32
      %jit3A_919 = arith.constant 1 : i32
      %select_n3A_920 = arith.select %eq3A_918, %jit3A_919, %jit3A_916 : i32
      %rem3A_921 = vector.broadcast %select_n3A_920 : i32 to vector<16xi32>
      %rem3A_922 = arith.remsi %add3A_915, %rem3A_921 : vector<16xi32>
      %ne3A_923 = arith.constant 0 : i32
      %ne3A_924 = vector.broadcast %ne3A_923 : i32 to vector<16xi32>
      %ne3A_925 = arith.cmpi ne, %rem3A_922, %ne3A_924 : vector<16xi32>
      %lt3A_926 = arith.constant 0 : i32
      %lt3A_927 = vector.broadcast %lt3A_926 : i32 to vector<16xi32>
      %lt3A_928 = arith.cmpi slt, %rem3A_922, %lt3A_927 : vector<16xi32>
      %lt3A_929 = arith.constant 0 : i32
      %lt3A_930 = arith.cmpi slt, %select_n3A_920, %lt3A_929 : i32
      %ne3A_931 = vector.broadcast %lt3A_930 : i1 to vector<16xi1>
      %ne3A_932 = vector.broadcast %ne3A_931 : vector<16xi1> to vector<16xi1>
      %ne3A_933 = arith.xori %lt3A_928, %ne3A_932 : vector<16xi1>
      %and3A_934 = arith.andi %ne3A_933, %ne3A_925 : vector<16xi1>
      %add3A_935 = vector.broadcast %select_n3A_920 : i32 to vector<16xi32>
      %add3A_936 = arith.addi %rem3A_922, %add3A_935 : vector<16xi32>
      %select_n3A_937 = arith.select %and3A_934, %add3A_936, %rem3A_922 : vector<16xi1>, vector<16xi32>
      %broadcast_in_dim3A_938 = vector.shape_cast %select_n3A_937 : vector<16xi32> to vector<16x1xi32>
      %gather3A_939 = vector.shape_cast %broadcast_in_dim3A_938 : vector<16x1xi32> to vector<16xi32>
      %gather3A_940 = tpu.dynamic_gather %select_n3A_911[%gather3A_939] in [0] : vector<16xi32>, vector<16xi32> -> vector<16xi32>
      %max3A_941 = arith.maxsi %select_n3A_911, %gather3A_940 : vector<16xi32>
      %add3A_942 = arith.constant 4 : i32
      %add3A_943 = vector.broadcast %add3A_942 : i32 to vector<16xi32>
      %add3A_944 = arith.addi %iota3A_912, %add3A_943 : vector<16xi32>
      %jit3A_945 = arith.constant 16 : i32
      %eq3A_946 = arith.constant 0 : i32
      %eq3A_947 = arith.cmpi eq, %jit3A_945, %eq3A_946 : i32
      %jit3A_948 = arith.constant 1 : i32
      %select_n3A_949 = arith.select %eq3A_947, %jit3A_948, %jit3A_945 : i32
      %rem3A_950 = vector.broadcast %select_n3A_949 : i32 to vector<16xi32>
      %rem3A_951 = arith.remsi %add3A_944, %rem3A_950 : vector<16xi32>
      %ne3A_952 = arith.constant 0 : i32
      %ne3A_953 = vector.broadcast %ne3A_952 : i32 to vector<16xi32>
      %ne3A_954 = arith.cmpi ne, %rem3A_951, %ne3A_953 : vector<16xi32>
      %lt3A_955 = arith.constant 0 : i32
      %lt3A_956 = vector.broadcast %lt3A_955 : i32 to vector<16xi32>
      %lt3A_957 = arith.cmpi slt, %rem3A_951, %lt3A_956 : vector<16xi32>
      %lt3A_958 = arith.constant 0 : i32
      %lt3A_959 = arith.cmpi slt, %select_n3A_949, %lt3A_958 : i32
      %ne3A_960 = vector.broadcast %lt3A_959 : i1 to vector<16xi1>
      %ne3A_961 = vector.broadcast %ne3A_960 : vector<16xi1> to vector<16xi1>
      %ne3A_962 = arith.xori %lt3A_957, %ne3A_961 : vector<16xi1>
      %and3A_963 = arith.andi %ne3A_962, %ne3A_954 : vector<16xi1>
      %add3A_964 = vector.broadcast %select_n3A_949 : i32 to vector<16xi32>
      %add3A_965 = arith.addi %rem3A_951, %add3A_964 : vector<16xi32>
      %select_n3A_966 = arith.select %and3A_963, %add3A_965, %rem3A_951 : vector<16xi1>, vector<16xi32>
      %broadcast_in_dim3A_967 = vector.shape_cast %select_n3A_966 : vector<16xi32> to vector<16x1xi32>
      %gather3A_968 = vector.shape_cast %broadcast_in_dim3A_967 : vector<16x1xi32> to vector<16xi32>
      %gather3A_969 = tpu.dynamic_gather %max3A_941[%gather3A_968] in [0] : vector<16xi32>, vector<16xi32> -> vector<16xi32>
      %max3A_970 = arith.maxsi %max3A_941, %gather3A_969 : vector<16xi32>
      %add3A_971 = arith.constant 2 : i32
      %add3A_972 = vector.broadcast %add3A_971 : i32 to vector<16xi32>
      %add3A_973 = arith.addi %iota3A_912, %add3A_972 : vector<16xi32>
      %jit3A_974 = arith.constant 16 : i32
      %eq3A_975 = arith.constant 0 : i32
      %eq3A_976 = arith.cmpi eq, %jit3A_974, %eq3A_975 : i32
      %jit3A_977 = arith.constant 1 : i32
      %select_n3A_978 = arith.select %eq3A_976, %jit3A_977, %jit3A_974 : i32
      %rem3A_979 = vector.broadcast %select_n3A_978 : i32 to vector<16xi32>
      %rem3A_980 = arith.remsi %add3A_973, %rem3A_979 : vector<16xi32>
      %ne3A_981 = arith.constant 0 : i32
      %ne3A_982 = vector.broadcast %ne3A_981 : i32 to vector<16xi32>
      %ne3A_983 = arith.cmpi ne, %rem3A_980, %ne3A_982 : vector<16xi32>
      %lt3A_984 = arith.constant 0 : i32
      %lt3A_985 = vector.broadcast %lt3A_984 : i32 to vector<16xi32>
      %lt3A_986 = arith.cmpi slt, %rem3A_980, %lt3A_985 : vector<16xi32>
      %lt3A_987 = arith.constant 0 : i32
      %lt3A_988 = arith.cmpi slt, %select_n3A_978, %lt3A_987 : i32
      %ne3A_989 = vector.broadcast %lt3A_988 : i1 to vector<16xi1>
      %ne3A_990 = vector.broadcast %ne3A_989 : vector<16xi1> to vector<16xi1>
      %ne3A_991 = arith.xori %lt3A_986, %ne3A_990 : vector<16xi1>
      %and3A_992 = arith.andi %ne3A_991, %ne3A_983 : vector<16xi1>
      %add3A_993 = vector.broadcast %select_n3A_978 : i32 to vector<16xi32>
      %add3A_994 = arith.addi %rem3A_980, %add3A_993 : vector<16xi32>
      %select_n3A_995 = arith.select %and3A_992, %add3A_994, %rem3A_980 : vector<16xi1>, vector<16xi32>
      %broadcast_in_dim3A_996 = vector.shape_cast %select_n3A_995 : vector<16xi32> to vector<16x1xi32>
      %gather3A_997 = vector.shape_cast %broadcast_in_dim3A_996 : vector<16x1xi32> to vector<16xi32>
      %gather3A_998 = tpu.dynamic_gather %max3A_970[%gather3A_997] in [0] : vector<16xi32>, vector<16xi32> -> vector<16xi32>
      %max3A_999 = arith.maxsi %max3A_970, %gather3A_998 : vector<16xi32>
      %add3A_1000 = arith.constant 1 : i32
      %add3A_1001 = vector.broadcast %add3A_1000 : i32 to vector<16xi32>
      %add3A_1002 = arith.addi %iota3A_912, %add3A_1001 : vector<16xi32>
      %jit3A_1003 = arith.constant 16 : i32
      %eq3A_1004 = arith.constant 0 : i32
      %eq3A_1005 = arith.cmpi eq, %jit3A_1003, %eq3A_1004 : i32
      %jit3A_1006 = arith.constant 1 : i32
      %select_n3A_1007 = arith.select %eq3A_1005, %jit3A_1006, %jit3A_1003 : i32
      %rem3A_1008 = vector.broadcast %select_n3A_1007 : i32 to vector<16xi32>
      %rem3A_1009 = arith.remsi %add3A_1002, %rem3A_1008 : vector<16xi32>
      %ne3A_1010 = arith.constant 0 : i32
      %ne3A_1011 = vector.broadcast %ne3A_1010 : i32 to vector<16xi32>
      %ne3A_1012 = arith.cmpi ne, %rem3A_1009, %ne3A_1011 : vector<16xi32>
      %lt3A_1013 = arith.constant 0 : i32
      %lt3A_1014 = vector.broadcast %lt3A_1013 : i32 to vector<16xi32>
      %lt3A_1015 = arith.cmpi slt, %rem3A_1009, %lt3A_1014 : vector<16xi32>
      %lt3A_1016 = arith.constant 0 : i32
      %lt3A_1017 = arith.cmpi slt, %select_n3A_1007, %lt3A_1016 : i32
      %ne3A_1018 = vector.broadcast %lt3A_1017 : i1 to vector<16xi1>
      %ne3A_1019 = vector.broadcast %ne3A_1018 : vector<16xi1> to vector<16xi1>
      %ne3A_1020 = arith.xori %lt3A_1015, %ne3A_1019 : vector<16xi1>
      %and3A_1021 = arith.andi %ne3A_1020, %ne3A_1012 : vector<16xi1>
      %add3A_1022 = vector.broadcast %select_n3A_1007 : i32 to vector<16xi32>
      %add3A_1023 = arith.addi %rem3A_1009, %add3A_1022 : vector<16xi32>
      %select_n3A_1024 = arith.select %and3A_1021, %add3A_1023, %rem3A_1009 : vector<16xi1>, vector<16xi32>
      %broadcast_in_dim3A_1025 = vector.shape_cast %select_n3A_1024 : vector<16xi32> to vector<16x1xi32>
      %gather3A_1026 = vector.shape_cast %broadcast_in_dim3A_1025 : vector<16x1xi32> to vector<16xi32>
      %gather3A_1027 = tpu.dynamic_gather %max3A_999[%gather3A_1026] in [0] : vector<16xi32>, vector<16xi32> -> vector<16xi32>
      %max3A_1028 = arith.maxsi %max3A_999, %gather3A_1027 : vector<16xi32>
      %iota3A_1029 = tpu.iota {dimensions = array<i32: 0>} : vector<16xi32>
      %eq3A_1030 = arith.constant 0 : i32
      %eq3A_1031 = vector.broadcast %eq3A_1030 : i32 to vector<16xi32>
      %eq3A_1032 = arith.cmpi eq, %iota3A_1029, %eq3A_1031 : vector<16xi32>
      %select_n3A_1033 = arith.select %eq3A_1032, %max3A_739, %max3A_1028 : vector<16xi1>, vector<16xi32>
      %swap3A_1034 = arith.constant 0 : index
      %swap3A_1035 = tpu.vector_load %arg16[%swap3A_1034] {strides = array<i32>} : memref<16xi32, #tpu.memory_space<vmem>>, vector<16xi32>,
      tpu.vector_store %arg16[%swap3A_1034], %select_n3A_1033 {strides = array<i32>} : memref<16xi32, #tpu.memory_space<vmem>>, vector<16xi32>,
      "tpu.region"() ({
        %run_scoped3A = tpu.sem_alloc : memref<!tpu.dma_semaphore, #tpu.memory_space<semaphore_mem>>
        %dma_start3A_1036 = arith.constant 0 : i32
        %dma_start3A_1037 = tpu.memref_slice %arg9[%add3A, %dma_start3A_1036] : memref<4x16xi32, #tpu.memory_space<hbm>> -> memref<1x16xi32, #tpu.memory_space<hbm>>
        %dma_start3A_1038 = tpu.memref_squeeze %dma_start3A_1037 : memref<1x16xi32, #tpu.memory_space<hbm>> -> memref<16xi32, #tpu.memory_space<hbm>>
        %dma_start3A_1039 = arith.constant 0 : i32
        %dma_start3A_1040 = tpu.memref_slice %arg9[%add3A, %dma_start3A_1039] : memref<4x16xi32, #tpu.memory_space<hbm>> -> memref<1x16xi32, #tpu.memory_space<hbm>>
        %dma_start3A_1041 = tpu.memref_squeeze %dma_start3A_1040 : memref<1x16xi32, #tpu.memory_space<hbm>> -> memref<16xi32, #tpu.memory_space<hbm>>
        tpu.enqueue_dma source(%arg16 : memref<16xi32, #tpu.memory_space<vmem>>) target(%dma_start3A_1041 : memref<16xi32, #tpu.memory_space<hbm>>) target_semaphore(%run_scoped3A : memref<!tpu.dma_semaphore, #tpu.memory_space<semaphore_mem>>)
        %dma_wait3A_1042 = arith.constant 0 : i32
        %dma_wait3A_1043 = tpu.memref_slice %arg9[%add3A, %dma_wait3A_1042] : memref<4x16xi32, #tpu.memory_space<hbm>> -> memref<1x16xi32, #tpu.memory_space<hbm>>
        %dma_wait3A_1044 = tpu.memref_squeeze %dma_wait3A_1043 : memref<1x16xi32, #tpu.memory_space<hbm>> -> memref<16xi32, #tpu.memory_space<hbm>>
        %dma_wait3A_1045 = arith.constant 0 : i32
        %dma_wait3A_1046 = tpu.memref_slice %arg9[%add3A, %dma_wait3A_1045] : memref<4x16xi32, #tpu.memory_space<hbm>> -> memref<1x16xi32, #tpu.memory_space<hbm>>
        %dma_wait3A_1047 = tpu.memref_squeeze %dma_wait3A_1046 : memref<1x16xi32, #tpu.memory_space<hbm>> -> memref<16xi32, #tpu.memory_space<hbm>>
        tpu.wait_dma2 semaphore(%run_scoped3A : memref<!tpu.dma_semaphore, #tpu.memory_space<semaphore_mem>>) src(%arg16 : memref<16xi32, #tpu.memory_space<vmem>>) dst(%dma_wait3A_1047 : memref<16xi32, #tpu.memory_space<hbm>>)
        tpu.yield
      }) : () -> ()
    } else {
    }
    %eq3A_440 = arith.constant 0 : i32
    %eq3A_441 = arith.cmpi eq, %select_n3A_54, %eq3A_440 : i32
    %convert_element_type3A_442 = arith.extui %eq3A_441 : i1 to i32
    %cond3A_443 = arith.constant 0 : i32
    %cond3A_444 = arith.cmpi ne, %convert_element_type3A_442, %cond3A_443 : i32
    scf.if %cond3A_444 {
      %mul3A_450 = arith.constant 2048 : i32
      %mul3A_451 = arith.muli %select_n3A_30, %mul3A_450 : i32
      %mul3A_452 = arith.constant 2048 : i32
      %mul3A_453 = arith.muli %select_n3A_30, %mul3A_452 : i32
      "tpu.region"() ({
        %run_scoped3A = tpu.sem_alloc : memref<!tpu.dma_semaphore, #tpu.memory_space<semaphore_mem>>
        %dma_start3A_454 = tpu.memref_slice %arg8[%add3A, %mul3A_453] : memref<4x16384xf32, #tpu.memory_space<hbm>> -> memref<1x2048xf32, #tpu.memory_space<hbm>>
        %dma_start3A_455 = tpu.memref_squeeze %dma_start3A_454 : memref<1x2048xf32, #tpu.memory_space<hbm>> -> memref<2048xf32, #tpu.memory_space<hbm>>
        %dma_start3A_456 = tpu.memref_slice %arg19[%mul3A_451] : memref<16384xf32, #tpu.memory_space<vmem_shared>> -> memref<2048xf32, #tpu.memory_space<vmem_shared>>
        tpu.enqueue_dma source(%dma_start3A_456 : memref<2048xf32, #tpu.memory_space<vmem_shared>>) target(%dma_start3A_455 : memref<2048xf32, #tpu.memory_space<hbm>>) target_semaphore(%run_scoped3A : memref<!tpu.dma_semaphore, #tpu.memory_space<semaphore_mem>>)
        %dma_wait3A_457 = tpu.memref_slice %arg8[%add3A, %mul3A_453] : memref<4x16384xf32, #tpu.memory_space<hbm>> -> memref<1x2048xf32, #tpu.memory_space<hbm>>
        %dma_wait3A_458 = tpu.memref_squeeze %dma_wait3A_457 : memref<1x2048xf32, #tpu.memory_space<hbm>> -> memref<2048xf32, #tpu.memory_space<hbm>>
        %dma_wait3A_459 = tpu.memref_slice %arg19[%mul3A_451] : memref<16384xf32, #tpu.memory_space<vmem_shared>> -> memref<2048xf32, #tpu.memory_space<vmem_shared>>
        tpu.wait_dma2 semaphore(%run_scoped3A : memref<!tpu.dma_semaphore, #tpu.memory_space<semaphore_mem>>) src(%dma_wait3A_459 : memref<2048xf32, #tpu.memory_space<vmem_shared>>) dst(%dma_wait3A_458 : memref<2048xf32, #tpu.memory_space<hbm>>)
        tpu.yield
      }) : () -> ()
    } else {
    }
    %eq3A_445 = arith.constant 1 : i32
    %eq3A_446 = arith.cmpi eq, %select_n3A_54, %eq3A_445 : i32
    %convert_element_type3A_447 = arith.extui %eq3A_446 : i1 to i32
    %cond3A_448 = arith.constant 0 : i32
    %cond3A_449 = arith.cmpi ne, %convert_element_type3A_447, %cond3A_448 : i32
    scf.if %cond3A_449 {
      %mul3A_450 = arith.constant 2048 : i32
      %mul3A_451 = arith.muli %select_n3A_30, %mul3A_450 : i32
      %mul3A_452 = arith.constant 2048 : i32
      %mul3A_453 = arith.muli %select_n3A_30, %mul3A_452 : i32
      "tpu.region"() ({
        %run_scoped3A = tpu.sem_alloc : memref<!tpu.dma_semaphore, #tpu.memory_space<semaphore_mem>>
        %dma_start3A_454 = tpu.memref_slice %arg8[%add3A, %mul3A_453] : memref<4x16384xf32, #tpu.memory_space<hbm>> -> memref<1x2048xf32, #tpu.memory_space<hbm>>
        %dma_start3A_455 = tpu.memref_squeeze %dma_start3A_454 : memref<1x2048xf32, #tpu.memory_space<hbm>> -> memref<2048xf32, #tpu.memory_space<hbm>>
        %dma_start3A_456 = tpu.memref_slice %arg20[%mul3A_451] : memref<16384xf32, #tpu.memory_space<vmem_shared>> -> memref<2048xf32, #tpu.memory_space<vmem_shared>>
        tpu.enqueue_dma source(%dma_start3A_456 : memref<2048xf32, #tpu.memory_space<vmem_shared>>) target(%dma_start3A_455 : memref<2048xf32, #tpu.memory_space<hbm>>) target_semaphore(%run_scoped3A : memref<!tpu.dma_semaphore, #tpu.memory_space<semaphore_mem>>)
        %dma_wait3A_457 = tpu.memref_slice %arg8[%add3A, %mul3A_453] : memref<4x16384xf32, #tpu.memory_space<hbm>> -> memref<1x2048xf32, #tpu.memory_space<hbm>>
        %dma_wait3A_458 = tpu.memref_squeeze %dma_wait3A_457 : memref<1x2048xf32, #tpu.memory_space<hbm>> -> memref<2048xf32, #tpu.memory_space<hbm>>
        %dma_wait3A_459 = tpu.memref_slice %arg20[%mul3A_451] : memref<16384xf32, #tpu.memory_space<vmem_shared>> -> memref<2048xf32, #tpu.memory_space<vmem_shared>>
        tpu.wait_dma2 semaphore(%run_scoped3A : memref<!tpu.dma_semaphore, #tpu.memory_space<semaphore_mem>>) src(%dma_wait3A_459 : memref<2048xf32, #tpu.memory_space<vmem_shared>>) dst(%dma_wait3A_458 : memref<2048xf32, #tpu.memory_space<hbm>>)
        tpu.yield
      }) : () -> ()
    } else {
    }
    return
  }
}

module attributes {stable_mosaic.version = 14 : i64} {
  func.func @_contract_body(%arg0: i32, %arg1: memref<4x8192xf32, #tpu.memory_space<vmem>>, %arg2: memref<8192x512xbf16, #tpu.memory_space<vmem>>, %arg3: memref<512x2xf32, #tpu.memory_space<vmem>>, %arg4: memref<1x2xf32, #tpu.memory_space<vmem>>, %arg5: memref<4x2xf32, #tpu.memory_space<vmem>>, %arg6: memref<4x512xf32, #tpu.memory_space<vmem>>) attributes {dimension_semantics = [#tpu.dimension_semantics<arbitrary>], iteration_bounds = array<i64: 2>, scalar_prefetch = 0 : i64, scratch_operands = 1 : i64, tpu.core_type = #tpu.core_type<tc>, window_params = [{transform_indices = @transform_0, window_bounds = array<i64: 4, 8192>}, {transform_indices = @transform_1, window_bounds = array<i64: 8192, 512>}, {pipeline_mode = #tpu.pipeline_mode<synchronous>, transform_indices = @transform_2, window_bounds = array<i64: 512, 2>}, {pipeline_mode = #tpu.pipeline_mode<synchronous>, transform_indices = @transform_3, window_bounds = array<i64: 1, 2>}, {pipeline_mode = #tpu.pipeline_mode<synchronous>, transform_indices = @transform_4, window_bounds = array<i64: 4, 2>}]} {
    %eq3A = arith.constant 0 : i32
    %eq3A_0 = arith.cmpi eq, %arg0, %eq3A : i32
    %convert_element_type3A = arith.extui %eq3A_0 : i1 to i32
    %cond3A = arith.constant 0 : i32
    %cond3A_1 = arith.cmpi ne, %convert_element_type3A, %cond3A : i32
    scf.if %cond3A_1 {
      %broadcast_in_dim3A = arith.constant 0.000000e+00 : f32
      %broadcast_in_dim3A_19 = vector.broadcast %broadcast_in_dim3A : f32 to vector<4x512xf32>
      %swap3A_20 = arith.constant 0 : index
      %swap3A_21 = arith.constant 0 : index
      %swap3A_22 = vector.load %arg6[%swap3A_20, %swap3A_21] : memref<4x512xf32, #tpu.memory_space<vmem>>, vector<4x512xf32>
      tpu.vector_store %arg6[%swap3A_20, %swap3A_21], %broadcast_in_dim3A_19 {strides = array<i32>} : memref<4x512xf32, #tpu.memory_space<vmem>>, vector<4x512xf32>,
    } else {
    }
    %get3A = arith.constant 0 : index
    %get3A_2 = arith.constant 0 : index
    %get3A_3 = vector.load %arg6[%get3A, %get3A_2] : memref<4x512xf32, #tpu.memory_space<vmem>>, vector<4x512xf32>
    %get3A_4 = arith.constant 0 : index
    %get3A_5 = arith.constant 0 : index
    %get3A_6 = vector.load %arg1[%get3A_4, %get3A_5] : memref<4x8192xf32, #tpu.memory_space<vmem>>, vector<4x8192xf32>
    %get3A_7 = arith.constant 0 : index
    %get3A_8 = arith.constant 0 : index
    %get3A_9 = vector.load %arg2[%get3A_7, %get3A_8] : memref<8192x512xbf16, #tpu.memory_space<vmem>>, vector<8192x512xbf16>
    %convert_element_type3A_10 = arith.extf %get3A_9 : vector<8192x512xbf16> to vector<8192x512xf32>
    %dot_general3A = arith.constant dense<0.000000e+00> : vector<4x512xf32>
    %dot_general3A_11 = tpu.matmul %get3A_6, %convert_element_type3A_10, %dot_general3A {dimension_numbers = #tpu.dot_dimension_numbers<[1], [0], [0], [1], [0, 0, 1, 1], [], []>, transpose_lhs_hint = false} : vector<4x8192xf32>, vector<8192x512xf32>, vector<4x512xf32> -> vector<4x512xf32>
    %add3A = arith.addf %get3A_3, %dot_general3A_11 : vector<4x512xf32>
    %swap3A = arith.constant 0 : index
    %swap3A_12 = arith.constant 0 : index
    %swap3A_13 = vector.load %arg6[%swap3A, %swap3A_12] : memref<4x512xf32, #tpu.memory_space<vmem>>, vector<4x512xf32>
    tpu.vector_store %arg6[%swap3A, %swap3A_12], %add3A {strides = array<i32>} : memref<4x512xf32, #tpu.memory_space<vmem>>, vector<4x512xf32>,
    %eq3A_14 = arith.constant 1 : i32
    %eq3A_15 = arith.cmpi eq, %arg0, %eq3A_14 : i32
    %convert_element_type3A_16 = arith.extui %eq3A_15 : i1 to i32
    %cond3A_17 = arith.constant 0 : i32
    %cond3A_18 = arith.cmpi ne, %convert_element_type3A_16, %cond3A_17 : i32
    scf.if %cond3A_18 {
      %get3A_19 = arith.constant 0 : index
      %get3A_20 = arith.constant 0 : index
      %get3A_21 = vector.load %arg6[%get3A_19, %get3A_20] : memref<4x512xf32, #tpu.memory_space<vmem>>, vector<4x512xf32>
      %get3A_22 = arith.constant 0 : index
      %get3A_23 = arith.constant 0 : index
      %get3A_24 = vector.load %arg3[%get3A_22, %get3A_23] : memref<512x2xf32, #tpu.memory_space<vmem>>, vector<512x2xf32>
      %dot_general3A_25 = arith.constant dense<0.000000e+00> : vector<4x2xf32>
      %dot_general3A_26 = tpu.matmul %get3A_21, %get3A_24, %dot_general3A_25 {dimension_numbers = #tpu.dot_dimension_numbers<[1], [0], [0], [1], [0, 0, 1, 1], [], []>, transpose_lhs_hint = false} : vector<4x512xf32>, vector<512x2xf32>, vector<4x2xf32> -> vector<4x2xf32>
      %get3A_27 = arith.constant 0 : index
      %get3A_28 = arith.constant 0 : index
      %get3A_29 = vector.load %arg4[%get3A_27, %get3A_28] : memref<1x2xf32, #tpu.memory_space<vmem>>, vector<1x2xf32>
      %add3A_30 = vector.broadcast %get3A_29 : vector<1x2xf32> to vector<4x2xf32>
      %add3A_31 = arith.addf %dot_general3A_26, %add3A_30 : vector<4x2xf32>
      %swap3A_32 = arith.constant 0 : index
      %swap3A_33 = arith.constant 0 : index
      %swap3A_34 = vector.load %arg5[%swap3A_32, %swap3A_33] : memref<4x2xf32, #tpu.memory_space<vmem>>, vector<4x2xf32>
      tpu.vector_store %arg5[%swap3A_32, %swap3A_33], %add3A_31 {strides = array<i32>} : memref<4x2xf32, #tpu.memory_space<vmem>>, vector<4x2xf32>,
    } else {
    }
    return
  }
  func.func @transform_0(%arg0: i32) -> (i32, i32) {
    %c0_i32 = arith.constant 0 : i32
    %c0_i32_0 = arith.constant 0 : i32
    return %c0_i32, %arg0 : i32, i32
  }
  func.func @transform_1(%arg0: i32) -> (i32, i32) {
    %c0_i32 = arith.constant 0 : i32
    %c0_i32_0 = arith.constant 0 : i32
    return %arg0, %c0_i32 : i32, i32
  }
  func.func @transform_2(%arg0: i32) -> (i32, i32) {
    %c0_i32 = arith.constant 0 : i32
    %c0_i32_0 = arith.constant 0 : i32
    %c0_i32_1 = arith.constant 0 : i32
    return %c0_i32, %c0_i32_0 : i32, i32
  }
  func.func @transform_3(%arg0: i32) -> (i32, i32) {
    %c0_i32 = arith.constant 0 : i32
    %c0_i32_0 = arith.constant 0 : i32
    %c0_i32_1 = arith.constant 0 : i32
    return %c0_i32, %c0_i32_0 : i32, i32
  }
  func.func @transform_4(%arg0: i32) -> (i32, i32) {
    %c0_i32 = arith.constant 0 : i32
    %c0_i32_0 = arith.constant 0 : i32
    %c0_i32_1 = arith.constant 0 : i32
    return %c0_i32, %c0_i32_0 : i32, i32
  }
}

module attributes {stable_mosaic.version = 14 : i64} {
  func.func @_dense_body(%arg0: i32, %arg1: memref<512x1024xf32, #tpu.memory_space<vmem>>, %arg2: memref<1024x512xf32, #tpu.memory_space<vmem>>, %arg3: memref<512x512xf32, #tpu.memory_space<vmem>>, %arg4: memref<1x512xf32, #tpu.memory_space<vmem>>, %arg5: memref<1x512xf32, #tpu.memory_space<vmem>>, %arg6: memref<512x512xbf16, #tpu.memory_space<vmem>>, %arg7: memref<512xf32, #tpu.memory_space<vmem>>, %arg8: memref<512xf32, #tpu.memory_space<vmem>>) attributes {dimension_semantics = [#tpu.dimension_semantics<arbitrary>], iteration_bounds = array<i64: 32>, scalar_prefetch = 0 : i64, scratch_operands = 0 : i64, tpu.core_type = #tpu.core_type<tc>, window_params = [{transform_indices = @transform_0, window_bounds = array<i64: 512, 1024>}, {pipeline_mode = #tpu.pipeline_mode<synchronous>, transform_indices = @transform_1, window_bounds = array<i64: 1024, 512>}, {pipeline_mode = #tpu.pipeline_mode<synchronous>, transform_indices = @transform_2, window_bounds = array<i64: 512, 512>}, {pipeline_mode = #tpu.pipeline_mode<synchronous>, transform_indices = @transform_3, window_bounds = array<i64: 1, 512>}, {pipeline_mode = #tpu.pipeline_mode<synchronous>, transform_indices = @transform_4, window_bounds = array<i64: 1, 512>}, {transform_indices = @transform_5, window_bounds = array<i64: 512, 512>}, {transform_indices = @transform_6, window_bounds = array<i64: 512>}, {transform_indices = @transform_7, window_bounds = array<i64: 512>}]} {
    %get3A = arith.constant 0 : index
    %get3A_0 = arith.constant 0 : index
    %get3A_1 = vector.load %arg1[%get3A, %get3A_0] : memref<512x1024xf32, #tpu.memory_space<vmem>>, vector<512x1024xf32>
    %get3A_2 = arith.constant 0 : index
    %get3A_3 = arith.constant 0 : index
    %get3A_4 = vector.load %arg2[%get3A_2, %get3A_3] : memref<1024x512xf32, #tpu.memory_space<vmem>>, vector<1024x512xf32>
    %dot_general3A = arith.constant dense<0.000000e+00> : vector<512x512xf32>
    %dot_general3A_5 = tpu.matmul %get3A_1, %get3A_4, %dot_general3A {dimension_numbers = #tpu.dot_dimension_numbers<[1], [0], [0], [1], [0, 0, 1, 1], [], []>, transpose_lhs_hint = false} : vector<512x1024xf32>, vector<1024x512xf32>, vector<512x512xf32> -> vector<512x512xf32>
    %max3A = arith.constant 0.000000e+00 : f32
    %max3A_6 = vector.broadcast %max3A : f32 to vector<512x512xf32>
    %max3A_7 = arith.maximumf %dot_general3A_5, %max3A_6 : vector<512x512xf32>
    %convert_element_type3A = arith.truncf %max3A_7 : vector<512x512xf32> to vector<512x512xbf16>
    %swap3A = arith.constant 0 : index
    %swap3A_8 = arith.constant 0 : index
    %swap3A_9 = vector.load %arg6[%swap3A, %swap3A_8] : memref<512x512xbf16, #tpu.memory_space<vmem>>, vector<512x512xbf16>
    tpu.vector_store %arg6[%swap3A, %swap3A_8], %convert_element_type3A {strides = array<i32>} : memref<512x512xbf16, #tpu.memory_space<vmem>>, vector<512x512xbf16>,
    %get3A_10 = arith.constant 0 : index
    %get3A_11 = arith.constant 0 : index
    %get3A_12 = vector.load %arg3[%get3A_10, %get3A_11] : memref<512x512xf32, #tpu.memory_space<vmem>>, vector<512x512xf32>
    %dot_general3A_13 = arith.constant dense<0.000000e+00> : vector<512x512xf32>
    %dot_general3A_14 = tpu.matmul %max3A_7, %get3A_12, %dot_general3A_13 {dimension_numbers = #tpu.dot_dimension_numbers<[1], [0], [0], [1], [0, 0, 1, 1], [], []>, transpose_lhs_hint = false} : vector<512x512xf32>, vector<512x512xf32>, vector<512x512xf32> -> vector<512x512xf32>
    %tanh3A = math.tanh %dot_general3A_14 : vector<512x512xf32>
    %get3A_15 = arith.constant 0 : index
    %get3A_16 = arith.constant 0 : index
    %get3A_17 = vector.load %arg4[%get3A_15, %get3A_16] : memref<1x512xf32, #tpu.memory_space<vmem>>, vector<1x512xf32>
    %mul3A = vector.broadcast %get3A_17 : vector<1x512xf32> to vector<512x512xf32>
    %mul3A_18 = arith.mulf %tanh3A, %mul3A : vector<512x512xf32>
    %reduce_sum3A = arith.constant dense<0.000000e+00> : vector<512xf32>
    %reduce_sum3A_19 = vector.multi_reduction <add>, %mul3A_18, %reduce_sum3A [1] : vector<512x512xf32> to vector<512xf32>
    %swap3A_20 = arith.constant 0 : index
    %swap3A_21 = vector.load %arg7[%swap3A_20] : memref<512xf32, #tpu.memory_space<vmem>>, vector<512xf32>
    tpu.vector_store %arg7[%swap3A_20], %reduce_sum3A_19 {strides = array<i32>} : memref<512xf32, #tpu.memory_space<vmem>>, vector<512xf32>,
    %get3A_22 = arith.constant 0 : index
    %get3A_23 = arith.constant 0 : index
    %get3A_24 = vector.load %arg5[%get3A_22, %get3A_23] : memref<1x512xf32, #tpu.memory_space<vmem>>, vector<1x512xf32>
    %mul3A_25 = vector.broadcast %get3A_24 : vector<1x512xf32> to vector<512x512xf32>
    %mul3A_26 = arith.mulf %max3A_7, %mul3A_25 : vector<512x512xf32>
    %reduce_sum3A_27 = arith.constant dense<0.000000e+00> : vector<512xf32>
    %reduce_sum3A_28 = vector.multi_reduction <add>, %mul3A_26, %reduce_sum3A_27 [1] : vector<512x512xf32> to vector<512xf32>
    %swap3A_29 = arith.constant 0 : index
    %swap3A_30 = vector.load %arg8[%swap3A_29] : memref<512xf32, #tpu.memory_space<vmem>>, vector<512xf32>
    tpu.vector_store %arg8[%swap3A_29], %reduce_sum3A_28 {strides = array<i32>} : memref<512xf32, #tpu.memory_space<vmem>>, vector<512xf32>,
    return
  }
  func.func @transform_0(%arg0: i32) -> (i32, i32) {
    %c0_i32 = arith.constant 0 : i32
    %c0_i32_0 = arith.constant 0 : i32
    return %arg0, %c0_i32 : i32, i32
  }
  func.func @transform_1(%arg0: i32) -> (i32, i32) {
    %c0_i32 = arith.constant 0 : i32
    %c0_i32_0 = arith.constant 0 : i32
    %c0_i32_1 = arith.constant 0 : i32
    return %c0_i32, %c0_i32_0 : i32, i32
  }
  func.func @transform_2(%arg0: i32) -> (i32, i32) {
    %c0_i32 = arith.constant 0 : i32
    %c0_i32_0 = arith.constant 0 : i32
    %c0_i32_1 = arith.constant 0 : i32
    return %c0_i32, %c0_i32_0 : i32, i32
  }
  func.func @transform_3(%arg0: i32) -> (i32, i32) {
    %c0_i32 = arith.constant 0 : i32
    %c0_i32_0 = arith.constant 0 : i32
    %c0_i32_1 = arith.constant 0 : i32
    return %c0_i32, %c0_i32_0 : i32, i32
  }
  func.func @transform_4(%arg0: i32) -> (i32, i32) {
    %c0_i32 = arith.constant 0 : i32
    %c0_i32_0 = arith.constant 0 : i32
    %c0_i32_1 = arith.constant 0 : i32
    return %c0_i32, %c0_i32_0 : i32, i32
  }
  func.func @transform_5(%arg0: i32) -> (i32, i32) {
    %c0_i32 = arith.constant 0 : i32
    %c0_i32_0 = arith.constant 0 : i32
    return %arg0, %c0_i32 : i32, i32
  }
  func.func @transform_6(%arg0: i32) -> i32 {
    %c0_i32 = arith.constant 0 : i32
    return %arg0 : i32
  }
  func.func @transform_7(%arg0: i32) -> i32 {
    %c0_i32 = arith.constant 0 : i32
    return %arg0 : i32
  }
}

module attributes {stable_mosaic.version = 14 : i64} {
  func.func @_pseudo_body(%arg0: memref<8xi32, #tpu.memory_space<smem>>, %arg1: memref<16384x1024xf32, #tpu.memory_space<hbm>>, %arg2: memref<1024x512xf32, #tpu.memory_space<vmem>>, %arg3: memref<4x2x512xf32, #tpu.memory_space<vmem>>, %arg4: memref<8x1024xf32, #tpu.memory_space<vmem>>, %arg5: memref<!tpu.dma_semaphore, #tpu.memory_space<semaphore_mem>>) attributes {dimension_semantics = [], scalar_prefetch = 0 : i64, scratch_operands = 2 : i64, tpu.core_type = #tpu.core_type<tc>} {
    %get3A = arith.constant 0 : index
    %get3A_0 = memref.load %arg0[%get3A] : memref<8xi32, #tpu.memory_space<smem>>
    %dma_start3A = arith.constant 0 : i32
    %dma_start3A_1 = arith.constant 0 : i32
    %dma_start3A_2 = tpu.memref_slice %arg4[%dma_start3A, %dma_start3A_1] : memref<8x1024xf32, #tpu.memory_space<vmem>> -> memref<1x1024xf32, #tpu.memory_space<vmem>>
    %dma_start3A_3 = arith.constant 0 : i32
    %dma_start3A_4 = tpu.memref_slice %arg1[%get3A_0, %dma_start3A_3] : memref<16384x1024xf32, #tpu.memory_space<hbm>> -> memref<1x1024xf32, #tpu.memory_space<hbm>>
    tpu.enqueue_dma source(%dma_start3A_4 : memref<1x1024xf32, #tpu.memory_space<hbm>>) target(%dma_start3A_2 : memref<1x1024xf32, #tpu.memory_space<vmem>>) target_semaphore(%arg5 : memref<!tpu.dma_semaphore, #tpu.memory_space<semaphore_mem>>)
    %get3A_5 = arith.constant 1 : index
    %get3A_6 = memref.load %arg0[%get3A_5] : memref<8xi32, #tpu.memory_space<smem>>
    %dma_start3A_7 = arith.constant 1 : i32
    %dma_start3A_8 = arith.constant 0 : i32
    %dma_start3A_9 = tpu.memref_slice %arg4[%dma_start3A_7, %dma_start3A_8] : memref<8x1024xf32, #tpu.memory_space<vmem>> -> memref<1x1024xf32, #tpu.memory_space<vmem>>
    %dma_start3A_10 = arith.constant 0 : i32
    %dma_start3A_11 = tpu.memref_slice %arg1[%get3A_6, %dma_start3A_10] : memref<16384x1024xf32, #tpu.memory_space<hbm>> -> memref<1x1024xf32, #tpu.memory_space<hbm>>
    tpu.enqueue_dma source(%dma_start3A_11 : memref<1x1024xf32, #tpu.memory_space<hbm>>) target(%dma_start3A_9 : memref<1x1024xf32, #tpu.memory_space<vmem>>) target_semaphore(%arg5 : memref<!tpu.dma_semaphore, #tpu.memory_space<semaphore_mem>>)
    %get3A_12 = arith.constant 2 : index
    %get3A_13 = memref.load %arg0[%get3A_12] : memref<8xi32, #tpu.memory_space<smem>>
    %dma_start3A_14 = arith.constant 2 : i32
    %dma_start3A_15 = arith.constant 0 : i32
    %dma_start3A_16 = tpu.memref_slice %arg4[%dma_start3A_14, %dma_start3A_15] : memref<8x1024xf32, #tpu.memory_space<vmem>> -> memref<1x1024xf32, #tpu.memory_space<vmem>>
    %dma_start3A_17 = arith.constant 0 : i32
    %dma_start3A_18 = tpu.memref_slice %arg1[%get3A_13, %dma_start3A_17] : memref<16384x1024xf32, #tpu.memory_space<hbm>> -> memref<1x1024xf32, #tpu.memory_space<hbm>>
    tpu.enqueue_dma source(%dma_start3A_18 : memref<1x1024xf32, #tpu.memory_space<hbm>>) target(%dma_start3A_16 : memref<1x1024xf32, #tpu.memory_space<vmem>>) target_semaphore(%arg5 : memref<!tpu.dma_semaphore, #tpu.memory_space<semaphore_mem>>)
    %get3A_19 = arith.constant 3 : index
    %get3A_20 = memref.load %arg0[%get3A_19] : memref<8xi32, #tpu.memory_space<smem>>
    %dma_start3A_21 = arith.constant 3 : i32
    %dma_start3A_22 = arith.constant 0 : i32
    %dma_start3A_23 = tpu.memref_slice %arg4[%dma_start3A_21, %dma_start3A_22] : memref<8x1024xf32, #tpu.memory_space<vmem>> -> memref<1x1024xf32, #tpu.memory_space<vmem>>
    %dma_start3A_24 = arith.constant 0 : i32
    %dma_start3A_25 = tpu.memref_slice %arg1[%get3A_20, %dma_start3A_24] : memref<16384x1024xf32, #tpu.memory_space<hbm>> -> memref<1x1024xf32, #tpu.memory_space<hbm>>
    tpu.enqueue_dma source(%dma_start3A_25 : memref<1x1024xf32, #tpu.memory_space<hbm>>) target(%dma_start3A_23 : memref<1x1024xf32, #tpu.memory_space<vmem>>) target_semaphore(%arg5 : memref<!tpu.dma_semaphore, #tpu.memory_space<semaphore_mem>>)
    %get3A_26 = arith.constant 4 : index
    %get3A_27 = memref.load %arg0[%get3A_26] : memref<8xi32, #tpu.memory_space<smem>>
    %dma_start3A_28 = arith.constant 4 : i32
    %dma_start3A_29 = arith.constant 0 : i32
    %dma_start3A_30 = tpu.memref_slice %arg4[%dma_start3A_28, %dma_start3A_29] : memref<8x1024xf32, #tpu.memory_space<vmem>> -> memref<1x1024xf32, #tpu.memory_space<vmem>>
    %dma_start3A_31 = arith.constant 0 : i32
    %dma_start3A_32 = tpu.memref_slice %arg1[%get3A_27, %dma_start3A_31] : memref<16384x1024xf32, #tpu.memory_space<hbm>> -> memref<1x1024xf32, #tpu.memory_space<hbm>>
    tpu.enqueue_dma source(%dma_start3A_32 : memref<1x1024xf32, #tpu.memory_space<hbm>>) target(%dma_start3A_30 : memref<1x1024xf32, #tpu.memory_space<vmem>>) target_semaphore(%arg5 : memref<!tpu.dma_semaphore, #tpu.memory_space<semaphore_mem>>)
    %get3A_33 = arith.constant 5 : index
    %get3A_34 = memref.load %arg0[%get3A_33] : memref<8xi32, #tpu.memory_space<smem>>
    %dma_start3A_35 = arith.constant 5 : i32
    %dma_start3A_36 = arith.constant 0 : i32
    %dma_start3A_37 = tpu.memref_slice %arg4[%dma_start3A_35, %dma_start3A_36] : memref<8x1024xf32, #tpu.memory_space<vmem>> -> memref<1x1024xf32, #tpu.memory_space<vmem>>
    %dma_start3A_38 = arith.constant 0 : i32
    %dma_start3A_39 = tpu.memref_slice %arg1[%get3A_34, %dma_start3A_38] : memref<16384x1024xf32, #tpu.memory_space<hbm>> -> memref<1x1024xf32, #tpu.memory_space<hbm>>
    tpu.enqueue_dma source(%dma_start3A_39 : memref<1x1024xf32, #tpu.memory_space<hbm>>) target(%dma_start3A_37 : memref<1x1024xf32, #tpu.memory_space<vmem>>) target_semaphore(%arg5 : memref<!tpu.dma_semaphore, #tpu.memory_space<semaphore_mem>>)
    %get3A_40 = arith.constant 6 : index
    %get3A_41 = memref.load %arg0[%get3A_40] : memref<8xi32, #tpu.memory_space<smem>>
    %dma_start3A_42 = arith.constant 6 : i32
    %dma_start3A_43 = arith.constant 0 : i32
    %dma_start3A_44 = tpu.memref_slice %arg4[%dma_start3A_42, %dma_start3A_43] : memref<8x1024xf32, #tpu.memory_space<vmem>> -> memref<1x1024xf32, #tpu.memory_space<vmem>>
    %dma_start3A_45 = arith.constant 0 : i32
    %dma_start3A_46 = tpu.memref_slice %arg1[%get3A_41, %dma_start3A_45] : memref<16384x1024xf32, #tpu.memory_space<hbm>> -> memref<1x1024xf32, #tpu.memory_space<hbm>>
    tpu.enqueue_dma source(%dma_start3A_46 : memref<1x1024xf32, #tpu.memory_space<hbm>>) target(%dma_start3A_44 : memref<1x1024xf32, #tpu.memory_space<vmem>>) target_semaphore(%arg5 : memref<!tpu.dma_semaphore, #tpu.memory_space<semaphore_mem>>)
    %get3A_47 = arith.constant 7 : index
    %get3A_48 = memref.load %arg0[%get3A_47] : memref<8xi32, #tpu.memory_space<smem>>
    %dma_start3A_49 = arith.constant 7 : i32
    %dma_start3A_50 = arith.constant 0 : i32
    %dma_start3A_51 = tpu.memref_slice %arg4[%dma_start3A_49, %dma_start3A_50] : memref<8x1024xf32, #tpu.memory_space<vmem>> -> memref<1x1024xf32, #tpu.memory_space<vmem>>
    %dma_start3A_52 = arith.constant 0 : i32
    %dma_start3A_53 = tpu.memref_slice %arg1[%get3A_48, %dma_start3A_52] : memref<16384x1024xf32, #tpu.memory_space<hbm>> -> memref<1x1024xf32, #tpu.memory_space<hbm>>
    tpu.enqueue_dma source(%dma_start3A_53 : memref<1x1024xf32, #tpu.memory_space<hbm>>) target(%dma_start3A_51 : memref<1x1024xf32, #tpu.memory_space<vmem>>) target_semaphore(%arg5 : memref<!tpu.dma_semaphore, #tpu.memory_space<semaphore_mem>>)
    %get3A_54 = arith.constant 0 : index
    %get3A_55 = memref.load %arg0[%get3A_54] : memref<8xi32, #tpu.memory_space<smem>>
    %dma_wait3A = arith.constant 0 : i32
    %dma_wait3A_56 = arith.constant 0 : i32
    %dma_wait3A_57 = tpu.memref_slice %arg4[%dma_wait3A, %dma_wait3A_56] : memref<8x1024xf32, #tpu.memory_space<vmem>> -> memref<1x1024xf32, #tpu.memory_space<vmem>>
    %dma_wait3A_58 = arith.constant 0 : i32
    %dma_wait3A_59 = tpu.memref_slice %arg1[%get3A_55, %dma_wait3A_58] : memref<16384x1024xf32, #tpu.memory_space<hbm>> -> memref<1x1024xf32, #tpu.memory_space<hbm>>
    tpu.wait_dma2 semaphore(%arg5 : memref<!tpu.dma_semaphore, #tpu.memory_space<semaphore_mem>>) src(%dma_wait3A_59 : memref<1x1024xf32, #tpu.memory_space<hbm>>) dst(%dma_wait3A_57 : memref<1x1024xf32, #tpu.memory_space<vmem>>)
    %get3A_60 = arith.constant 1 : index
    %get3A_61 = memref.load %arg0[%get3A_60] : memref<8xi32, #tpu.memory_space<smem>>
    %dma_wait3A_62 = arith.constant 1 : i32
    %dma_wait3A_63 = arith.constant 0 : i32
    %dma_wait3A_64 = tpu.memref_slice %arg4[%dma_wait3A_62, %dma_wait3A_63] : memref<8x1024xf32, #tpu.memory_space<vmem>> -> memref<1x1024xf32, #tpu.memory_space<vmem>>
    %dma_wait3A_65 = arith.constant 0 : i32
    %dma_wait3A_66 = tpu.memref_slice %arg1[%get3A_61, %dma_wait3A_65] : memref<16384x1024xf32, #tpu.memory_space<hbm>> -> memref<1x1024xf32, #tpu.memory_space<hbm>>
    tpu.wait_dma2 semaphore(%arg5 : memref<!tpu.dma_semaphore, #tpu.memory_space<semaphore_mem>>) src(%dma_wait3A_66 : memref<1x1024xf32, #tpu.memory_space<hbm>>) dst(%dma_wait3A_64 : memref<1x1024xf32, #tpu.memory_space<vmem>>)
    %get3A_67 = arith.constant 2 : index
    %get3A_68 = memref.load %arg0[%get3A_67] : memref<8xi32, #tpu.memory_space<smem>>
    %dma_wait3A_69 = arith.constant 2 : i32
    %dma_wait3A_70 = arith.constant 0 : i32
    %dma_wait3A_71 = tpu.memref_slice %arg4[%dma_wait3A_69, %dma_wait3A_70] : memref<8x1024xf32, #tpu.memory_space<vmem>> -> memref<1x1024xf32, #tpu.memory_space<vmem>>
    %dma_wait3A_72 = arith.constant 0 : i32
    %dma_wait3A_73 = tpu.memref_slice %arg1[%get3A_68, %dma_wait3A_72] : memref<16384x1024xf32, #tpu.memory_space<hbm>> -> memref<1x1024xf32, #tpu.memory_space<hbm>>
    tpu.wait_dma2 semaphore(%arg5 : memref<!tpu.dma_semaphore, #tpu.memory_space<semaphore_mem>>) src(%dma_wait3A_73 : memref<1x1024xf32, #tpu.memory_space<hbm>>) dst(%dma_wait3A_71 : memref<1x1024xf32, #tpu.memory_space<vmem>>)
    %get3A_74 = arith.constant 3 : index
    %get3A_75 = memref.load %arg0[%get3A_74] : memref<8xi32, #tpu.memory_space<smem>>
    %dma_wait3A_76 = arith.constant 3 : i32
    %dma_wait3A_77 = arith.constant 0 : i32
    %dma_wait3A_78 = tpu.memref_slice %arg4[%dma_wait3A_76, %dma_wait3A_77] : memref<8x1024xf32, #tpu.memory_space<vmem>> -> memref<1x1024xf32, #tpu.memory_space<vmem>>
    %dma_wait3A_79 = arith.constant 0 : i32
    %dma_wait3A_80 = tpu.memref_slice %arg1[%get3A_75, %dma_wait3A_79] : memref<16384x1024xf32, #tpu.memory_space<hbm>> -> memref<1x1024xf32, #tpu.memory_space<hbm>>
    tpu.wait_dma2 semaphore(%arg5 : memref<!tpu.dma_semaphore, #tpu.memory_space<semaphore_mem>>) src(%dma_wait3A_80 : memref<1x1024xf32, #tpu.memory_space<hbm>>) dst(%dma_wait3A_78 : memref<1x1024xf32, #tpu.memory_space<vmem>>)
    %get3A_81 = arith.constant 4 : index
    %get3A_82 = memref.load %arg0[%get3A_81] : memref<8xi32, #tpu.memory_space<smem>>
    %dma_wait3A_83 = arith.constant 4 : i32
    %dma_wait3A_84 = arith.constant 0 : i32
    %dma_wait3A_85 = tpu.memref_slice %arg4[%dma_wait3A_83, %dma_wait3A_84] : memref<8x1024xf32, #tpu.memory_space<vmem>> -> memref<1x1024xf32, #tpu.memory_space<vmem>>
    %dma_wait3A_86 = arith.constant 0 : i32
    %dma_wait3A_87 = tpu.memref_slice %arg1[%get3A_82, %dma_wait3A_86] : memref<16384x1024xf32, #tpu.memory_space<hbm>> -> memref<1x1024xf32, #tpu.memory_space<hbm>>
    tpu.wait_dma2 semaphore(%arg5 : memref<!tpu.dma_semaphore, #tpu.memory_space<semaphore_mem>>) src(%dma_wait3A_87 : memref<1x1024xf32, #tpu.memory_space<hbm>>) dst(%dma_wait3A_85 : memref<1x1024xf32, #tpu.memory_space<vmem>>)
    %get3A_88 = arith.constant 5 : index
    %get3A_89 = memref.load %arg0[%get3A_88] : memref<8xi32, #tpu.memory_space<smem>>
    %dma_wait3A_90 = arith.constant 5 : i32
    %dma_wait3A_91 = arith.constant 0 : i32
    %dma_wait3A_92 = tpu.memref_slice %arg4[%dma_wait3A_90, %dma_wait3A_91] : memref<8x1024xf32, #tpu.memory_space<vmem>> -> memref<1x1024xf32, #tpu.memory_space<vmem>>
    %dma_wait3A_93 = arith.constant 0 : i32
    %dma_wait3A_94 = tpu.memref_slice %arg1[%get3A_89, %dma_wait3A_93] : memref<16384x1024xf32, #tpu.memory_space<hbm>> -> memref<1x1024xf32, #tpu.memory_space<hbm>>
    tpu.wait_dma2 semaphore(%arg5 : memref<!tpu.dma_semaphore, #tpu.memory_space<semaphore_mem>>) src(%dma_wait3A_94 : memref<1x1024xf32, #tpu.memory_space<hbm>>) dst(%dma_wait3A_92 : memref<1x1024xf32, #tpu.memory_space<vmem>>)
    %get3A_95 = arith.constant 6 : index
    %get3A_96 = memref.load %arg0[%get3A_95] : memref<8xi32, #tpu.memory_space<smem>>
    %dma_wait3A_97 = arith.constant 6 : i32
    %dma_wait3A_98 = arith.constant 0 : i32
    %dma_wait3A_99 = tpu.memref_slice %arg4[%dma_wait3A_97, %dma_wait3A_98] : memref<8x1024xf32, #tpu.memory_space<vmem>> -> memref<1x1024xf32, #tpu.memory_space<vmem>>
    %dma_wait3A_100 = arith.constant 0 : i32
    %dma_wait3A_101 = tpu.memref_slice %arg1[%get3A_96, %dma_wait3A_100] : memref<16384x1024xf32, #tpu.memory_space<hbm>> -> memref<1x1024xf32, #tpu.memory_space<hbm>>
    tpu.wait_dma2 semaphore(%arg5 : memref<!tpu.dma_semaphore, #tpu.memory_space<semaphore_mem>>) src(%dma_wait3A_101 : memref<1x1024xf32, #tpu.memory_space<hbm>>) dst(%dma_wait3A_99 : memref<1x1024xf32, #tpu.memory_space<vmem>>)
    %get3A_102 = arith.constant 7 : index
    %get3A_103 = memref.load %arg0[%get3A_102] : memref<8xi32, #tpu.memory_space<smem>>
    %dma_wait3A_104 = arith.constant 7 : i32
    %dma_wait3A_105 = arith.constant 0 : i32
    %dma_wait3A_106 = tpu.memref_slice %arg4[%dma_wait3A_104, %dma_wait3A_105] : memref<8x1024xf32, #tpu.memory_space<vmem>> -> memref<1x1024xf32, #tpu.memory_space<vmem>>
    %dma_wait3A_107 = arith.constant 0 : i32
    %dma_wait3A_108 = tpu.memref_slice %arg1[%get3A_103, %dma_wait3A_107] : memref<16384x1024xf32, #tpu.memory_space<hbm>> -> memref<1x1024xf32, #tpu.memory_space<hbm>>
    tpu.wait_dma2 semaphore(%arg5 : memref<!tpu.dma_semaphore, #tpu.memory_space<semaphore_mem>>) src(%dma_wait3A_108 : memref<1x1024xf32, #tpu.memory_space<hbm>>) dst(%dma_wait3A_106 : memref<1x1024xf32, #tpu.memory_space<vmem>>)
    %get3A_109 = arith.constant 0 : index
    %get3A_110 = arith.constant 0 : index
    %get3A_111 = vector.load %arg4[%get3A_109, %get3A_110] : memref<8x1024xf32, #tpu.memory_space<vmem>>, vector<8x1024xf32>
    %get3A_112 = arith.constant 0 : index
    %get3A_113 = arith.constant 0 : index
    %get3A_114 = vector.load %arg2[%get3A_112, %get3A_113] : memref<1024x512xf32, #tpu.memory_space<vmem>>, vector<1024x512xf32>
    %dot_general3A = arith.constant dense<0.000000e+00> : vector<8x512xf32>
    %dot_general3A_115 = tpu.matmul %get3A_111, %get3A_114, %dot_general3A {dimension_numbers = #tpu.dot_dimension_numbers<[1], [0], [0], [1], [0, 0, 1, 1], [], []>, transpose_lhs_hint = false} : vector<8x1024xf32>, vector<1024x512xf32>, vector<8x512xf32> -> vector<8x512xf32>
    %max3A = arith.constant 0.000000e+00 : f32
    %max3A_116 = vector.broadcast %max3A : f32 to vector<8x512xf32>
    %max3A_117 = arith.maximumf %dot_general3A_115, %max3A_116 : vector<8x512xf32>
    %reshape3A = vector.shape_cast %max3A_117 : vector<8x512xf32> to vector<4x2x512xf32>
    %swap3A = arith.constant 0 : index
    %swap3A_118 = arith.constant 0 : index
    %swap3A_119 = arith.constant 0 : index
    %swap3A_120 = vector.load %arg3[%swap3A, %swap3A_118, %swap3A_119] : memref<4x2x512xf32, #tpu.memory_space<vmem>>, vector<4x2x512xf32>
    tpu.vector_store %arg3[%swap3A, %swap3A_118, %swap3A_119], %reshape3A {strides = array<i32>} : memref<4x2x512xf32, #tpu.memory_space<vmem>>, vector<4x2x512xf32>,
    return
  }
}

</mosaic_0001>

<sc_bundles>
// kernel: kernel.6.cloned.1.call-start
scs
__scs_entry_jumppad:
0x0: {  	(pc) =	sbr.rel $0x88, $3  }
0x1: {  	(tag) =	ssettag $0x0;
	lr =	simm.s32 $0x1  }
0x2: {  	[smem:$0x3F97] =	sst lr;
	_ =	strace $0xD0000000  }
0x3: {  	_ = 	snop  }
0x4: {  	_ = 	snop  }
0x5: {  	_ = 	snop  }
0x6: {  	_ = 	snop  }
0x7: {  	_ = 	snop  }
__scs_overlays_trampoline_lowered:
0x8: {  	[smem:$0x3FA6] =	sst s0  }
0x9: {  	[smem:$0x3FA7] =	sst s1  }
0xa: {  	[smem:$0x3FA8] =	sst s2  }
0xb: {  	[smem:$0x3FA9] =	sst s3  }
0xc: {  	[smem:$0x3FAA] =	sst s4  }
0xd: {  	[smem:$0x3FAB] =	sst s5  }
0xe: {  	[smem:$0x3FAC] =	sst s6  }
0xf: {  	[smem:$0x3FAD] =	sst s7  }
0x10: {  	[smem:$0x3FAE] =	sst s8  }
0x11: {  	[smem:$0x3FAF] =	sst s9;
	s0 =	simm.s32 @!p0 $0x0  }
0x12: {  	s1 =	sld [smem:$0x3F95];
	s0 =	simm.s32 @p0 $0x1  }
0x13: {  	[smem:$0x3FB0] =	sst s0;
	s0 =	simm.s32 @!p1 $0x0  }
0x14: {  	s2 =	sld [smem:$0x3F94];
	s0 =	simm.s32 @p1 $0x1  }
0x15: {  	[smem:$0x3FB1] =	sst s0;
	s0 =	simm.s32 @!p2 $0x0  }
0x16: {  	s3 =	sld [smem:$0x3FDB];
	s0 =	simm.s32 @p2 $0x1  }
0x17: {  	s4 =	simm.s32 $0x1BF5;
	[smem:$0x3FB3] =	sst s0  }
0x18: {  	s0 =	sld [smem:$0x3F96];
	_ =	swait.ge [sflag:s4], $0x0  }
0x19: {  	s7 =	sld [smem:$0x3F97]  }
0x1a: {  	s8 =	sadd.s32 $0xFFFFE003, lr  }
0x1b: {  	s9 =	sadd.s32 $0xFFFFFEF7, lr;
	s5 =	simm.s32 $0xFFFFFFFF;
	p2 =	slt.u32 s8, $0xFFFFF086  }
0x1c: {  	p1 =	slt.u32 s9, $0xF7A;
	s5 =	simm.s32 @!p2 $0x0  }
0x1d: {  	s5 =	simm.s32 @p1 $0x1;
	p0 =	seq.s32 s7, s2  }
0x1e: {  	s7 =	smul.u32 @!p0 $0xF7A, s2;
	p2 =	seq.s32 @!p0 s5, $0x0  }
0x1f: {  	s9 =	smul.u32 $0xF7A, s1;
	s8 =	simm.s32 @!p0 $0x1BF5;
	p2 =	por !p2, p0  }
0x20: {  	[sflag:s8] =	ssyncset.s32 @!p0 $0xFFFFF086;
	s6 =	sadd.s32 @!p0 s3, s7;
	s7 =	simm.s32 @!p0 $0x108  }
0x21: {  	s3 =	sadd.s32 s3, s9;
	s6 =	sadd.s32 @!p0 $0x88, s6;
	s7 =	simm.s32 @p2 $0x1082  }
0x22: {  	[simem:s7], [sflag:s8] =	dma.local @!p0 [hbm:s6], $0xF7A  }
0x23: {  	s9 =	sor.u32 $0xD0000000, s2;
	s6 =	simm.s32 $0x108;
	_ =	swait.ge @!p0 [sflag:s8], $0x0  }
0x24: {  	s3 =	sadd.s32 $0x88, s3;
	s6 =	simm.s32 @!p1 $0x1082;
	[sflag:s4] =	ssyncset.s32 $0xFFFFF086  }
0x25: {  	[simem:s6], [sflag:s4] =	dma.local [hbm:s3], $0xF7A  }
0x26: {  	[smem:$0x3F97] =	sst s1;
	(tag) =	ssettag s2;
	_ =	strace s9  }
0x27: {  	s1 =	sld [smem:$0x3FA7]  }
0x28: {  	s2 =	sld [smem:$0x3FA8]  }
0x29: {  	s4 =	sld [smem:$0x3FAA]  }
0x2a: {  	p0 =	seq.s32 s5, $0x0;
	s5 =	sld [smem:$0x3FAB]  }
0x2b: {  	s6 =	sld [smem:$0x3FAC]  }
0x2c: {  	s7 =	sld [smem:$0x3FAD]  }
0x2d: {  	s3 =	simm.s32 $0x108;
	s8 =	sld [smem:$0x3FAE]  }
0x2e: {  	s3 =	simm.s32 @!p0 $0x1082;
	s9 =	sld [smem:$0x3FAF]  }
0x2f: {  	lr =	sadd.s32 s0, s3;
	s0 =	sld [smem:$0x3FA6]  }
0x30: {  	s3 =	sld [smem:$0x3FA9]  }
0x31: {  	[smem:$0x3FB2] =	sst s10  }
0x32: {  	s10 =	sld [smem:$0x3FB0];
	_ =	sdelay $0x3  }
0x33: {  	p0 =	seq.s32 s10, $0x1;
	s10 =	sld [smem:$0x3FB2];
	_ =	sdelay $0x3  }
0x34: {  	[smem:$0x3FB2] =	sst s10  }
0x35: {  	s10 =	sld [smem:$0x3FB1];
	_ =	sdelay $0x3  }
0x36: {  	p1 =	seq.s32 s10, $0x1;
	s10 =	sld [smem:$0x3FB2];
	_ =	sdelay $0x3  }
0x37: {  	[smem:$0x3FB2] =	sst s10  }
0x38: {  	s10 =	sld [smem:$0x3FB3]  }
0x39: {  	_ = 	snop;
	(pc) =	sbr.ind lr, $3  }
0x3a: {  	_ = 	snop  }
0x3b: {  	_ = 	snop  }
0x3c: {  	p2 =	seq.s32 s10, $0x1;
	s10 =	sld [smem:$0x3FB2]  }
0x3d: {  	_ =	shalt  }
0x3e: {  	_ =	shalt  }
0x3f: {  	_ =	shalt  }
0x40: {  	_ =	shalt  }
0x41: {  	_ =	shalt  }
0x42: {  	_ =	shalt  }
0x43: {  	_ =	shalt  }
0x44: {  	_ =	shalt  }
0x45: {  	_ =	shalt  }
0x46: {  	_ =	shalt  }
0x47: {  	_ =	shalt  }
0x48: {  	_ =	shalt  }
0x49: {  	_ =	shalt  }
0x4a: {  	_ =	shalt  }
0x4b: {  	_ =	shalt  }
0x4c: {  	_ =	shalt  }
0x4d: {  	_ =	shalt  }
0x4e: {  	_ =	shalt  }
0x4f: {  	_ =	shalt  }
0x50: {  	_ =	shalt  }
0x51: {  	_ =	shalt  }
0x52: {  	_ =	shalt  }
0x53: {  	_ =	shalt  }
0x54: {  	_ =	shalt  }
0x55: {  	_ =	shalt  }
0x56: {  	_ =	shalt  }
0x57: {  	_ =	shalt  }
0x58: {  	_ =	shalt  }
0x59: {  	_ =	shalt  }
0x5a: {  	_ =	shalt  }
0x5b: {  	_ =	shalt  }
0x5c: {  	_ =	shalt  }
0x5d: {  	_ =	shalt  }
0x5e: {  	_ =	shalt  }
0x5f: {  	_ =	shalt  }
0x60: {  	_ =	shalt  }
0x61: {  	_ =	shalt  }
0x62: {  	_ =	shalt  }
0x63: {  	_ =	shalt  }
0x64: {  	_ =	shalt  }
0x65: {  	_ =	shalt  }
0x66: {  	_ =	shalt  }
0x67: {  	_ =	shalt  }
0x68: {  	_ =	shalt  }
0x69: {  	_ =	shalt  }
0x6a: {  	_ =	shalt  }
0x6b: {  	_ =	shalt  }
0x6c: {  	_ =	shalt  }
0x6d: {  	_ =	shalt  }
0x6e: {  	_ =	shalt  }
0x6f: {  	_ =	shalt  }
0x70: {  	_ =	shalt  }
0x71: {  	_ =	shalt  }
0x72: {  	_ =	shalt  }
0x73: {  	_ =	shalt  }
0x74: {  	_ =	shalt  }
0x75: {  	_ =	shalt  }
0x76: {  	_ =	shalt  }
0x77: {  	_ =	shalt  }
0x78: {  	_ =	shalt  }
0x79: {  	_ =	shalt  }
0x7a: {  	_ =	shalt  }
0x7b: {  	_ =	shalt  }
0x7c: {  	_ =	shalt  }
0x7d: {  	_ =	shalt  }
0x7e: {  	_ =	shalt  }
0x7f: {  	_ =	shalt  }
0x80: {  	_ =	shalt  }
0x81: {  	_ =	shalt  }
0x82: {  	_ =	shalt  }
0x83: {  	_ =	shalt  }
0x84: {  	_ =	shalt  }
0x85: {  	_ =	shalt  }
0x86: {  	_ =	shalt  }
0x87: {  	_ =	shalt  }
.Lfunc_end0:
.L_simem_size_0:
called_computation_lowered:
.L_overlay_start_0:
0x88: {  	s2 =	sld [smem:$0x3FD9]  }
0x89: {  	s3 =	sld [smem:$0x3FFE];
	_ =	sdelay $0x1  }
0x8a: {  	s1 =	srdreg.scid  }
0x8b: {  	s0 =	sand.u32 $0x1, s1  }
0x8c: {  	s29 =	sshll.u32 s0, $0xA;
	s2 =	sadd.s32 s3, s2  }
0x8d: {  	s2 =	sadd.s32 s2, s29  }
0x8e: {  	[smem:$0x3FBE] =	sst s2  }
0x8f: {  	_ = 	snop  }
0x90: {  	s2 =	sld [smem:$0x3FC8]  }
0x91: {  	s6 =	sld [smem:$0x3FD0]  }
0x92: {  	s30 =	sld [smem:$0x3FC7]  }
0x93: {  	s4 =	sld [smem:$0x3FC6]  }
0x94: {  	s7 =	simm.s32 $0xA;
	s8 =	simm.s32 $0x10;
	s5 =	sld [smem:$0x3FC5]  }
0x95: {  	[smem:s8], [sflag:s7] =	dma.local [hbm:s6], $0x1  }
0x96: {  	_ =	swait.eq [sflag:s7], $0x1  }
0x97: {  	[sflag:s7] =	ssyncset.done $0x0  }
0x98: {  	[sflag:s7] =	ssyncadd.s32 $0xFFFFFFFF  }
0x99: {  	s31 =	sld [smem:$0x11];
	(tm) =	ssettm $0x1  }
0x9a: {  	s12 =	sld [smem:$0x3FFB];
	_ =	sdelay $0x3  }
0x9b: {  	_ =	strace s12  }
0x9c: {  	s6 =	sld [smem:$0x3FFC];
	_ =	sdelay $0x3  }
0x9d: {  	_ =	strace s6  }
0x9e: {  	s6 =	sld [smem:$0x3FFD];
	_ =	sdelay $0x3  }
0x9f: {  	_ =	strace s6  }
0xa0: {  	_ =	strace $0x8FFFFFFF  }
0xa1: {  	s13 =	sld [smem:$0x3FDB];
	_ =	sdelay $0x1  }
0xa2: {  	s14 =	simm.s32 $_scs_section_size  }
0xa3: {  	s9 =	simm.s32 $_size__tile_task_arg_handler_lowered;
	s10 =	simm.s32 $_tile_task_arg_handler_lowered  }
0xa4: {  	s17 =	simm.s32 $0x1BFF;
	s16 =	sshll.u32 s10, $0x1;
	s8 =	sadd.s32 s14, s13  }
0xa5: {  	s11 =	simm.s32 $0x60;
	s15 =	sshll.u32 s9, $0x1;
	s9 =	sadd.s32 s16, s8  }
0xa6: {  	[timem:s11], [sflag:s17] =	dma.local [hbm:s9], s15  }
0xa7: {  	_ =	swait.ge [sflag:s17], s15  }
0xa8: {  	s18 =	simm.s32 $_tile_overlayer_lowered;
	s6 =	ssub.s32 $0x0, s15;
	[sflag:s17] =	ssyncset.done $0x0  }
0xa9: {  	s19 =	simm.s32 $_size__tile_overlayer_lowered;
	s9 =	sshll.u32 s18, $0x1;
	[sflag:s17] =	ssyncadd.s32 s6  }
0xaa: {  	s21 =	simm.s32 $0x0;
	s20 =	sshll.u32 s19, $0x1;
	s9 =	sadd.s32 s9, s8  }
0xab: {  	[timem:s21], [sflag:s17] =	dma.local [hbm:s9], s20  }
0xac: {  	_ =	swait.ge [sflag:s17], s20  }
0xad: {  	s22 =	ssub.s32 $0x0, s20;
	[sflag:s17] =	ssyncset.done $0x0  }
0xae: {  	[sflag:s17] =	ssyncadd.s32 s22;
	_ =	sdelay $0x1  }
0xaf: {  	s23 =	simm.s32 $0x1B8B  }
0xb0: {  	_ =	swait.ge [sflag:s23], $0x1  }
0xb1: {  	[sflag:s23] =	ssyncset.done $0x0  }
0xb2: {  	s25 =	simm.s32 $0x1B8E;
	s24 =	sld [smem:$0x3FFE];
	[sflag:s23] =	ssyncadd.s32 $0xFFFFFFFF  }
0xb3: {  	s26 =	simm.s32 $execute0_lowered;
	[smem:$0x3FD2] =	sst s25  }
0xb4: {  	s10 =	sshll.u32 s26, $0x1;
	_ =	strace $0x80000046;
	[dreg:$0x1] =	wrdreg $0xFFFFFFFF  }
0xb5: {  	s28 =	simm.s32 $_size_execute0_lowered;
	s8 =	sadd.s32 s8, s10;
	[dreg:$0x0] =	wrdreg $0x0  }
0xb6: {  	s10 =	sshll.u32 s28, $0x1;
	[dreg:$0x2] =	wrdreg s8  }
0xb7: {  	[dreg:$0x3] =	wrdreg s10  }
0xb8: {  	[dreg:$0x4] =	wrdreg $0xC0  }
0xb9: {  	_ =	task [dreg:s21], $0x5FFFF  }
0xba: {  	[dreg:$0x1] =	wrdreg $0xFFFFFFFF  }
0xbb: {  	[dreg:$0x0] =	wrdreg $0x30  }
0xbc: {  	[dreg:$0x2] =	wrdreg $0x0  }
0xbd: {  	[dreg:$0x3] =	wrdreg $0x9  }
0xbe: {  	_ =	task [dreg:s21], $0x4FFFF  }
0xbf: {  	[dreg:$0x1] =	wrdreg $0xFFFFFFFF  }
0xc0: {  	[dreg:$0x0] =	wrdreg $0x60  }
0xc1: {  	[dreg:$0x2] =	wrdreg s2  }
0xc2: {  	[dreg:$0x3] =	wrdreg s30  }
0xc3: {  	[dreg:$0x4] =	wrdreg s4  }
0xc4: {  	[dreg:$0x5] =	wrdreg s5  }
0xc5: {  	[dreg:$0x6] =	wrdreg s24  }
0xc6: {  	[dreg:$0x7] =	wrdreg s31  }
0xc7: {  	[dreg:$0x8] =	wrdreg $0xE000  }
0xc8: {  	[dreg:$0x9] =	wrdreg $0x12000  }
0xc9: {  	[dreg:$0xa] =	wrdreg $0x16000  }
0xca: {  	[dreg:$0xb] =	wrdreg $0x16100  }
0xcb: {  	[dreg:$0xc] =	wrdreg $0x16200  }
0xcc: {  	[dreg:$0xd] =	wrdreg $0x16300  }
0xcd: {  	[dreg:$0xe] =	wrdreg $0x16400  }
0xce: {  	[dreg:$0xf] =	wrdreg $0x16500  }
0xcf: {  	_ =	task.clear_ibuf [dreg:s21], $0x10FFFF;
	_ =	strace $0x90000046  }
0xd0: {  	s29 =	simm.s32 $0x9;
	_ =	strace $0x80000048  }
0xd1: {  	_ =	swait.ge [sflag:s29], $0x1  }
0xd2: {  	[sflag:s29] =	ssyncadd.s32 $0xFFFFFFFF  }
0xd3: {  	_ =	strace $0x90000048  }
0xd4: {  	_ =	sfence  }
0xd5: {  	s30 =	sld [smem:$0x0];
	_ =	sdelay $0x2  }
0xd6: {  	s31 =	sshll.u32 s1, $0xD;
	s1 =	sshrl.u32 s1, $0x2  }
0xd7: {  	s3 =	sand.u32 $0x4000, s31;
	s1 =	sadd.s32 s1, s30  }
0xd8: {  	s0 =	sor.u32 s3, s0;
	s1 =	sshll.u32 s1, $0x11  }
0xd9: {  	s0 =	sor.u32 s1, s0  }
0xda: {  	s0 =	sadd.s32 $0x8F2B, s0  }
0xdb: {  	[sflag:s0] =	ssyncadd.remote.s32 $0x1  }
0xdc: {  	_ =	sfence.sel $0xFFFF  }
0xdd: {  	[dreg:$0x0] =	wrdreg $0xFFFFFFFF;
	(pc) =	sbr.abs _section_cstart, $3  }
0xde: {  	[dreg:$0x1] =	wrdreg $0xFFFFFFFF  }
0xdf: {  	_ =	task.clear_ibuf [dreg:s21], $0x2FFFF;
	_ =	strace $0x9FFFFFFF  }
0xe0: {  	(tm) =	ssettm $0x7FFFFFFF  }
0xe1: {  	_ =	shalt  }
tec
_tile_task_arg_handler_lowered:
.L_overlay_start_1:
0x0: {  	(tag) =	ssettag $0x1  }
0x1: {  	s0 =	rddreg [dreg:$0x0]  }
0x2: {  	s1 =	rddreg [dreg:$0x1]  }
0x3: {  	s2 =	rddreg [dreg:$0x2]  }
0x4: {  	s3 =	rddreg [dreg:$0x3]  }
0x5: {  	s4 =	rddreg [dreg:$0x4]  }
0x6: {  	s5 =	rddreg [dreg:$0x5]  }
0x7: {  	s6 =	rddreg [dreg:$0x6]  }
0x8: {  	s7 =	rddreg [dreg:$0x7]  }
0x9: {  	s8 =	rddreg [dreg:$0x8]  }
0xa: {  	s9 =	rddreg [dreg:$0x9]  }
0xb: {  	s10 =	rddreg [dreg:$0xa]  }
0xc: {  	s11 =	rddreg [dreg:$0xb]  }
0xd: {  	s12 =	rddreg [dreg:$0xc]  }
0xe: {  	s13 =	rddreg [dreg:$0xd]  }
0xf: {  	[smem:s0] =	sst s1  }
0x10: {  	[smem:s0+$0x1] =	sst s2  }
0x11: {  	[smem:s0+$0x2] =	sst s3  }
0x12: {  	[smem:s0+$0x3] =	sst s4  }
0x13: {  	[smem:s0+$0x4] =	sst s5  }
0x14: {  	[smem:s0+$0x5] =	sst s6  }
0x15: {  	[smem:s0+$0x6] =	sst s7  }
0x16: {  	[smem:s0+$0x7] =	sst s8  }
0x17: {  	[smem:s0+$0x8] =	sst s9  }
0x18: {  	[smem:s0+$0x9] =	sst s10  }
0x19: {  	[smem:s0+$0xA] =	sst s11  }
0x1a: {  	[smem:s0+$0xB] =	sst s12  }
0x1b: {  	[smem:s0+$0xC] =	sst s13;
	_ =	shalt  }
.Lfunc_end2:
execute0_lowered:
.L_overlay_start_2:
0x1c: {  	(tag) =	ssettag $0x2  }
0x1d: {  	s1 =	rddreg [dreg:$0x0]  }
0x1e: {  	s15 =	rddreg [dreg:$0x1]  }
0x1f: {  	s14 =	rddreg [dreg:$0x2]  }
0x20: {  	s10 =	rddreg [dreg:$0x6]  }
0x21: {  	s0 =	rddreg [dreg:$0x7]  }
0x22: {  	s6 =	rddreg [dreg:$0x8]  }
0x23: {  	s8 =	rddreg [dreg:$0x9]  }
0x24: {  	s16 =	rddreg [dreg:$0xa]  }
0x25: {  	s17 =	rddreg [dreg:$0xb]  }
0x26: {  	s18 =	rddreg [dreg:$0xc];
	s2 =	srdreg.scid  }
0x27: {  	s19 =	rddreg [dreg:$0xd];
	s12 =	stileid.u32  }
0x28: {  	s28 =	simm.s32 $0x200;
	s30 =	simm.s32 $0x1;
	s31 =	simm.s32 $0xC00  }
0x29: {  	s3 =	sand.u32 $0x1, s2;
	s2 =	simm.s32 $0x0;
	s5 =	sshrl.u32 s12, $0x3  }
0x2a: {  	s13 =	sand.u32 $0x7, s12;
	s11 =	sshll.u32 s12, $0xD;
	s4 =	sshll.u32 s3, $0x1  }
0x2b: {  	[smem:$0x7FF] =	sst s2;
	p0 =	seq.s32 s5, $0x0;
	s9 =	sshll.u32 s13, $0xD  }
0x2c: {  	s7 =	sshll.u32 s3, $0x8;
	s3 =	ssub.s32 $0x2, s3;
	s23 =	sshll.u32 s5, $0x7  }
0x2d: {  	s20 =	sor.u32 s5, s4;
	s29 =	sshrl.u32 s3, $0x1;
	s24 =	sshrl.u32 s9, $0x2  }
0x2e: {  	s26 =	sadd.s32 s23, s18;
	s4 =	sshll.u32 s20, $0x7;
	s22 =	ssub.s32 s3, s29  }
0x2f: {  	s25 =	sadd.s32 s24, s0;
	s24 =	sadd.s32 s23, s17;
	[dreg:$0x10] =	wrdreg s26  }
0x30: {  	s29 =	sadd.s32 s23, s19;
	s26 =	sshll.u32 s13, $0x6;
	s21 =	sor.u32 s9, s4  }
0x31: {  	s4 =	sor.u32 s7, s11;
	s7 =	sshll.u32 s12, $0xA;
	[dreg:$0xf] =	wrdreg s24  }
0x32: {  	s12 =	sshll.u32 s12, $0x4;
	s11 =	sshrl.u32 s11, $0x2;
	[dreg:$0x11] =	wrdreg s29  }
0x33: {  	s22 =	smax.u32 s22, $0x1;
	s21 =	smov.u32 @p0 s4;
	s3 =	sadd.s32 s7, s10  }
0x34: {  	s4 =	sadd.s32 s7, s0;
	s5 =	sadd.s32 s12, s6;
	s6 =	sadd.s32 s23, s6  }
0x35: {  	s7 =	sadd.s32 s12, s8;
	s8 =	sadd.s32 s23, s8;
	s11 =	sadd.s32 s11, s10  }
0x36: {  	s0 =	smov.u32 @p0 s10;
	s10 =	sadd.s32 s12, s17;
	s17 =	rddreg [dreg:$0x4]  }
0x37: {  	v0 =	vimm.s32 $0xFEDCBA98;
	v1 =	vimm.s32 $0x76543210;
	s9 =	sadd.s32 s12, s16;
	s16 =	sadd.s32 s23, s16;
	s23 =	sld [smem:$0x0]  }
0x38: {  	v2 =	vimm.s32 $0x3210FEDC;
	v3 =	vimm.s32 $0xBA987654;
	v4 =	vimm.s32 $0x10FEDCBA;
	s25 =	smov.u32 @p0 s11;
	s11 =	sadd.s32 s12, s18;
	[dreg:$0xe] =	wrdreg s16  }
0x39: {  	v5 =	vimm.s32 $0x98765432;
	v6 =	vimm.s32 $0xFEDCBA9;
	v7 =	vimm.s32 $0x87654321;
	s12 =	sadd.s32 s12, s19;
	p0 =	sgt.s32 s20, $0x1;
	s16 =	rddreg [dreg:$0x3]  }
0x3a: {  	v0 =	vunpack.c.l.s4.s8 v0;
	v1 =	vunpack.c.l.s4.s8 v1;
	v2 =	vunpack.c.l.s4.s8 v2;
	s18 =	rddreg [dreg:$0x5];
	s24 =	sshrl.u32 s21, $0x3;
	s21 =	sadd.s32 $0x82A00, s17  }
0x3b: {  	v3 =	vunpack.c.l.s4.s8 v3;
	v4 =	vunpack.c.l.s4.s8 v4;
	v5 =	vunpack.c.l.s4.s8 v5;
	p1 =	seq.s32 @p0 s20, $0x2;
	s29 =	sadd.s32 s24, s17;
	s24 =	simm.s32 $0x800  }
0x3c: {  	v6 =	vunpack.c.l.s4.s8 v6;
	v7 =	vunpack.c.l.s4.s8 v7;
	v0 =	vunpack.c.0.s8.s32 v0;
	s25 =	sshrl.u32 s25, $0x3;
	p1 =	por !p1, !p0;
	[dreg:$0x12] =	wrdreg s23  }
0x3d: {  	v2 =	vunpack.c.0.s8.s32 v2;
	v3 =	vunpack.c.0.s8.s32 v3;
	v4 =	vunpack.c.0.s8.s32 v4;
	s23 =	sadd.s32 $0x83200, s29;
	s14 =	smov.u32 @p1 s16;
	p1 =	seq.s32 @!p0 s20, $0x0  }
.Ltmp0:
0x3e: {  	v5 =	vunpack.c.0.s8.s32 v5;
	v6 =	vunpack.c.0.s8.s32 v6;
	v7 =	vunpack.c.0.s8.s32 v7;
	s20 =	sshll.u32 s20, $0x4;
	p1 =	por !p1, p0;
	(pc) =	sbr.rel .LBB3_1-.Ltmp0, $4  }
0x3f: {  	v1 =	vunpack.c.0.s8.s32 v1;
	v2 =	vcombine.low v3, v2;
	s16 =	sadd.s32 s18, s20;
	s20 =	sadd.s32 $0x82200, s17;
	s17 =	simm.s32 $0xD00  }
0x40: {  	v3 =	vcombine.low v5, v4;
	v4 =	vand.u32 $0xF, v0;
	v5 =	vcombine.low v7, v6;
	[dreg:$0x13] =	wrdreg s16;
	s1 =	smov.u32 @p1 s15;
	s15 =	simm.s32 $0x0  }
0x41: {  	v0 =	vimm.f32 $0.0e+00;
	v1 =	vcombine.low v4, v1;
	_ =	strace $0x80000047;
	s1 =	smov.u32 @p0 s14;
	p0 =	sne.s32 s13, $0x0  }
0x42: {  	v2 =	vand.u32 $0xF, v2;
	v3 =	vand.u32 $0xF, v3;
	v4 =	vand.u32 $0xF, v5;
	s13 =	simm.s32 $0xC80;
	s19 =	sadd.s32 s1, s26;
	s26 =	simm.s32 $0x2  }
.LBB3_5:
0x43: {  	s1 =	stileid.u32;
	s15 =	sadd.s32 $0x1, s15  }
0x44: {  	s14 =	simm.s32 $0x40;
	s1 =	sshll.u32 s1, $0x6;
	p1 =	sne.s32 s15, s22  }
.Ltmp1:
0x45: {  	s16 =	simm.s32 $0x10;
	s1 =	sor.u32 $0x1C02, s1;
	(pc) =	sbr.rel @!p1 .LBB3_6-.Ltmp1, $4  }
0x46: {  	[hbm:s23@s14], [sflag:s1] =	dma.strided [spmem:s25@s16], $0x100, s30, $0x10   }
0x47: {  	_ =	swait.ge [sflag:s26], $0x100  }
0x48: {  	[sflag:s26] =	ssyncset.done $0x0  }
0x49: {  	[sflag:s26] =	ssyncadd.s32 $0xFFFFFF00  }
.LBB3_1:
0x4a: {  	[tilespmem:$0x800] =	vst v0  }
0x4b: {  	[tilespmem:$0x810] =	vst v0  }
0x4c: {  	[tilespmem:$0x820] =	vst v0  }
0x4d: {  	[tilespmem:$0x830] =	vst v0  }
0x4e: {  	[tilespmem:$0x840] =	vst v0  }
0x4f: {  	[tilespmem:$0x850] =	vst v0  }
0x50: {  	[tilespmem:$0x860] =	vst v0  }
0x51: {  	[tilespmem:$0x870] =	vst v0  }
0x52: {  	[tilespmem:$0x880] =	vst v0  }
0x53: {  	[tilespmem:$0x890] =	vst v0  }
0x54: {  	[tilespmem:$0x8A0] =	vst v0  }
0x55: {  	[tilespmem:$0x8B0] =	vst v0  }
0x56: {  	[tilespmem:$0x8C0] =	vst v0  }
0x57: {  	[tilespmem:$0x8D0] =	vst v0  }
0x58: {  	[tilespmem:$0x8E0] =	vst v0  }
0x59: {  	[tilespmem:$0x8F0] =	vst v0  }
0x5a: {  	[tilespmem:$0x900] =	vst v0  }
0x5b: {  	[tilespmem:$0x910] =	vst v0  }
0x5c: {  	[tilespmem:$0x920] =	vst v0  }
0x5d: {  	[tilespmem:$0x930] =	vst v0  }
0x5e: {  	[tilespmem:$0x940] =	vst v0  }
0x5f: {  	[tilespmem:$0x950] =	vst v0  }
0x60: {  	[tilespmem:$0x960] =	vst v0  }
0x61: {  	[tilespmem:$0x970] =	vst v0  }
0x62: {  	[tilespmem:$0x980] =	vst v0  }
0x63: {  	[tilespmem:$0x990] =	vst v0  }
0x64: {  	[tilespmem:$0x9A0] =	vst v0  }
0x65: {  	[tilespmem:$0x9B0] =	vst v0  }
0x66: {  	[tilespmem:$0x9C0] =	vst v0  }
0x67: {  	[tilespmem:$0x9D0] =	vst v0  }
0x68: {  	[tilespmem:$0x9E0] =	vst v0  }
0x69: {  	[tilespmem:$0x9F0] =	vst v0  }
0x6a: {  	[tilespmem:$0xA00] =	vst v0  }
0x6b: {  	[tilespmem:$0xA10] =	vst v0  }
0x6c: {  	[tilespmem:$0xA20] =	vst v0  }
0x6d: {  	[tilespmem:$0xA30] =	vst v0  }
0x6e: {  	[tilespmem:$0xA40] =	vst v0  }
0x6f: {  	[tilespmem:$0xA50] =	vst v0  }
0x70: {  	[tilespmem:$0xA60] =	vst v0  }
0x71: {  	[tilespmem:$0xA70] =	vst v0  }
0x72: {  	[tilespmem:$0xA80] =	vst v0  }
0x73: {  	[tilespmem:$0xA90] =	vst v0  }
0x74: {  	[tilespmem:$0xAA0] =	vst v0  }
0x75: {  	[tilespmem:$0xAB0] =	vst v0  }
0x76: {  	[tilespmem:$0xAC0] =	vst v0  }
0x77: {  	[tilespmem:$0xAD0] =	vst v0  }
0x78: {  	[tilespmem:$0xAE0] =	vst v0  }
0x79: {  	[tilespmem:$0xAF0] =	vst v0  }
0x7a: {  	[tilespmem:$0xB00] =	vst v0  }
0x7b: {  	[tilespmem:$0xB10] =	vst v0  }
0x7c: {  	[tilespmem:$0xB20] =	vst v0  }
0x7d: {  	[tilespmem:$0xB30] =	vst v0  }
0x7e: {  	[tilespmem:$0xB40] =	vst v0  }
0x7f: {  	[tilespmem:$0xB50] =	vst v0  }
0x80: {  	[tilespmem:$0xB60] =	vst v0  }
0x81: {  	[tilespmem:$0xB70] =	vst v0  }
0x82: {  	[tilespmem:$0xB80] =	vst v0  }
0x83: {  	[tilespmem:$0xB90] =	vst v0  }
0x84: {  	[tilespmem:$0xBA0] =	vst v0  }
0x85: {  	[tilespmem:$0xBB0] =	vst v0  }
0x86: {  	[tilespmem:$0xBC0] =	vst v0  }
0x87: {  	[tilespmem:$0xBD0] =	vst v0  }
0x88: {  	[tilespmem:$0xBE0] =	vst v0  }
0x89: {  	[tilespmem:$0xBF0] =	vst v0  }
0x8a: {  	[spmem:s3] =	stream.linear.scatter [tilespmem:s24], [sflag:$0x2], $0x400, $0x38;
	[tilespmem:$0x1660] =	vst v63  }
0x8b: {  	_ =	swait.ge [sflag:s26], $0x400  }
0x8c: {  	[sflag:s26] =	ssyncset.done $0x0  }
0x8d: {  	[sflag:s26] =	ssyncadd.s32 $0xFFFFFC00  }
0x8e: {  	[spmem:s4] =	stream.linear.scatter [tilespmem:s24], [sflag:$0x2], $0x400, $0x38;
	[tilespmem:$0x1660] =	vst v63  }
0x8f: {  	_ =	swait.ge [sflag:s26], $0x400  }
0x90: {  	[sflag:s26] =	ssyncset.done $0x0  }
0x91: {  	[sflag:s26] =	ssyncadd.s32 $0xFFFFFC00  }
0x92: {  	[tilespmem:s2], [sflag:$0x2] =	stream.linear.gather [hbm4b:s19+s2], $0x200, $0x38;
	[tilespmem:$0x1660] =	vst v63  }
0x93: {  	_ =	swait.ge [sflag:s26], $0x200  }
0x94: {  	[sflag:s26] =	ssyncset.done $0x0  }
0x95: {  	[sflag:s26] =	ssyncadd.s32 $0xFFFFFE00  }
0x96: {  	[tilespmem:s28], [sflag:$0x1] =	stream.indirect.gather [hbm4b:s20+s28], $0x1, s2, s28, $0xb8;
	[tilespmem:$0x1660] =	vst v63  }
0x97: {  	s1 =	simm.s32 $0x400  }
0x98: {  	[tilespmem:s1], [sflag:$0x1] =	stream.indirect.gather [hbm4b:s21+s28], $0x1, s2, s28, $0xb8;
	[tilespmem:$0x1660] =	vst v63  }
0x99: {  	_ =	swait.ge [sflag:s30], $0x200  }
0x9a: {  	[sflag:s30] =	ssyncset.done $0x0  }
0x9b: {  	[sflag:s30] =	ssyncadd.s32 $0xFFFFFE00  }
0x9c: {  	_ =	swait.ge [sflag:s30], $0x200  }
0x9d: {  	[sflag:s30] =	ssyncset.done $0x0  }
0x9e: {  	[sflag:s30] =	ssyncadd.s32 $0xFFFFFE00  }
0x9f: {  	v5 =	vld [tilespmem:$0x200]  }
0xa0: {  	v6 =	vld [tilespmem:$0x210]  }
0xa1: {  	v7 =	vld [tilespmem:$0x220]  }
0xa2: {  	v8 =	vld [tilespmem:$0x230]  }
0xa3: {  	v9 =	vld [tilespmem:$0x240]  }
0xa4: {  	v10 =	vld [tilespmem:$0x250]  }
0xa5: {  	v5 =	vmax.f32 v5, v6;
	v6 =	vld [tilespmem:$0x260]  }
0xa6: {  	v5 =	vmax.f32 v5, v7;
	v7 =	vld [tilespmem:$0x270]  }
0xa7: {  	v5 =	vmax.f32 v5, v8;
	v8 =	vld [tilespmem:$0x280]  }
0xa8: {  	v5 =	vmax.f32 v5, v9;
	v9 =	vld [tilespmem:$0x290]  }
0xa9: {  	v5 =	vmax.f32 v5, v10;
	v10 =	vld [tilespmem:$0x2A0]  }
0xaa: {  	v5 =	vmax.f32 v5, v6;
	v6 =	vld [tilespmem:$0x2B0]  }
0xab: {  	v5 =	vmax.f32 v5, v7;
	v7 =	vld [tilespmem:$0x2C0]  }
0xac: {  	v5 =	vmax.f32 v5, v8;
	v8 =	vld [tilespmem:$0x2D0]  }
0xad: {  	v5 =	vmax.f32 v5, v9;
	v9 =	vld [tilespmem:$0x2E0]  }
0xae: {  	v5 =	vmax.f32 v5, v10;
	v10 =	vld [tilespmem:$0x2F0]  }
0xaf: {  	v5 =	vmax.f32 v5, v6;
	v6 =	vld [tilespmem:$0x300]  }
0xb0: {  	v5 =	vmax.f32 v5, v7;
	v7 =	vld [tilespmem:$0x310]  }
0xb1: {  	v5 =	vmax.f32 v5, v8;
	v8 =	vld [tilespmem:$0x320]  }
0xb2: {  	v5 =	vmax.f32 v5, v9;
	v9 =	vld [tilespmem:$0x330]  }
0xb3: {  	v5 =	vmax.f32 v5, v10;
	v10 =	vld [tilespmem:$0x340]  }
0xb4: {  	v5 =	vmax.f32 v5, v6;
	v6 =	vld [tilespmem:$0x350]  }
0xb5: {  	v5 =	vmax.f32 v5, v7;
	v7 =	vld [tilespmem:$0x360]  }
0xb6: {  	v5 =	vmax.f32 v5, v8;
	v8 =	vld [tilespmem:$0x370]  }
0xb7: {  	v5 =	vmax.f32 v5, v9;
	v9 =	vld [tilespmem:$0x380]  }
0xb8: {  	v5 =	vmax.f32 v5, v10;
	v10 =	vld [tilespmem:$0x390]  }
0xb9: {  	v5 =	vmax.f32 v5, v6;
	v6 =	vld [tilespmem:$0x3A0]  }
0xba: {  	v5 =	vmax.f32 v5, v7;
	v7 =	vld [tilespmem:$0x3B0]  }
0xbb: {  	v5 =	vmax.f32 v5, v8;
	v8 =	vld [tilespmem:$0x3C0]  }
0xbc: {  	v5 =	vmax.f32 v5, v9;
	v9 =	vld [tilespmem:$0x3D0]  }
0xbd: {  	v5 =	vmax.f32 v5, v10;
	v10 =	vld [tilespmem:$0x3E0]  }
0xbe: {  	v5 =	vmax.f32 v5, v6;
	v6 =	vld [tilespmem:$0x3F0]  }
0xbf: {  	v5 =	vmax.f32 v5, v7  }
0xc0: {  	v5 =	vmax.f32 v5, v8  }
0xc1: {  	v5 =	vmax.f32 v5, v9  }
0xc2: {  	v5 =	vmax.f32 v5, v10  }
0xc3: {  	v5 =	vmax.f32 v5, v6  }
0xc4: {  	[tilespmem:$0xC00] =	vst v5  }
0xc5: {  	[spmem:s5] =	stream.linear.scatter [tilespmem:s31], [sflag:$0x2], $0x10, $0x38;
	[tilespmem:$0x1660] =	vst v63  }
0xc6: {  	_ =	swait.ge [sflag:s26], $0x10  }
0xc7: {  	[sflag:s26] =	ssyncset.done $0x0  }
0xc8: {  	[sflag:s26] =	ssyncadd.s32 $0xFFFFFFF0  }
0xc9: {  	[bflag:$0x0] =	sbarrier.arrive $0xFFFF  }
0xca: {  	[tilespmem:s17], [sflag:$0x2] =	stream.linear.gather [spmem:s6], $0x80, $0x38;
	[tilespmem:$0x1660] =	vst v63  }
0xcb: {  	_ =	swait.ge [sflag:s26], $0x80  }
0xcc: {  	[sflag:s26] =	ssyncset.done $0x0  }
0xcd: {  	[sflag:s26] =	ssyncadd.s32 $0xFFFFFF80  }
0xce: {  	v5 =	vld [tilespmem:$0xD00]  }
0xcf: {  	v6 =	vld [tilespmem:$0xD10]  }
0xd0: {  	v7 =	vld [tilespmem:$0xD20]  }
0xd1: {  	v8 =	vld [tilespmem:$0xD30]  }
0xd2: {  	v9 =	vld [tilespmem:$0xD40]  }
0xd3: {  	v10 =	vld [tilespmem:$0xD50]  }
0xd4: {  	v5 =	vmax.f32 v5, v6;
	v6 =	vld [tilespmem:$0xD60]  }
0xd5: {  	v5 =	vmax.f32 v5, v7;
	v7 =	vld [tilespmem:$0xD70]  }
0xd6: {  	v5 =	vmax.f32 v5, v8  }
0xd7: {  	v5 =	vmax.f32 v5, v9  }
0xd8: {  	v5 =	vmax.f32 v5, v10  }
0xd9: {  	v5 =	vmax.f32 v5, v6  }
0xda: {  	v5 =	vmax.f32 v5, v7  }
0xdb: {  	v6 =	vperm.xlane v5, v1;
	_ =	sdelay $0x1  }
0xdc: {  	v5 =	vmax.f32 v5, v6  }
0xdd: {  	v6 =	vperm.xlane v5, v2;
	_ =	sdelay $0x1  }
0xde: {  	v5 =	vmax.f32 v5, v6  }
0xdf: {  	v6 =	vperm.xlane v5, v3  }
0xe0: {  	v7 =	vld [tilespmem:$0x200]  }
0xe1: {  	v5 =	vmax.f32 v5, v6  }
0xe2: {  	v8 =	vld [tilespmem:$0x210];
	v6 =	vperm.xlane v5, v4;
	_ =	sdelay $0x1  }
0xe3: {  	v5 =	vmax.f32 v5, v6;
	v6 =	vld [tilespmem:$0x220]  }
0xe4: {  	v7 =	vsub.f32 v7, v5  }
0xe5: {  	v9 =	vld [tilespmem:$0x230]  }
0xe6: {  	v8 =	vsub.f32 v8, v5;
	v7 =	vmul.f32 $1.442695020e+00, v7;
	_ =	sdelay $0x1  }
0xe7: {  	(erf) = vpow2.f32 v7;
	v7 =	vmul.f32 $1.442695020e+00, v8;
	v6 =	vsub.f32 v6, v5  }
0xe8: {  	v8 =	vld [tilespmem:$0x240]  }
0xe9: {  	(erf) = vpow2.f32 v7;
	v6 =	vmul.f32 $1.442695020e+00, v6;
	v7 =	vsub.f32 v9, v5  }
0xea: {  	v9 =	vld [tilespmem:$0x250]  }
0xeb: {  	(erf) = vpow2.f32 v6;
	v6 =	vmul.f32 $1.442695020e+00, v7;
	v7 =	vld [tilespmem:$0x260];
	_ =	sdelay $0x1  }
0xec: {  	v8 =	vsub.f32 v8, v5;
	(erf) = vpow2.f32 v6;
	v6 =	vld [tilespmem:$0x270];
	_ =	sdelay $0x1  }
0xed: {  	v10 =	vld [tilespmem:$0x280];
	v8 =	vmul.f32 $1.442695020e+00, v8;
	v9 =	vsub.f32 v9, v5  }
0xee: {  	v11 =	vpop (erf);
	v7 =	vsub.f32 v7, v5  }
0xef: {  	v12 =	vld [tilespmem:$0x290];
	(erf) = vpow2.f32 v8;
	v8 =	vmul.f32 $1.442695020e+00, v9;
	v9 =	vadd.f32 $0.0e+00, v11  }
0xf0: {  	v13 =	vpop (erf);
	v7 =	vmul.f32 $1.442695020e+00, v7;
	v6 =	vsub.f32 v6, v5  }
0xf1: {  	(erf) = vpow2.f32 v8;
	v8 =	vadd.f32 v13, v9;
	v9 =	vld [tilespmem:$0x2A0]  }
0xf2: {  	v14 =	vpop (erf);
	(erf) = vpow2.f32 v7;
	v6 =	vmul.f32 $1.442695020e+00, v6;
	v7 =	vsub.f32 v10, v5;
	_ =	sdelay $0x1  }
0xf3: {  	v10 =	vpop (erf);
	(erf) = vpow2.f32 v6;
	v6 =	vmul.f32 $1.442695020e+00, v7;
	v7 =	vsub.f32 v12, v5  }
0xf4: {  	v8 =	vadd.f32 v14, v8;
	v12 =	vld [tilespmem:$0x2B0]  }
0xf5: {  	(erf) = vpow2.f32 v6;
	v6 =	vmul.f32 $1.442695020e+00, v7;
	v7 =	vsub.f32 v9, v5  }
0xf6: {  	v9 =	vld [tilespmem:$0x2C0]  }
0xf7: {  	v8 =	vadd.f32 v10, v8;
	v15 =	vpop (erf);
	(erf) = vpow2.f32 v6;
	v6 =	vmul.f32 $1.442695020e+00, v7;
	v7 =	vld [tilespmem:$0x2D0];
	_ =	sdelay $0x1  }
0xf8: {  	v8 =	vadd.f32 v15, v8;
	v16 =	vpop (erf);
	v12 =	vsub.f32 v12, v5;
	(erf) = vpow2.f32 v6;
	v6 =	vld [tilespmem:$0x2E0];
	_ =	sdelay $0x1  }
0xf9: {  	v18 =	vld [tilespmem:$0x2F0];
	v8 =	vadd.f32 v16, v8;
	v12 =	vmul.f32 $1.442695020e+00, v12;
	v9 =	vsub.f32 v9, v5  }
0xfa: {  	v17 =	vpop (erf);
	v7 =	vsub.f32 v7, v5  }
0xfb: {  	v8 =	vadd.f32 v17, v8;
	(erf) = vpow2.f32 v12;
	v9 =	vmul.f32 $1.442695020e+00, v9;
	v12 =	vld [tilespmem:$0x300]  }
0xfc: {  	v19 =	vpop (erf);
	v7 =	vmul.f32 $1.442695020e+00, v7;
	v6 =	vsub.f32 v6, v5  }
0xfd: {  	v8 =	vadd.f32 v19, v8;
	v20 =	vpop (erf);
	(erf) = vpow2.f32 v9;
	v9 =	vld [tilespmem:$0x310]  }
0xfe: {  	v21 =	vpop (erf);
	(erf) = vpow2.f32 v7;
	v6 =	vmul.f32 $1.442695020e+00, v6;
	v7 =	vsub.f32 v18, v5  }
0xff: {  	v8 =	vadd.f32 v20, v8  }
0x100: {  	v18 =	vpop (erf);
	(erf) = vpow2.f32 v6;
	v6 =	vmul.f32 $1.442695020e+00, v7;
	v7 =	vsub.f32 v12, v5  }
0x101: {  	v8 =	vadd.f32 v21, v8;
	v12 =	vld [tilespmem:$0x320]  }
0x102: {  	(erf) = vpow2.f32 v6;
	v6 =	vmul.f32 $1.442695020e+00, v7;
	v7 =	vsub.f32 v9, v5  }
0x103: {  	v9 =	vld [tilespmem:$0x330]  }
0x104: {  	v8 =	vadd.f32 v18, v8;
	v22 =	vpop (erf);
	(erf) = vpow2.f32 v6;
	v6 =	vmul.f32 $1.442695020e+00, v7;
	v7 =	vld [tilespmem:$0x340];
	_ =	sdelay $0x1  }
0x105: {  	v8 =	vadd.f32 v22, v8;
	v23 =	vpop (erf);
	v12 =	vsub.f32 v12, v5;
	(erf) = vpow2.f32 v6;
	v6 =	vld [tilespmem:$0x350];
	_ =	sdelay $0x1  }
0x106: {  	v25 =	vld [tilespmem:$0x360];
	v8 =	vadd.f32 v23, v8;
	v12 =	vmul.f32 $1.442695020e+00, v12;
	v9 =	vsub.f32 v9, v5  }
0x107: {  	v24 =	vpop (erf);
	v7 =	vsub.f32 v7, v5  }
0x108: {  	v8 =	vadd.f32 v24, v8;
	(erf) = vpow2.f32 v12;
	v9 =	vmul.f32 $1.442695020e+00, v9;
	v12 =	vld [tilespmem:$0x370]  }
0x109: {  	v26 =	vpop (erf);
	v7 =	vmul.f32 $1.442695020e+00, v7;
	v6 =	vsub.f32 v6, v5  }
0x10a: {  	v8 =	vadd.f32 v26, v8;
	v27 =	vpop (erf);
	(erf) = vpow2.f32 v9;
	v9 =	vld [tilespmem:$0x380]  }
0x10b: {  	v28 =	vpop (erf);
	(erf) = vpow2.f32 v7;
	v6 =	vmul.f32 $1.442695020e+00, v6;
	v7 =	vsub.f32 v25, v5  }
0x10c: {  	v8 =	vadd.f32 v27, v8  }
0x10d: {  	v57 =	vpop (erf);
	(erf) = vpow2.f32 v6;
	v6 =	vmul.f32 $1.442695020e+00, v7;
	v7 =	vsub.f32 v12, v5  }
0x10e: {  	v8 =	vadd.f32 v28, v8;
	v12 =	vld [tilespmem:$0x390]  }
0x10f: {  	(erf) = vpow2.f32 v6;
	v6 =	vmul.f32 $1.442695020e+00, v7;
	v7 =	vsub.f32 v9, v5  }
0x110: {  	[tilespmem:$0x600] =	vst v11;
	v9 =	vld [tilespmem:$0x3A0]  }
0x111: {  	[tilespmem:$0x610] =	vst v13;
	v8 =	vadd.f32 v57, v8;
	v11 =	vpop (erf);
	(erf) = vpow2.f32 v6;
	v6 =	vmul.f32 $1.442695020e+00, v7;
	v7 =	vld [tilespmem:$0x3B0]  }
0x112: {  	[tilespmem:$0x620] =	vst v14  }
0x113: {  	[tilespmem:$0x630] =	vst v10;
	v8 =	vadd.f32 v11, v8;
	v10 =	vpop (erf);
	v12 =	vsub.f32 v12, v5;
	(erf) = vpow2.f32 v6;
	v6 =	vld [tilespmem:$0x3C0]  }
0x114: {  	[tilespmem:$0x640] =	vst v15  }
0x115: {  	v14 =	vld [tilespmem:$0x3D0];
	[tilespmem:$0x650] =	vst v16;
	v8 =	vadd.f32 v10, v8;
	v12 =	vmul.f32 $1.442695020e+00, v12;
	v9 =	vsub.f32 v9, v5  }
0x116: {  	[tilespmem:$0x660] =	vst v17;
	v13 =	vpop (erf);
	v7 =	vsub.f32 v7, v5  }
0x117: {  	[tilespmem:$0x670] =	vst v19;
	v8 =	vadd.f32 v13, v8;
	(erf) = vpow2.f32 v12;
	v9 =	vmul.f32 $1.442695020e+00, v9;
	v12 =	vld [tilespmem:$0x3E0]  }
0x118: {  	[tilespmem:$0x680] =	vst v20;
	v15 =	vpop (erf);
	v7 =	vmul.f32 $1.442695020e+00, v7;
	v6 =	vsub.f32 v6, v5  }
0x119: {  	[tilespmem:$0x690] =	vst v21;
	v8 =	vadd.f32 v15, v8;
	v16 =	vpop (erf);
	(erf) = vpow2.f32 v9;
	v9 =	vld [tilespmem:$0x3F0]  }
0x11a: {  	[tilespmem:$0x6A0] =	vst v18;
	v17 =	vpop (erf);
	(erf) = vpow2.f32 v7;
	v6 =	vmul.f32 $1.442695020e+00, v6;
	v7 =	vsub.f32 v14, v5  }
0x11b: {  	[tilespmem:$0x6B0] =	vst v22;
	v8 =	vadd.f32 v16, v8  }
0x11c: {  	[tilespmem:$0x6C0] =	vst v23;
	v14 =	vpop (erf);
	(erf) = vpow2.f32 v6;
	v6 =	vmul.f32 $1.442695020e+00, v7;
	v7 =	vsub.f32 v12, v5  }
0x11d: {  	[tilespmem:$0x6D0] =	vst v24;
	v8 =	vadd.f32 v17, v8  }
0x11e: {  	[tilespmem:$0x6E0] =	vst v26;
	v5 =	vsub.f32 v9, v5;
	(erf) = vpow2.f32 v6;
	v6 =	vmul.f32 $1.442695020e+00, v7  }
0x11f: {  	[tilespmem:$0x6F0] =	vst v27;
	v8 =	vadd.f32 v14, v8  }
0x120: {  	[tilespmem:$0x700] =	vst v28;
	v5 =	vmul.f32 $1.442695020e+00, v5;
	v7 =	vpop (erf)  }
0x121: {  	[tilespmem:$0x710] =	vst v57;
	v8 =	vadd.f32 v7, v8  }
0x122: {  	[tilespmem:$0x720] =	vst v11;
	(erf) = vpow2.f32 v6;
	v6 =	vpop (erf)  }
0x123: {  	[tilespmem:$0x730] =	vst v10;
	v8 =	vadd.f32 v6, v8  }
0x124: {  	[tilespmem:$0x740] =	vst v13;
	(erf) = vpow2.f32 v5;
	v5 =	vpop (erf)  }
0x125: {  	[tilespmem:$0x750] =	vst v15;
	v8 =	vadd.f32 v5, v8  }
0x126: {  	[tilespmem:$0x760] =	vst v16;
	v9 =	vpop (erf)  }
0x127: {  	[tilespmem:$0x770] =	vst v17;
	v8 =	vadd.f32 v9, v8  }
0x128: {  	[tilespmem:$0x780] =	vst v14;
	v10 =	vpop (erf)  }
0x129: {  	[tilespmem:$0x7A0] =	vst v6;
	v6 =	vadd.f32 v10, v8  }
0x12a: {  	[tilespmem:$0x790] =	vst v7  }
0x12b: {  	[tilespmem:$0x7B0] =	vst v5;
	v7 =	vpop (erf)  }
0x12c: {  	[tilespmem:$0x7C0] =	vst v9;
	v5 =	vadd.f32 v7, v6  }
0x12d: {  	[tilespmem:$0x7D0] =	vst v10;
	v6 =	vpop (erf)  }
0x12e: {  	[tilespmem:$0x7E0] =	vst v7;
	v5 =	vadd.f32 v6, v5  }
0x12f: {  	[tilespmem:$0x7F0] =	vst v6  }
0x130: {  	[tilespmem:$0xC00] =	vst v5  }
0x131: {  	[spmem:s7] =	stream.linear.scatter [tilespmem:s31], [sflag:$0x2], $0x10, $0x38;
	[tilespmem:$0x1660] =	vst v63  }
0x132: {  	_ =	swait.ge [sflag:s26], $0x10  }
0x133: {  	[sflag:s26] =	ssyncset.done $0x0  }
0x134: {  	[sflag:s26] =	ssyncadd.s32 $0xFFFFFFF0  }
0x135: {  	[bflag:$0x0] =	sbarrier.arrive $0xFFFF  }
0x136: {  	[tilespmem:s17], [sflag:$0x2] =	stream.linear.gather [spmem:s8], $0x80, $0x38;
	[tilespmem:$0x1660] =	vst v63  }
0x137: {  	_ =	swait.ge [sflag:s26], $0x80  }
0x138: {  	[sflag:s26] =	ssyncset.done $0x0  }
0x139: {  	[sflag:s26] =	ssyncadd.s32 $0xFFFFFF80  }
0x13a: {  	v5 =	vld [tilespmem:$0xD00]  }
0x13b: {  	v6 =	vld [tilespmem:$0xD10];
	_ =	sdelay $0x1  }
0x13c: {  	v7 =	vld [tilespmem:$0xD20];
	_ =	sdelay $0x1  }
0x13d: {  	v8 =	vld [tilespmem:$0xD30]  }
0x13e: {  	v5 =	vadd.f32 v6, v5  }
0x13f: {  	v6 =	vld [tilespmem:$0xD40]  }
0x140: {  	v5 =	vadd.f32 v7, v5  }
0x141: {  	v7 =	vld [tilespmem:$0xD50]  }
0x142: {  	v5 =	vadd.f32 v8, v5  }
0x143: {  	v8 =	vld [tilespmem:$0xD60]  }
0x144: {  	v5 =	vadd.f32 v6, v5  }
0x145: {  	v6 =	vld [tilespmem:$0xD70]  }
0x146: {  	v5 =	vadd.f32 v7, v5;
	_ =	sdelay $0x1  }
0x147: {  	v5 =	vadd.f32 v8, v5;
	_ =	sdelay $0x1  }
0x148: {  	v5 =	vadd.f32 v6, v5;
	_ =	sdelay $0x1  }
0x149: {  	v6 =	vperm.xlane v5, v1;
	_ =	sdelay $0x1  }
0x14a: {  	v5 =	vadd.f32 v6, v5;
	_ =	sdelay $0x1  }
0x14b: {  	v6 =	vperm.xlane v5, v2;
	_ =	sdelay $0x1  }
0x14c: {  	v5 =	vadd.f32 v6, v5;
	_ =	sdelay $0x1  }
0x14d: {  	v6 =	vperm.xlane v5, v3;
	_ =	sdelay $0x1  }
0x14e: {  	v5 =	vadd.f32 v6, v5;
	_ =	sdelay $0x1  }
0x14f: {  	v6 =	vperm.xlane v5, v4;
	_ =	sdelay $0x1  }
0x150: {  	v5 =	vadd.f32 v6, v5;
	_ =	sdelay $0x1  }
0x151: {  	(erf) = vrcp.f32 v5;
	_ =	sdelay $0x3  }
0x152: {  	s18 =	simm.s32 $0x640  }
0x153: {  	v6 =	vld [tilespmem:s18+$0xFFFFFFC0]  }
0x154: {  	v9 =	vld [tilespmem:s18+$0xFFFFFFE0]  }
0x155: {  	s16 =	simm.s32 $0x40;
	v7 =	vld [tilespmem:s18+$0xFFFFFFD0]  }
0x156: {  	v10 =	vld [tilespmem:s16+$0xFFFFFFC0]  }
0x157: {  	v11 =	vld [tilespmem:s18+$0x0];
	v5 =	vpop (erf)  }
0x158: {  	v15 =	vld [tilespmem:s18+$0x20];
	v6 =	vmul.f32 v6, v5  }
0x159: {  	v18 =	vld [tilespmem:s18+$0x10]  }
0x15a: {  	s29 =	simm.s32 $0x440;
	v8 =	vld [tilespmem:s18+$0xFFFFFFF0];
	v7 =	vmul.f32 v7, v5;
	[tilespmem:s18+$0xFFFFFFC0] =	vst v6  }
0x15b: {  	v12 =	vld [tilespmem:s29+$0xFFFFFFC0]  }
0x15c: {  	v13 =	vmul.f32 v9, v5;
	v14 =	vld [tilespmem:s16+$0xFFFFFFD0];
	[tilespmem:s18+$0xFFFFFFD0] =	vst v7  }
0x15d: {  	v16 =	vld [tilespmem:s29+$0xFFFFFFD0]  }
0x15e: {  	v17 =	vld [tilespmem:s16+$0xFFFFFFE0];
	[tilespmem:s18+$0xFFFFFFE0] =	vst v13  }
0x15f: {  	v19 =	vld [tilespmem:s29+$0xFFFFFFE0]  }
0x160: {  	v21 =	vld [tilespmem:s18+$0x30];
	v8 =	vmul.f32 v8, v5  }
0x161: {  	s14 =	simm.s32 $0x6C0;
	v58 =	vimm.s32 $0x0;
	v20 =	vld [tilespmem:s16+$0xFFFFFFF0];
	v6 =	vmul.f32 v12, v6  }
0x162: {  	v23 =	vimm.f32 $+Inf;
	v22 =	vmul.f32 v11, v5;
	v11 =	vimm.f32 $-Inf;
	v9 =	vld [tilespmem:s14+$0xFFFFFFF0];
	[tilespmem:s18+$0xFFFFFFF0] =	vst v8  }
0x163: {  	v59 =	vld [tilespmem:s16+$0x0];
	v7 =	vmul.f32 v16, v7;
	v16 =	vmul.f32 v18, v5;
	vm0 =	vgt.f32 v6, v11  }
0x164: {  	v12 =	vld [tilespmem:s29+$0xFFFFFFF0];
	[tilespmem:s18+$0x0] =	vst v22;
	vm1 =	vle.f32 v6, v23;
	v19 =	vmul.f32 v19, v13;
	v11 =	vsel vm0, v6, v11  }
0x165: {  	v13 =	vld [tilespmem:s14+$0xFFFFFFE0];
	v18 =	vsel vm1, v6, v23;
	v60 =	vsel vm0, v10, v58;
	v24 =	vsel vm1, v10, v58  }
0x166: {  	v23 =	vld [tilespmem:s29+$0x0];
	v10 =	vmul.f32 v21, v5;
	vm8 =	vgt.f32 v7, v11;
	vm9 =	vle.f32 v7, v18  }
0x167: {  	v6 =	vld [tilespmem:s16+$0x10];
	[tilespmem:s18+$0x10] =	vst v16;
	v61 =	vsel vm8, v7, v11;
	v18 =	vsel vm9, v7, v18;
	v11 =	vmul.f32 v15, v5  }
0x168: {  	v62 =	vld [tilespmem:s29+$0x10];
	v15 =	vsel vm8, v14, v60;
	v14 =	vsel vm9, v14, v24;
	vm10 =	vgt.f32 v19, v61  }
0x169: {  	v8 =	vmul.f32 v12, v8;
	v7 =	vld [tilespmem:s16+$0x20];
	vm11 =	vle.f32 v19, v18;
	v21 =	vsel vm10, v19, v61  }
0x16a: {  	v12 =	vsel vm11, v19, v18;
	v19 =	vld [tilespmem:s14+$0xFFFFFFC0];
	v15 =	vsel vm10, v17, v15;
	v14 =	vsel vm11, v17, v14  }
0x16b: {  	[tilespmem:s18+$0x20] =	vst v11;
	vm12 =	vgt.f32 v8, v21;
	vm13 =	vle.f32 v8, v12;
	v23 =	vmul.f32 v23, v22;
	v22 =	vld [tilespmem:s14+$0xFFFFFFD0]  }
0x16c: {  	v18 =	vld [tilespmem:s29+$0x20];
	v17 =	vsel vm12, v8, v21;
	v12 =	vsel vm13, v8, v12;
	v63 =	vsel vm12, v20, v15  }
0x16d: {  	v8 =	vld [tilespmem:s16+$0x30];
	v20 =	vsel vm13, v20, v14;
	vm14 =	vgt.f32 v23, v17;
	vm15 =	vle.f32 v23, v12  }
0x16e: {  	v15 =	vld [tilespmem:s14+$0x0];
	[tilespmem:s18+$0x30] =	vst v10;
	v21 =	vsel vm14, v23, v17;
	v14 =	vsel vm14, v59, v63;
	v17 =	vmul.f32 v62, v16  }
0x16f: {  	s1 =	simm.s32 $0x8;
	s16 =	simm.s32 $0xC0;
	s18 =	simm.s32 $0x6C0;
	v16 =	vmul.f32 v19, v5;
	v19 =	vsel vm15, v23, v12;
	v12 =	vsel vm15, v59, v20;
	v20 =	vld [tilespmem:s29+$0x30]  }
.LBB3_2:
0x170: {  	s1 =	sadd.s32 $0x8, s1;
	v23 =	vld [tilespmem:s16+$0xFFFFFFC0];
	v22 =	vmul.f32 v22, v5;
	vm0 =	vgt.f32 v17, v21;
	vm1 =	vle.f32 v17, v19;
	s29 =	sadd.s32 $0x80, s29  }
0x171: {  	p1 =	slt.u32 s1, $0x18;
	[tilespmem:s14+$0xFFFFFFC0] =	vst v16;
	v24 =	vld [tilespmem:s14+$0x20];
	v21 =	vsel vm0, v17, v21;
	v14 =	vsel vm0, v6, v14;
	v11 =	vmul.f32 v18, v11  }
0x172: {  	v17 =	vsel vm1, v17, v19;
	v6 =	vsel vm1, v6, v12;
	v18 =	vld [tilespmem:s29+$0xFFFFFFC0]  }
0x173: {  	v13 =	vmul.f32 v13, v5;
	v12 =	vld [tilespmem:s16+$0xFFFFFFD0];
	vm0 =	vgt.f32 v11, v21;
	vm1 =	vle.f32 v11, v17  }
0x174: {  	[tilespmem:s14+$0xFFFFFFD0] =	vst v22;
	v19 =	vld [tilespmem:s14+$0x10];
	v21 =	vsel vm0, v11, v21;
	v14 =	vsel vm0, v7, v14;
	v10 =	vmul.f32 v20, v10  }
0x175: {  	v25 =	vmul.f32 v9, v5;
	v9 =	vsel vm1, v11, v17;
	v6 =	vsel vm1, v7, v6;
	v20 =	vld [tilespmem:s29+$0xFFFFFFD0]  }
0x176: {  	v15 =	vmul.f32 v15, v5;
	v7 =	vld [tilespmem:s16+$0xFFFFFFE0];
	vm0 =	vgt.f32 v10, v21;
	vm1 =	vle.f32 v10, v9  }
0x177: {  	v11 =	vmul.f32 v18, v16;
	[tilespmem:s14+$0xFFFFFFE0] =	vst v13;
	v16 =	vld [tilespmem:s14+$0x30];
	v17 =	vsel vm0, v10, v21;
	v6 =	vsel vm1, v8, v6  }
0x178: {  	v8 =	vsel vm0, v8, v14;
	v10 =	vsel vm1, v10, v9;
	v18 =	vld [tilespmem:s29+$0xFFFFFFE0]  }
0x179: {  	s14 =	sadd.s32 $0x80, s14;
	vm0 =	vgt.f32 v11, v17;
	vm1 =	vle.f32 v11, v10;
	v14 =	vld [tilespmem:s16+$0xFFFFFFF0];
	v19 =	vmul.f32 v19, v5  }
0x17a: {  	v9 =	vld [tilespmem:s14+$0xFFFFFFF0];
	v17 =	vsel vm0, v11, v17;
	v21 =	vsel vm1, v11, v10;
	v20 =	vmul.f32 v20, v22;
	[tilespmem:s18+$0xFFFFFFF0] =	vst v25  }
0x17b: {  	v8 =	vsel vm0, v23, v8;
	v6 =	vsel vm1, v23, v6;
	v11 =	vmul.f32 v24, v5;
	v22 =	vld [tilespmem:s29+$0xFFFFFFF0]  }
0x17c: {  	vm0 =	vgt.f32 v20, v17;
	vm1 =	vle.f32 v20, v21;
	v23 =	vld [tilespmem:s16+$0x0];
	v10 =	vmul.f32 v16, v5  }
0x17d: {  	v16 =	vld [tilespmem:s14+$0xFFFFFFC0];
	v17 =	vsel vm0, v20, v17;
	v20 =	vsel vm1, v20, v21;
	v18 =	vmul.f32 v18, v13;
	[tilespmem:s18+$0x0] =	vst v15  }
0x17e: {  	v8 =	vsel vm0, v12, v8;
	v12 =	vsel vm1, v12, v6;
	v21 =	vld [tilespmem:s29+$0x0]  }
0x17f: {  	vm0 =	vgt.f32 v18, v17;
	vm1 =	vle.f32 v18, v20;
	v6 =	vld [tilespmem:s16+$0x10]  }
0x180: {  	v13 =	vld [tilespmem:s14+$0xFFFFFFE0];
	v17 =	vsel vm0, v18, v17;
	v18 =	vsel vm1, v18, v20;
	v20 =	vmul.f32 v22, v25;
	[tilespmem:s18+$0x10] =	vst v19  }
0x181: {  	v8 =	vsel vm0, v7, v8;
	v12 =	vsel vm1, v7, v12;
	v24 =	vld [tilespmem:s29+$0x10]  }
0x182: {  	vm0 =	vgt.f32 v20, v17;
	vm1 =	vle.f32 v20, v18;
	v7 =	vld [tilespmem:s16+$0x20]  }
.Ltmp2:
0x183: {  	v22 =	vld [tilespmem:s14+$0xFFFFFFD0];
	v17 =	vsel vm0, v20, v17;
	v20 =	vsel vm1, v20, v18;
	v25 =	vmul.f32 v21, v15;
	[tilespmem:s18+$0x20] =	vst v11;
	(pc) =	sbr.rel @p1 .LBB3_2-.Ltmp2, $4  }
0x184: {  	v26 =	vsel vm0, v14, v8;
	v12 =	vsel vm1, v14, v12;
	v18 =	vld [tilespmem:s29+$0x20]  }
0x185: {  	vm0 =	vgt.f32 v25, v17;
	vm1 =	vle.f32 v25, v20;
	v8 =	vld [tilespmem:s16+$0x30]  }
0x186: {  	s16 =	sadd.s32 $0x80, s16;
	v15 =	vld [tilespmem:s14+$0x0];
	v21 =	vsel vm0, v25, v17;
	v14 =	vsel vm0, v23, v26;
	v17 =	vmul.f32 v24, v19;
	[tilespmem:s18+$0x30] =	vst v10;
	s18 =	smov.u32 s14  }
0x187: {  	v16 =	vmul.f32 v16, v5;
	v19 =	vsel vm1, v25, v20;
	v12 =	vsel vm1, v23, v12;
	v20 =	vld [tilespmem:s29+$0x30]  }
0x188: {  	v23 =	vld [tilespmem:s16+$0xFFFFFFC0]  }
0x189: {  	v26 =	vld [tilespmem:s14+$0x10]  }
0x18a: {  	v29 =	vld [tilespmem:s14+$0x20]  }
0x18b: {  	s1 =	sadd.s32 $0x80, s29;
	v22 =	vmul.f32 v22, v5;
	v32 =	vld [tilespmem:s14+$0x30];
	[tilespmem:s14+$0xFFFFFFC0] =	vst v16  }
0x18c: {  	v24 =	vld [tilespmem:s1+$0xFFFFFFC0]  }
0x18d: {  	v13 =	vmul.f32 v13, v5;
	vm2 =	vgt.f32 v17, v21;
	v11 =	vmul.f32 v18, v11;
	v25 =	vld [tilespmem:s16+$0xFFFFFFD0];
	[tilespmem:s14+$0xFFFFFFD0] =	vst v22  }
0x18e: {  	v21 =	vsel vm2, v17, v21;
	v27 =	vld [tilespmem:s1+$0xFFFFFFD0]  }
0x18f: {  	v9 =	vmul.f32 v9, v5;
	v28 =	vld [tilespmem:s16+$0xFFFFFFE0];
	[tilespmem:s14+$0xFFFFFFE0] =	vst v13;
	vm4 =	vgt.f32 v11, v21;
	v10 =	vmul.f32 v20, v10  }
0x190: {  	v30 =	vld [tilespmem:s1+$0xFFFFFFE0];
	v46 =	vsel vm4, v11, v21  }
0x191: {  	v15 =	vmul.f32 v15, v5;
	v31 =	vld [tilespmem:s16+$0xFFFFFFF0];
	[tilespmem:s18+$0xFFFFFFF0] =	vst v9;
	vm6 =	vgt.f32 v10, v46;
	v49 =	vmul.f32 v24, v16  }
0x192: {  	v45 =	vld [tilespmem:s1+$0xFFFFFFF0];
	v20 =	vsel vm6, v10, v46  }
0x193: {  	v33 =	vld [tilespmem:s16+$0x0];
	[tilespmem:s18+$0x0] =	vst v15;
	v47 =	vmul.f32 v26, v5;
	v22 =	vmul.f32 v27, v22;
	vm7 =	vgt.f32 v49, v20  }
0x194: {  	v48 =	vld [tilespmem:s1+$0x0];
	v20 =	vsel vm7, v49, v20  }
0x195: {  	v51 =	vmul.f32 v29, v5;
	v50 =	vld [tilespmem:s16+$0x10];
	[tilespmem:s18+$0x10] =	vst v47;
	v13 =	vmul.f32 v30, v13;
	vm8 =	vgt.f32 v22, v20  }
0x196: {  	vm0 =	vle.f32 v17, v19;
	v52 =	vld [tilespmem:s1+$0x10];
	v53 =	vsel vm8, v22, v20  }
0x197: {  	v5 =	vmul.f32 v32, v5;
	v34 =	vld [tilespmem:s16+$0x20];
	[tilespmem:s18+$0x20] =	vst v51;
	v9 =	vmul.f32 v45, v9;
	vm9 =	vgt.f32 v13, v53  }
0x198: {  	v17 =	vsel vm0, v17, v19;
	v54 =	vld [tilespmem:s1+$0x20];
	v56 =	vsel vm9, v13, v53  }
0x199: {  	vm1 =	vle.f32 v11, v17;
	v55 =	vld [tilespmem:s16+$0x30];
	[tilespmem:s18+$0x30] =	vst v5;
	v15 =	vmul.f32 v48, v15;
	vm10 =	vgt.f32 v9, v56  }
0x19a: {  	v14 =	vsel vm2, v6, v14;
	v11 =	vsel vm1, v11, v17;
	v57 =	vld [tilespmem:s1+$0x30];
	v58 =	vsel vm10, v9, v56  }
0x19b: {  	vm3 =	vle.f32 v10, v11;
	v59 =	vmul.f32 v52, v47;
	vm11 =	vgt.f32 v15, v58  }
0x19c: {  	v14 =	vsel vm4, v7, v14;
	v10 =	vsel vm3, v10, v11;
	v11 =	vsel vm11, v15, v58  }
0x19d: {  	vm5 =	vle.f32 v49, v10;
	v60 =	vmul.f32 v54, v51;
	vm12 =	vgt.f32 v59, v11  }
0x19e: {  	v14 =	vsel vm6, v8, v14;
	v10 =	vsel vm5, v49, v10;
	v11 =	vsel vm12, v59, v11  }
0x19f: {  	vm2 =	vle.f32 v22, v10;
	v5 =	vmul.f32 v57, v5;
	vm14 =	vgt.f32 v60, v11  }
0x1a0: {  	v14 =	vsel vm7, v23, v14;
	v10 =	vsel vm2, v22, v10;
	v11 =	vsel vm14, v60, v11  }
0x1a1: {  	v14 =	vsel vm8, v25, v14;
	vm4 =	vle.f32 v13, v10;
	vm15 =	vgt.f32 v5, v11  }
0x1a2: {  	v14 =	vsel vm9, v28, v14;
	v10 =	vsel vm4, v13, v10;
	v11 =	vsel vm15, v5, v11  }
0x1a3: {  	vm8 =	vle.f32 v9, v10;
	v61 =	vsel vm10, v31, v14;
	[tilespmem:$0xC00] =	vst v11  }
0x1a4: {  	v9 =	vsel vm8, v9, v10;
	v62 =	vsel vm11, v33, v61;
	[spmem:s9] =	stream.linear.scatter [tilespmem:s31], [sflag:$0x2], $0x10, $0x38;
	[tilespmem:$0x1660] =	vst v63  }
0x1a5: {  	v63 =	vsel vm12, v50, v62;
	vm12 =	vle.f32 v15, v9;
	_ =	swait.ge [sflag:s26], $0x10  }
0x1a6: {  	v9 =	vsel vm12, v15, v9;
	v10 =	vsel vm14, v34, v63;
	[sflag:s26] =	ssyncset.done $0x0  }
0x1a7: {  	v6 =	vsel vm0, v6, v12;
	vm13 =	vle.f32 v59, v9;
	v10 =	vsel vm15, v55, v10;
	[sflag:s26] =	ssyncadd.s32 $0xFFFFFFF0  }
0x1a8: {  	v6 =	vsel vm1, v7, v6;
	v7 =	vsel vm13, v59, v9;
	[tilespmem:$0xC80] =	vst v10  }
0x1a9: {  	v6 =	vsel vm3, v8, v6;
	vm14 =	vle.f32 v60, v7;
	[spmem:s10] =	stream.linear.scatter [tilespmem:s13], [sflag:$0x2], $0x10, $0x38;
	[tilespmem:$0x1660] =	vst v63  }
0x1aa: {  	v6 =	vsel vm5, v23, v6;
	v7 =	vsel vm14, v60, v7;
	_ =	swait.ge [sflag:s26], $0x10  }
0x1ab: {  	v6 =	vsel vm2, v25, v6;
	vm15 =	vle.f32 v5, v7;
	[sflag:s26] =	ssyncset.done $0x0  }
0x1ac: {  	v6 =	vsel vm4, v28, v6;
	v5 =	vsel vm15, v5, v7;
	[sflag:s26] =	ssyncadd.s32 $0xFFFFFFF0  }
0x1ad: {  	v6 =	vsel vm8, v31, v6;
	[tilespmem:$0xC00] =	vst v5  }
0x1ae: {  	v5 =	vsel vm12, v33, v6;
	[spmem:s11] =	stream.linear.scatter [tilespmem:s31], [sflag:$0x2], $0x10, $0x38;
	[tilespmem:$0x1660] =	vst v63  }
0x1af: {  	v5 =	vsel vm13, v50, v5;
	_ =	swait.ge [sflag:s26], $0x10  }
0x1b0: {  	v5 =	vsel vm14, v34, v5;
	[sflag:s26] =	ssyncset.done $0x0  }
0x1b1: {  	v5 =	vsel vm15, v55, v5;
	[sflag:s26] =	ssyncadd.s32 $0xFFFFFFF0  }
0x1b2: {  	[tilespmem:$0xC80] =	vst v5  }
0x1b3: {  	[spmem:s12] =	stream.linear.scatter [tilespmem:s13], [sflag:$0x2], $0x10, $0x38;
	[tilespmem:$0x1660] =	vst v63  }
0x1b4: {  	_ =	swait.ge [sflag:s26], $0x10  }
0x1b5: {  	[sflag:s26] =	ssyncset.done $0x0  }
0x1b6: {  	s29 =	simm.s32 $0x600;
	[sflag:s26] =	ssyncadd.s32 $0xFFFFFFF0  }
0x1b7: {  	[spmem:s0] =	stream.indirect.scatter.add.f32 [tilespmem:s29], [sflag:$0x2], $0x1, s2, s28, $0xb8;
	[tilespmem:$0x1660] =	vst v63  }
.Ltmp3:
0x1b8: {  	_ =	swait.ge [sflag:s26], $0x200;
	(pc) =	sbr.rel @p0 .LBB3_5-.Ltmp3, $3  }
0x1b9: {  	[sflag:s26] =	ssyncset.done $0x0  }
0x1ba: {  	[sflag:s26] =	ssyncadd.s32 $0xFFFFFE00  }
0x1bb: {  	[bflag:$0x0] =	sbarrier.arrive $0xFFFF;
	_ =	sdelay $0x1  }
0x1bc: {  	s1 =	rddreg [dreg:$0xe]  }
0x1bd: {  	[tilespmem:s17], [sflag:$0x2] =	stream.linear.gather [spmem:s1], $0x80, $0x38;
	[tilespmem:$0x1660] =	vst v63  }
0x1be: {  	_ =	swait.ge [sflag:s26], $0x80  }
0x1bf: {  	[sflag:s26] =	ssyncset.done $0x0  }
0x1c0: {  	s14 =	simm.s32 $0xD80;
	s29 =	rddreg [dreg:$0xf];
	[sflag:s26] =	ssyncadd.s32 $0xFFFFFF80  }
0x1c1: {  	[tilespmem:s14], [sflag:$0x2] =	stream.linear.gather [spmem:s29], $0x80, $0x38;
	[tilespmem:$0x1660] =	vst v63  }
0x1c2: {  	_ =	swait.ge [sflag:s26], $0x80  }
0x1c3: {  	[sflag:s26] =	ssyncset.done $0x0  }
0x1c4: {  	[sflag:s26] =	ssyncadd.s32 $0xFFFFFF80  }
0x1c5: {  	v5 =	vld [tilespmem:$0xD00]  }
0x1c6: {  	v6 =	vld [tilespmem:$0xD80]  }
0x1c7: {  	v7 =	vld [tilespmem:$0xD10]  }
0x1c8: {  	v8 =	vld [tilespmem:$0xD90]  }
0x1c9: {  	v9 =	vld [tilespmem:$0xD20]  }
0x1ca: {  	v10 =	vld [tilespmem:$0xDA0]  }
0x1cb: {  	v11 =	vld [tilespmem:$0xD30]  }
0x1cc: {  	v12 =	vld [tilespmem:$0xDB0]  }
0x1cd: {  	v13 =	vld [tilespmem:$0xD40]  }
0x1ce: {  	v14 =	vld [tilespmem:$0xDC0]  }
0x1cf: {  	v15 =	vld [tilespmem:$0xD50]  }
0x1d0: {  	v16 =	vld [tilespmem:$0xDD0]  }
0x1d1: {  	v17 =	vld [tilespmem:$0xD60]  }
0x1d2: {  	v18 =	vld [tilespmem:$0xDE0]  }
0x1d3: {  	s16 =	rddreg [dreg:$0x10];
	v19 =	vld [tilespmem:$0xD70]  }
0x1d4: {  	v20 =	vld [tilespmem:$0xDF0];
	[tilespmem:s17], [sflag:$0x2] =	stream.linear.gather [spmem:s16], $0x80, $0x38  }
0x1d5: {  	_ =	swait.ge [sflag:s26], $0x80  }
0x1d6: {  	[sflag:s26] =	ssyncset.done $0x0  }
0x1d7: {  	s18 =	rddreg [dreg:$0x11];
	[sflag:s26] =	ssyncadd.s32 $0xFFFFFF80  }
0x1d8: {  	[tilespmem:s14], [sflag:$0x2] =	stream.linear.gather [spmem:s18], $0x80, $0x38;
	[tilespmem:$0x1660] =	vst v63  }
0x1d9: {  	_ =	swait.ge [sflag:s26], $0x80  }
0x1da: {  	[sflag:s26] =	ssyncset.done $0x0  }
0x1db: {  	[sflag:s26] =	ssyncadd.s32 $0xFFFFFF80  }
0x1dc: {  	v21 =	vld [tilespmem:$0xD00]  }
0x1dd: {  	v22 =	vld [tilespmem:$0xD10];
	_ =	sdelay $0x1  }
0x1de: {  	v23 =	vld [tilespmem:$0xD20];
	_ =	sdelay $0x1  }
0x1df: {  	v24 =	vld [tilespmem:$0xD30]  }
0x1e0: {  	vm8 =	vgt.f32 v7, v5;
	vm0 =	vle.f32 v22, v21  }
0x1e1: {  	v5 =	vsel vm8, v7, v5;
	v44 =	vld [tilespmem:$0xD40];
	v7 =	vsel vm0, v22, v21  }
0x1e2: {  	vm9 =	vgt.f32 v9, v5;
	vm1 =	vle.f32 v23, v7  }
0x1e3: {  	v5 =	vsel vm9, v9, v5;
	v45 =	vld [tilespmem:$0xD50];
	v7 =	vsel vm1, v23, v7  }
0x1e4: {  	vm10 =	vgt.f32 v11, v5;
	vm2 =	vle.f32 v24, v7  }
0x1e5: {  	v46 =	vld [tilespmem:$0xD60];
	v5 =	vsel vm10, v11, v5;
	v7 =	vsel vm2, v24, v7  }
0x1e6: {  	vm11 =	vgt.f32 v13, v5;
	vm3 =	vle.f32 v44, v7  }
0x1e7: {  	v47 =	vld [tilespmem:$0xD70];
	v5 =	vsel vm11, v13, v5;
	v7 =	vsel vm3, v44, v7  }
0x1e8: {  	vm12 =	vgt.f32 v15, v5;
	vm4 =	vle.f32 v45, v7  }
0x1e9: {  	v5 =	vsel vm12, v15, v5;
	v7 =	vsel vm4, v45, v7  }
0x1ea: {  	vm13 =	vgt.f32 v17, v5;
	vm5 =	vle.f32 v46, v7  }
0x1eb: {  	v5 =	vsel vm13, v17, v5;
	v7 =	vsel vm5, v46, v7  }
0x1ec: {  	vm7 =	vgt.f32 v19, v5;
	vm6 =	vle.f32 v47, v7  }
0x1ed: {  	v5 =	vsel vm7, v19, v5;
	v7 =	vsel vm6, v47, v7  }
0x1ee: {  	v49 =	vld [tilespmem:$0xD80];
	v48 =	vperm.xlane v5, v1;
	v13 =	vperm.xlane v7, v1  }
0x1ef: {  	v6 =	vsel vm8, v8, v6;
	v50 =	vld [tilespmem:$0xD90]  }
0x1f0: {  	v6 =	vsel vm9, v10, v6;
	v51 =	vld [tilespmem:$0xDA0];
	v9 =	vmax.f32 v5, v48;
	v13 =	vmin.f32 v7, v13  }
0x1f1: {  	v53 =	vld [tilespmem:$0xDB0];
	v6 =	vsel vm10, v12, v6;
	v52 =	vperm.xlane v9, v2;
	v54 =	vperm.xlane v13, v2  }
0x1f2: {  	v55 =	vld [tilespmem:$0xDC0];
	v6 =	vsel vm11, v14, v6  }
0x1f3: {  	v56 =	vld [tilespmem:$0xDD0];
	v6 =	vsel vm12, v16, v6;
	v9 =	vmax.f32 v9, v52;
	v13 =	vmin.f32 v13, v54  }
0x1f4: {  	v58 =	vld [tilespmem:$0xDE0];
	v8 =	vsel vm0, v50, v49;
	v57 =	vperm.xlane v9, v3;
	v17 =	vperm.xlane v13, v3  }
0x1f5: {  	v59 =	vld [tilespmem:$0xDF0];
	v6 =	vsel vm13, v18, v6;
	v8 =	vsel vm1, v51, v8  }
0x1f6: {  	v8 =	vsel vm2, v53, v8;
	v9 =	vmax.f32 v9, v57;
	v60 =	vmin.f32 v13, v17  }
0x1f7: {  	v8 =	vsel vm3, v55, v8;
	v61 =	vperm.xlane v9, v4;
	v62 =	vperm.xlane v60, v4  }
0x1f8: {  	v6 =	vsel vm7, v20, v6;
	v8 =	vsel vm4, v56, v8  }
0x1f9: {  	v8 =	vsel vm5, v58, v8;
	v9 =	vmax.f32 v9, v61;
	v11 =	vmin.f32 v60, v62  }
0x1fa: {  	vm13 =	veq.f32 v5, v9;
	v5 =	vsel vm6, v59, v8;
	vm14 =	veq.f32 v7, v11  }
0x1fb: {  	v6 =	vnsel vm13, $0x0, v6;
	v5 =	vnsel vm14, $0x0, v5  }
0x1fc: {  	v7 =	vperm.xlane v6, v1;
	v63 =	vperm.xlane v5, v1;
	_ =	sdelay $0x1  }
0x1fd: {  	vm0 =	vgt.s32 v6, v7;
	vm1 =	vgt.s32 v5, v63  }
0x1fe: {  	v6 =	vsel vm0, v6, v7;
	v5 =	vsel vm1, v5, v63  }
0x1ff: {  	v7 =	vperm.xlane v6, v2;
	v8 =	vperm.xlane v5, v2;
	_ =	sdelay $0x1  }
0x200: {  	vm0 =	vgt.s32 v6, v7;
	vm1 =	vgt.s32 v5, v8  }
0x201: {  	v6 =	vsel vm0, v6, v7;
	v5 =	vsel vm1, v5, v8  }
0x202: {  	v7 =	vperm.xlane v6, v3;
	v8 =	vperm.xlane v5, v3;
	_ =	sdelay $0x1  }
0x203: {  	vm0 =	vgt.s32 v6, v7;
	vm1 =	vgt.s32 v5, v8  }
0x204: {  	v6 =	vsel vm0, v6, v7;
	v5 =	vsel vm1, v5, v8  }
0x205: {  	v7 =	vperm.xlane v6, v4;
	v8 =	vperm.xlane v5, v4;
	_ =	sdelay $0x1  }
0x206: {  	vm0 =	vgt.s32 v6, v7;
	vm1 =	vgt.s32 v5, v8  }
0x207: {  	vm15 =	vmmov $0x1;
	v6 =	vsel vm0, v6, v7;
	v5 =	vsel vm1, v5, v8  }
0x208: {  	v5 =	vsel vm15, v6, v5  }
.Ltmp4:
0x209: {  	s29 =	rddreg [dreg:$0x13];
	[tilespmem:$0xC80] =	vst v5;
	(pc) =	sbr.rel .LBB3_5-.Ltmp4, $4  }
0x20a: {  	[hbm4b:s29+s2] =	stream.linear.scatter [tilespmem:s13], [sflag:$0x2], $0x80, $0x38;
	[tilespmem:$0x1660] =	vst v63  }
0x20b: {  	_ =	swait.ge [sflag:s26], $0x80  }
0x20c: {  	[sflag:s26] =	ssyncset.done $0x0  }
0x20d: {  	[sflag:s26] =	ssyncadd.s32 $0xFFFFFF80  }
.LBB3_6:
0x20e: {  	_ =	sfence.sel $0x180000  }
0x20f: {  	[bflag:$0x0] =	sbarrier.arrive $0xFFFF  }
0x210: {  	_ =	strace $0x90000047  }
0x211: {  	s0 =	stileid.u32;
	[bflag:$0x2] =	sbarrier.arrive $0xFFFF  }
0x212: {  	p0 =	sne.s32 s0, $0x0;
	s0 =	rddreg [dreg:$0x12]  }
0x213: {  	s0 =	sadd.s32 @!p0 $0x100000, s0  }
0x214: {  	[sflag:s0] =	ssyncadd.tile.s32 @!p0 $0x1;
	_ =	shalt  }
.Lfunc_end3:
_tile_overlayer_lowered:
.L_overlay_start_3:
0x215: {  	(tag) =	ssettag $0x3  }
0x216: {  	s0 =	rddreg [dreg:$0x0];
	s2 =	stileid.u32  }
0x217: {  	s1 =	rddreg [dreg:$0x1];
	p0 =	sne.s32 s2, $0x0  }
0x218: {  	s3 =	rddreg [dreg:$0x2];
	[bflag:$0x3] =	sbarrier.arrive $0xFFFF;
	s2 =	simm.s32 @!p0 $0x1C02  }
0x219: {  	[timem:s3], [sflag:s2] =	dma.local @!p0 [hbm:s0], s1  }
0x21a: {  	s0 =	simm.s32 @!p0 $0x2  }
0x21b: {  	_ =	swait.ge @!p0 [sflag:s0], s1  }
0x21c: {  	s1 =	ssub.s32 @!p0 $0x0, s1;
	[sflag:s0] =	ssyncset.done @!p0 $0x0  }
0x21d: {  	[sflag:s0] =	ssyncadd.s32 @!p0 s1  }
0x21e: {  	[bflag:$0x3] =	sbarrier.arrive $0xFFFF  }
0x21f: {  	_ =	shalt  }

</sc_bundles>
